<compile_context>
chip_gen: v7x
topology: tpu7x:2x2x1
jax: 0.10.2.dev20260603
libtpu: 0.0.44.dev20260713+nightly
codegen_flags: <defaults>
</compile_context>

<pallas_src>
import functools

import jax
import jax.numpy as jnp
from jax import lax
from jax.experimental import pallas as pl
from jax.experimental.pallas import tpu as pltpu
from jax.experimental.pallas import tpu_sc as plsc

_VOCAB = 262144
_DIM = 128
_SEQ = 2048
_B = 32
_EPS = 1e-5

_NC = 2
_NS = 16
_NW = _NC * _NS

_CHUNK = 128


def _sc_gather(tok, idx2d, split, nsplit):
    n_rows = idx2d.shape[0] * _CHUNK // nsplit
    n_chunks = n_rows // _CHUNK
    chunks_per_w = n_chunks // _NW
    split_base = split * n_chunks
    depth = min(6, chunks_per_w)
    mesh = plsc.VectorSubcoreMesh(core_axis_name="c", subcore_axis_name="s")

    @functools.partial(
        pl.kernel,
        mesh=mesh,
        out_type=jax.ShapeDtypeStruct((n_rows, _DIM), jnp.float32),
        scratch_types=[
            pltpu.VMEM((chunks_per_w, _CHUNK), jnp.int32),
            pltpu.VMEM((depth, _CHUNK, _DIM), jnp.float32),
            pltpu.SemaphoreType.DMA((depth,)),
            pltpu.SemaphoreType.DMA((depth,)),
        ],
    )
    def k(table_hbm, idx_hbm, out_hbm, idx_v, rows_v, sem_g, sem_w):
        wid = lax.axis_index("s") * _NC + lax.axis_index("c")
        cbase = wid * chunks_per_w
        pltpu.sync_copy(
            idx_hbm.at[pl.ds(split_base + cbase, chunks_per_w)], idx_v
        )

        def start_gather(j):
            b = j % depth
            return pltpu.async_copy(
                table_hbm.at[idx_v.at[j]], rows_v.at[b], sem_g.at[b]
            )

        def start_write(j):
            b = j % depth
            return pltpu.async_copy(
                rows_v.at[b],
                out_hbm.at[pl.ds((cbase + j) * _CHUNK, _CHUNK)],
                sem_w.at[b],
            )

        gathers = {j: start_gather(j) for j in range(depth)}
        writes = {}
        for j in range(chunks_per_w):
            gathers[j].wait()
            writes[j] = start_write(j)
            if j + depth < chunks_per_w:
                writes[j].wait()
                gathers[j + depth] = start_gather(j + depth)
        for j in range(max(0, chunks_per_w - depth), chunks_per_w):
            writes[j].wait()

    return k(tok, idx2d)


def _ln_body_full(prev_ref, emb_ref, pos_ref, w_ref, b_ref, cm_ref, jm_ref, o_ref):
    del prev_ref
    _ln_compute(emb_ref, pos_ref, w_ref, b_ref, cm_ref, jm_ref, o_ref)


def _ln_body(emb_ref, pos_ref, w_ref, b_ref, cm_ref, jm_ref, o_ref):
    _ln_compute(emb_ref, pos_ref, w_ref, b_ref, cm_ref, jm_ref, o_ref)


def _ln_compute(emb_ref, pos_ref, w_ref, b_ref, cm_ref, jm_ref, o_ref):
    e = emb_ref[...] + pos_ref[...]
    dot = lambda a, b: lax.dot_general(
        a.astype(jnp.bfloat16),
        b,
        (((1,), (0,)), ((), ())),
        preferred_element_type=jnp.float32,
    )
    c = dot(e, cm_ref[...])
    v = dot(c * c, jm_ref[...])
    o_ref[...] = c * lax.rsqrt(v + _EPS) * w_ref[...] + b_ref[...]


def _tc_pos_ln_chunk(gathered_c, pos, ln_w, ln_b, prev, block_off, n_total):
    grid = gathered_c.shape[0] // _SEQ
    jm = jnp.full((_DIM, _DIM), 1.0 / _DIM, dtype=jnp.bfloat16)
    cm = (jnp.eye(_DIM, dtype=jnp.float32) - 1.0 / _DIM).astype(jnp.bfloat16)
    in_specs = [
        pl.BlockSpec((_SEQ, _DIM), lambda i: (i, 0)),
        pl.BlockSpec((_SEQ, _DIM), lambda i: (0, 0)),
        pl.BlockSpec((1, _DIM), lambda i: (0, 0)),
        pl.BlockSpec((1, _DIM), lambda i: (0, 0)),
        pl.BlockSpec((_DIM, _DIM), lambda i: (0, 0)),
        pl.BlockSpec((_DIM, _DIM), lambda i: (0, 0)),
    ]
    args = (gathered_c, pos, ln_w.reshape(1, _DIM), ln_b.reshape(1, _DIM),
            cm, jm)
    body = _ln_body
    aliases = {}
    if prev is not None:
        in_specs = [pl.BlockSpec(memory_space=pltpu.MemorySpace.HBM)] + in_specs
        args = (prev,) + args
        body = _ln_body_full
        aliases = {0: 0}
    return pl.pallas_call(
        body,
        grid=(grid,),
        in_specs=in_specs,
        out_specs=pl.BlockSpec((_SEQ, _DIM), lambda i: (i + block_off, 0)),
        out_shape=jax.ShapeDtypeStruct((n_total, _DIM), jnp.float32),
        input_output_aliases=aliases,
        compiler_params=pltpu.CompilerParams(
            dimension_semantics=("arbitrary",)
        ),
    )(*args)


_NSPLIT = 4


def kernel(x, tok, pos, ln_w, ln_b):
    b, seq = x.shape
    n_rows = b * seq
    rows_per_split = n_rows // _NSPLIT
    idx2d = x.reshape(n_rows // _CHUNK, _CHUNK)
    gathered = [
        _sc_gather(tok, idx2d, c, _NSPLIT) for c in range(_NSPLIT)
    ]
    blocks_per_split = rows_per_split // _SEQ
    out = None
    for c in range(_NSPLIT):
        out = _tc_pos_ln_chunk(
            gathered[c], pos, ln_w, ln_b, out, c * blocks_per_split, n_rows
        )
    return out.reshape(b, seq, _DIM)

# --- scband reference (transcript-rebuilt; emitter-appended) ---
"""Pipeline reference for scband-token-embedding-46608985096871 (READ-ONLY COPY).

The authoritative reference and input builder live on the scoring server;
editing this copy changes nothing except your own understanding.
"""

import jax, jax.numpy as jnp
import numpy as np

VOCAB = 262144
DIM = 128
SEQ = 2048
B = 32
PAD = 0
EPS = 1e-5


def setup_inputs(seed: int = 0) -> dict:
    key = jax.random.key(seed)
    k1, k2, k3 = jax.random.split(key, 3)
    x = jax.random.randint(k1, (B, SEQ), 0, VOCAB, dtype=jnp.int32)
    tok = jax.random.normal(k2, (VOCAB, DIM), dtype=jnp.float32) * 0.02
    tok = tok.at[PAD].set(0.0)  # padding_idx row zeroed, as nn.Embedding does
    pos = jax.random.normal(k3, (SEQ, DIM), dtype=jnp.float32) * 0.02
    ln_w = jnp.ones((DIM,), dtype=jnp.float32)
    ln_b = jnp.zeros((DIM,), dtype=jnp.float32)
    return {"x": x, "tok": tok, "pos": pos, "ln_w": ln_w, "ln_b": ln_b}


def reference(x, tok, pos, ln_w, ln_b):
    # tok(x): embedding gather
    emb = jnp.take(tok, x, axis=0)  # [B, T, D]
    T = x.shape[1]
    pos_ids = jnp.arange(T)  # broadcast over batch
    emb = emb + jnp.take(pos, pos_ids, axis=0)[None, :, :]
    # LayerNorm over last dim (torch uses biased variance)
    mean = jnp.mean(emb, axis=-1, keepdims=True)
    var = jnp.mean(jnp.square(emb - mean), axis=-1, keepdims=True)
    h = (emb - mean) / jnp.sqrt(var + EPS)
    return h * ln_w + ln_b

if __name__ == "__main__":
    import jax
    _d = setup_inputs()
    print(jax.jit(kernel)(*tuple(_d.values())))

</pallas_src>

<mosaic_0001>
#map = affine_map<(d0, d1) -> (0, 0)>
module attributes {stable_mosaic.version = 14 : i64} {
  func.func @k(%arg0: i32, %arg1: i32, %arg2: memref<262144x128xf32, #tpu.memory_space<hbm>>, %arg3: memref<512x128xi32, #tpu.memory_space<hbm>>, %arg4: memref<16384x128xf32, #tpu.memory_space<hbm>>, %arg5: memref<4x128xi32, #tpu.memory_space<vmem>>, %arg6: memref<4x128x128xf32, #tpu.memory_space<vmem>>, %arg7: memref<4x!tpu.dma_semaphore, #tpu.memory_space<semaphore_mem>>, %arg8: memref<4x!tpu.dma_semaphore, #tpu.memory_space<semaphore_mem>>) attributes {dimension_semantics = [#tpu.dimension_semantics<core_parallel>, #tpu.dimension_semantics<subcore_parallel>], iteration_bounds = array<i64: 2, 16>, scalar_prefetch = 0 : i64, scratch_operands = 4 : i64, tpu.core_type = #tpu.core_type<sc_vector_subcore>, window_params = [{transform_indices = #map}, {transform_indices = #map}, {transform_indices = #map}]} {
    %mul3A = arith.constant 2 : i32
    %mul3A_0 = arith.muli %arg1, %mul3A : i32
    %add3A = arith.addi %mul3A_0, %arg0 : i32
    %mul3A_1 = arith.constant 4 : i32
    %mul3A_2 = arith.muli %add3A, %mul3A_1 : i32
    %add3A_3 = arith.constant 256 : i32
    %add3A_4 = arith.addi %add3A_3, %mul3A_2 : i32
    "tpu.region"() ({
      %run_scoped3A = tpu.sem_alloc : memref<!tpu.dma_semaphore, #tpu.memory_space<semaphore_mem>>
      %dma_start3A_267 = arith.constant 0 : i32
      %dma_start3A_268 = tpu.memref_slice %arg3[%add3A_4, %dma_start3A_267] : memref<512x128xi32, #tpu.memory_space<hbm>> -> memref<4x128xi32, #tpu.memory_space<hbm>>
      %dma_start3A_269 = arith.constant 0 : i32
      %dma_start3A_270 = tpu.memref_slice %arg3[%add3A_4, %dma_start3A_269] : memref<512x128xi32, #tpu.memory_space<hbm>> -> memref<4x128xi32, #tpu.memory_space<hbm>>
      tpu.enqueue_dma source(%dma_start3A_270 : memref<4x128xi32, #tpu.memory_space<hbm>>) target(%arg5 : memref<4x128xi32, #tpu.memory_space<vmem>>) target_semaphore(%run_scoped3A : memref<!tpu.dma_semaphore, #tpu.memory_space<semaphore_mem>>)
      %dma_wait3A_271 = arith.constant 0 : i32
      %dma_wait3A_272 = tpu.memref_slice %arg3[%add3A_4, %dma_wait3A_271] : memref<512x128xi32, #tpu.memory_space<hbm>> -> memref<4x128xi32, #tpu.memory_space<hbm>>
      %dma_wait3A_273 = arith.constant 0 : i32
      %dma_wait3A_274 = tpu.memref_slice %arg3[%add3A_4, %dma_wait3A_273] : memref<512x128xi32, #tpu.memory_space<hbm>> -> memref<4x128xi32, #tpu.memory_space<hbm>>
      tpu.wait_dma2 semaphore(%run_scoped3A : memref<!tpu.dma_semaphore, #tpu.memory_space<semaphore_mem>>) src(%dma_wait3A_274 : memref<4x128xi32, #tpu.memory_space<hbm>>) dst(%arg5 : memref<4x128xi32, #tpu.memory_space<vmem>>)
      tpu.yield
    }) : () -> ()
    %dma_start3A = arith.constant 0 : i32
    %dma_start3A_5 = arith.constant 0 : i32
    %dma_start3A_6 = arith.constant 0 : i32
    %dma_start3A_7 = arith.constant 0 : i32
    %dma_start3A_8 = arith.constant 0 : i32
    %dma_start3A_9 = tpu.memref_slice %arg6[%dma_start3A_5, %dma_start3A_7, %dma_start3A_8] : memref<4x128x128xf32, #tpu.memory_space<vmem>> -> memref<1x128x128xf32, #tpu.memory_space<vmem>>
    %dma_start3A_10 = tpu.memref_squeeze %dma_start3A_9 : memref<1x128x128xf32, #tpu.memory_space<vmem>> -> memref<128x128xf32, #tpu.memory_space<vmem>>
    %dma_start3A_11 = arith.constant 0 : i32
    %dma_start3A_12 = tpu.memref_slice %arg5[%dma_start3A, %dma_start3A_11] : memref<4x128xi32, #tpu.memory_space<vmem>> -> memref<1x128xi32, #tpu.memory_space<vmem>>
    %dma_start3A_13 = tpu.memref_squeeze %dma_start3A_12 : memref<1x128xi32, #tpu.memory_space<vmem>> -> memref<128xi32, #tpu.memory_space<vmem>>
    %dma_start3A_14 = arith.constant 0 : i32
    %dma_start3A_15 = arith.constant 0 : i32
    %dma_start3A_16 = tpu.memref_slice %arg2[%dma_start3A_14, %dma_start3A_15] : memref<262144x128xf32, #tpu.memory_space<hbm>> -> memref<262144x128xf32, #tpu.memory_space<hbm>>
    %dma_start3A_17 = tpu.memref_slice %arg7[%dma_start3A_6] : memref<4x!tpu.dma_semaphore, #tpu.memory_space<semaphore_mem>> -> memref<1x!tpu.dma_semaphore, #tpu.memory_space<semaphore_mem>>
    %dma_start3A_18 = tpu.memref_squeeze %dma_start3A_17 : memref<1x!tpu.dma_semaphore, #tpu.memory_space<semaphore_mem>> -> memref<!tpu.dma_semaphore, #tpu.memory_space<semaphore_mem>>
    tpu.enqueue_indirect_dma source(%dma_start3A_16 : memref<262144x128xf32, #tpu.memory_space<hbm>>) target(%dma_start3A_10 : memref<128x128xf32, #tpu.memory_space<vmem>>) offsets(%dma_start3A_13 : memref<128xi32, #tpu.memory_space<vmem>>) semaphore(%dma_start3A_18 : memref<!tpu.dma_semaphore, #tpu.memory_space<semaphore_mem>>)
    %dma_start3A_19 = arith.constant 1 : i32
    %dma_start3A_20 = arith.constant 1 : i32
    %dma_start3A_21 = arith.constant 1 : i32
    %dma_start3A_22 = arith.constant 0 : i32
    %dma_start3A_23 = arith.constant 0 : i32
    %dma_start3A_24 = tpu.memref_slice %arg6[%dma_start3A_20, %dma_start3A_22, %dma_start3A_23] : memref<4x128x128xf32, #tpu.memory_space<vmem>> -> memref<1x128x128xf32, #tpu.memory_space<vmem>>
    %dma_start3A_25 = tpu.memref_squeeze %dma_start3A_24 : memref<1x128x128xf32, #tpu.memory_space<vmem>> -> memref<128x128xf32, #tpu.memory_space<vmem>>
    %dma_start3A_26 = arith.constant 0 : i32
    %dma_start3A_27 = tpu.memref_slice %arg5[%dma_start3A_19, %dma_start3A_26] : memref<4x128xi32, #tpu.memory_space<vmem>> -> memref<1x128xi32, #tpu.memory_space<vmem>>
    %dma_start3A_28 = tpu.memref_squeeze %dma_start3A_27 : memref<1x128xi32, #tpu.memory_space<vmem>> -> memref<128xi32, #tpu.memory_space<vmem>>
    %dma_start3A_29 = arith.constant 0 : i32
    %dma_start3A_30 = arith.constant 0 : i32
    %dma_start3A_31 = tpu.memref_slice %arg2[%dma_start3A_29, %dma_start3A_30] : memref<262144x128xf32, #tpu.memory_space<hbm>> -> memref<262144x128xf32, #tpu.memory_space<hbm>>
    %dma_start3A_32 = tpu.memref_slice %arg7[%dma_start3A_21] : memref<4x!tpu.dma_semaphore, #tpu.memory_space<semaphore_mem>> -> memref<1x!tpu.dma_semaphore, #tpu.memory_space<semaphore_mem>>
    %dma_start3A_33 = tpu.memref_squeeze %dma_start3A_32 : memref<1x!tpu.dma_semaphore, #tpu.memory_space<semaphore_mem>> -> memref<!tpu.dma_semaphore, #tpu.memory_space<semaphore_mem>>
    tpu.enqueue_indirect_dma source(%dma_start3A_31 : memref<262144x128xf32, #tpu.memory_space<hbm>>) target(%dma_start3A_25 : memref<128x128xf32, #tpu.memory_space<vmem>>) offsets(%dma_start3A_28 : memref<128xi32, #tpu.memory_space<vmem>>) semaphore(%dma_start3A_33 : memref<!tpu.dma_semaphore, #tpu.memory_space<semaphore_mem>>)
    %dma_start3A_34 = arith.constant 2 : i32
    %dma_start3A_35 = arith.constant 2 : i32
    %dma_start3A_36 = arith.constant 2 : i32
    %dma_start3A_37 = arith.constant 0 : i32
    %dma_start3A_38 = arith.constant 0 : i32
    %dma_start3A_39 = tpu.memref_slice %arg6[%dma_start3A_35, %dma_start3A_37, %dma_start3A_38] : memref<4x128x128xf32, #tpu.memory_space<vmem>> -> memref<1x128x128xf32, #tpu.memory_space<vmem>>
    %dma_start3A_40 = tpu.memref_squeeze %dma_start3A_39 : memref<1x128x128xf32, #tpu.memory_space<vmem>> -> memref<128x128xf32, #tpu.memory_space<vmem>>
    %dma_start3A_41 = arith.constant 0 : i32
    %dma_start3A_42 = tpu.memref_slice %arg5[%dma_start3A_34, %dma_start3A_41] : memref<4x128xi32, #tpu.memory_space<vmem>> -> memref<1x128xi32, #tpu.memory_space<vmem>>
    %dma_start3A_43 = tpu.memref_squeeze %dma_start3A_42 : memref<1x128xi32, #tpu.memory_space<vmem>> -> memref<128xi32, #tpu.memory_space<vmem>>
    %dma_start3A_44 = arith.constant 0 : i32
    %dma_start3A_45 = arith.constant 0 : i32
    %dma_start3A_46 = tpu.memref_slice %arg2[%dma_start3A_44, %dma_start3A_45] : memref<262144x128xf32, #tpu.memory_space<hbm>> -> memref<262144x128xf32, #tpu.memory_space<hbm>>
    %dma_start3A_47 = tpu.memref_slice %arg7[%dma_start3A_36] : memref<4x!tpu.dma_semaphore, #tpu.memory_space<semaphore_mem>> -> memref<1x!tpu.dma_semaphore, #tpu.memory_space<semaphore_mem>>
    %dma_start3A_48 = tpu.memref_squeeze %dma_start3A_47 : memref<1x!tpu.dma_semaphore, #tpu.memory_space<semaphore_mem>> -> memref<!tpu.dma_semaphore, #tpu.memory_space<semaphore_mem>>
    tpu.enqueue_indirect_dma source(%dma_start3A_46 : memref<262144x128xf32, #tpu.memory_space<hbm>>) target(%dma_start3A_40 : memref<128x128xf32, #tpu.memory_space<vmem>>) offsets(%dma_start3A_43 : memref<128xi32, #tpu.memory_space<vmem>>) semaphore(%dma_start3A_48 : memref<!tpu.dma_semaphore, #tpu.memory_space<semaphore_mem>>)
    %dma_start3A_49 = arith.constant 3 : i32
    %dma_start3A_50 = arith.constant 3 : i32
    %dma_start3A_51 = arith.constant 3 : i32
    %dma_start3A_52 = arith.constant 0 : i32
    %dma_start3A_53 = arith.constant 0 : i32
    %dma_start3A_54 = tpu.memref_slice %arg6[%dma_start3A_50, %dma_start3A_52, %dma_start3A_53] : memref<4x128x128xf32, #tpu.memory_space<vmem>> -> memref<1x128x128xf32, #tpu.memory_space<vmem>>
    %dma_start3A_55 = tpu.memref_squeeze %dma_start3A_54 : memref<1x128x128xf32, #tpu.memory_space<vmem>> -> memref<128x128xf32, #tpu.memory_space<vmem>>
    %dma_start3A_56 = arith.constant 0 : i32
    %dma_start3A_57 = tpu.memref_slice %arg5[%dma_start3A_49, %dma_start3A_56] : memref<4x128xi32, #tpu.memory_space<vmem>> -> memref<1x128xi32, #tpu.memory_space<vmem>>
    %dma_start3A_58 = tpu.memref_squeeze %dma_start3A_57 : memref<1x128xi32, #tpu.memory_space<vmem>> -> memref<128xi32, #tpu.memory_space<vmem>>
    %dma_start3A_59 = arith.constant 0 : i32
    %dma_start3A_60 = arith.constant 0 : i32
    %dma_start3A_61 = tpu.memref_slice %arg2[%dma_start3A_59, %dma_start3A_60] : memref<262144x128xf32, #tpu.memory_space<hbm>> -> memref<262144x128xf32, #tpu.memory_space<hbm>>
    %dma_start3A_62 = tpu.memref_slice %arg7[%dma_start3A_51] : memref<4x!tpu.dma_semaphore, #tpu.memory_space<semaphore_mem>> -> memref<1x!tpu.dma_semaphore, #tpu.memory_space<semaphore_mem>>
    %dma_start3A_63 = tpu.memref_squeeze %dma_start3A_62 : memref<1x!tpu.dma_semaphore, #tpu.memory_space<semaphore_mem>> -> memref<!tpu.dma_semaphore, #tpu.memory_space<semaphore_mem>>
    tpu.enqueue_indirect_dma source(%dma_start3A_61 : memref<262144x128xf32, #tpu.memory_space<hbm>>) target(%dma_start3A_55 : memref<128x128xf32, #tpu.memory_space<vmem>>) offsets(%dma_start3A_58 : memref<128xi32, #tpu.memory_space<vmem>>) semaphore(%dma_start3A_63 : memref<!tpu.dma_semaphore, #tpu.memory_space<semaphore_mem>>)
    %dma_wait3A = arith.constant 0 : i32
    %dma_wait3A_64 = arith.constant 0 : i32
    %dma_wait3A_65 = arith.constant 0 : i32
    %dma_wait3A_66 = arith.constant 0 : i32
    %dma_wait3A_67 = arith.constant 0 : i32
    %dma_wait3A_68 = tpu.memref_slice %arg6[%dma_wait3A_64, %dma_wait3A_66, %dma_wait3A_67] : memref<4x128x128xf32, #tpu.memory_space<vmem>> -> memref<1x128x128xf32, #tpu.memory_space<vmem>>
    %dma_wait3A_69 = tpu.memref_squeeze %dma_wait3A_68 : memref<1x128x128xf32, #tpu.memory_space<vmem>> -> memref<128x128xf32, #tpu.memory_space<vmem>>
    %dma_wait3A_70 = arith.constant 0 : i32
    %dma_wait3A_71 = tpu.memref_slice %arg5[%dma_wait3A, %dma_wait3A_70] : memref<4x128xi32, #tpu.memory_space<vmem>> -> memref<1x128xi32, #tpu.memory_space<vmem>>
    %dma_wait3A_72 = tpu.memref_squeeze %dma_wait3A_71 : memref<1x128xi32, #tpu.memory_space<vmem>> -> memref<128xi32, #tpu.memory_space<vmem>>
    %dma_wait3A_73 = arith.constant 0 : i32
    %dma_wait3A_74 = arith.constant 0 : i32
    %dma_wait3A_75 = tpu.memref_slice %arg2[%dma_wait3A_73, %dma_wait3A_74] : memref<262144x128xf32, #tpu.memory_space<hbm>> -> memref<262144x128xf32, #tpu.memory_space<hbm>>
    %dma_wait3A_76 = tpu.memref_slice %arg7[%dma_wait3A_65] : memref<4x!tpu.dma_semaphore, #tpu.memory_space<semaphore_mem>> -> memref<1x!tpu.dma_semaphore, #tpu.memory_space<semaphore_mem>>
    %dma_wait3A_77 = tpu.memref_squeeze %dma_wait3A_76 : memref<1x!tpu.dma_semaphore, #tpu.memory_space<semaphore_mem>> -> memref<!tpu.dma_semaphore, #tpu.memory_space<semaphore_mem>>
    tpu.wait_indirect_dma semaphore(%dma_wait3A_77 : memref<!tpu.dma_semaphore, #tpu.memory_space<semaphore_mem>>) src(%dma_wait3A_75 : memref<262144x128xf32, #tpu.memory_space<hbm>>) dst(%dma_wait3A_69 : memref<128x128xf32, #tpu.memory_space<vmem>>)
    %add3A_78 = arith.constant 0 : i32
    %add3A_79 = arith.addi %mul3A_2, %add3A_78 : i32
    %mul3A_80 = arith.constant 128 : i32
    %mul3A_81 = arith.muli %add3A_79, %mul3A_80 : i32
    %dma_start3A_82 = arith.constant 0 : i32
    %dma_start3A_83 = arith.constant 0 : i32
    %dma_start3A_84 = arith.constant 0 : i32
    %dma_start3A_85 = arith.constant 0 : i32
    %dma_start3A_86 = tpu.memref_slice %arg6[%dma_start3A_82, %dma_start3A_84, %dma_start3A_85] : memref<4x128x128xf32, #tpu.memory_space<vmem>> -> memref<1x128x128xf32, #tpu.memory_space<vmem>>
    %dma_start3A_87 = tpu.memref_squeeze %dma_start3A_86 : memref<1x128x128xf32, #tpu.memory_space<vmem>> -> memref<128x128xf32, #tpu.memory_space<vmem>>
    %dma_start3A_88 = arith.constant 0 : i32
    %dma_start3A_89 = tpu.memref_slice %arg4[%mul3A_81, %dma_start3A_88] : memref<16384x128xf32, #tpu.memory_space<hbm>> -> memref<128x128xf32, #tpu.memory_space<hbm>>
    %dma_start3A_90 = tpu.memref_slice %arg8[%dma_start3A_83] : memref<4x!tpu.dma_semaphore, #tpu.memory_space<semaphore_mem>> -> memref<1x!tpu.dma_semaphore, #tpu.memory_space<semaphore_mem>>
    %dma_start3A_91 = tpu.memref_squeeze %dma_start3A_90 : memref<1x!tpu.dma_semaphore, #tpu.memory_space<semaphore_mem>> -> memref<!tpu.dma_semaphore, #tpu.memory_space<semaphore_mem>>
    %dma_start3A_92 = arith.constant 0 : i32
    %dma_start3A_93 = tpu.memref_slice %arg4[%mul3A_81, %dma_start3A_92] : memref<16384x128xf32, #tpu.memory_space<hbm>> -> memref<128x128xf32, #tpu.memory_space<hbm>>
    %dma_start3A_94 = arith.constant 0 : i32
    %dma_start3A_95 = arith.constant 0 : i32
    %dma_start3A_96 = tpu.memref_slice %arg6[%dma_start3A_82, %dma_start3A_94, %dma_start3A_95] : memref<4x128x128xf32, #tpu.memory_space<vmem>> -> memref<1x128x128xf32, #tpu.memory_space<vmem>>
    %dma_start3A_97 = tpu.memref_squeeze %dma_start3A_96 : memref<1x128x128xf32, #tpu.memory_space<vmem>> -> memref<128x128xf32, #tpu.memory_space<vmem>>
    tpu.enqueue_dma source(%dma_start3A_97 : memref<128x128xf32, #tpu.memory_space<vmem>>) target(%dma_start3A_93 : memref<128x128xf32, #tpu.memory_space<hbm>>) target_semaphore(%dma_start3A_91 : memref<!tpu.dma_semaphore, #tpu.memory_space<semaphore_mem>>)
    %dma_wait3A_98 = arith.constant 1 : i32
    %dma_wait3A_99 = arith.constant 1 : i32
    %dma_wait3A_100 = arith.constant 1 : i32
    %dma_wait3A_101 = arith.constant 0 : i32
    %dma_wait3A_102 = arith.constant 0 : i32
    %dma_wait3A_103 = tpu.memref_slice %arg6[%dma_wait3A_99, %dma_wait3A_101, %dma_wait3A_102] : memref<4x128x128xf32, #tpu.memory_space<vmem>> -> memref<1x128x128xf32, #tpu.memory_space<vmem>>
    %dma_wait3A_104 = tpu.memref_squeeze %dma_wait3A_103 : memref<1x128x128xf32, #tpu.memory_space<vmem>> -> memref<128x128xf32, #tpu.memory_space<vmem>>
    %dma_wait3A_105 = arith.constant 0 : i32
    %dma_wait3A_106 = tpu.memref_slice %arg5[%dma_wait3A_98, %dma_wait3A_105] : memref<4x128xi32, #tpu.memory_space<vmem>> -> memref<1x128xi32, #tpu.memory_space<vmem>>
    %dma_wait3A_107 = tpu.memref_squeeze %dma_wait3A_106 : memref<1x128xi32, #tpu.memory_space<vmem>> -> memref<128xi32, #tpu.memory_space<vmem>>
    %dma_wait3A_108 = arith.constant 0 : i32
    %dma_wait3A_109 = arith.constant 0 : i32
    %dma_wait3A_110 = tpu.memref_slice %arg2[%dma_wait3A_108, %dma_wait3A_109] : memref<262144x128xf32, #tpu.memory_space<hbm>> -> memref<262144x128xf32, #tpu.memory_space<hbm>>
    %dma_wait3A_111 = tpu.memref_slice %arg7[%dma_wait3A_100] : memref<4x!tpu.dma_semaphore, #tpu.memory_space<semaphore_mem>> -> memref<1x!tpu.dma_semaphore, #tpu.memory_space<semaphore_mem>>
    %dma_wait3A_112 = tpu.memref_squeeze %dma_wait3A_111 : memref<1x!tpu.dma_semaphore, #tpu.memory_space<semaphore_mem>> -> memref<!tpu.dma_semaphore, #tpu.memory_space<semaphore_mem>>
    tpu.wait_indirect_dma semaphore(%dma_wait3A_112 : memref<!tpu.dma_semaphore, #tpu.memory_space<semaphore_mem>>) src(%dma_wait3A_110 : memref<262144x128xf32, #tpu.memory_space<hbm>>) dst(%dma_wait3A_104 : memref<128x128xf32, #tpu.memory_space<vmem>>)
    %add3A_113 = arith.constant 1 : i32
    %add3A_114 = arith.addi %mul3A_2, %add3A_113 : i32
    %mul3A_115 = arith.constant 128 : i32
    %mul3A_116 = arith.muli %add3A_114, %mul3A_115 : i32
    %dma_start3A_117 = arith.constant 1 : i32
    %dma_start3A_118 = arith.constant 1 : i32
    %dma_start3A_119 = arith.constant 0 : i32
    %dma_start3A_120 = arith.constant 0 : i32
    %dma_start3A_121 = tpu.memref_slice %arg6[%dma_start3A_117, %dma_start3A_119, %dma_start3A_120] : memref<4x128x128xf32, #tpu.memory_space<vmem>> -> memref<1x128x128xf32, #tpu.memory_space<vmem>>
    %dma_start3A_122 = tpu.memref_squeeze %dma_start3A_121 : memref<1x128x128xf32, #tpu.memory_space<vmem>> -> memref<128x128xf32, #tpu.memory_space<vmem>>
    %dma_start3A_123 = arith.constant 0 : i32
    %dma_start3A_124 = tpu.memref_slice %arg4[%mul3A_116, %dma_start3A_123] : memref<16384x128xf32, #tpu.memory_space<hbm>> -> memref<128x128xf32, #tpu.memory_space<hbm>>
    %dma_start3A_125 = tpu.memref_slice %arg8[%dma_start3A_118] : memref<4x!tpu.dma_semaphore, #tpu.memory_space<semaphore_mem>> -> memref<1x!tpu.dma_semaphore, #tpu.memory_space<semaphore_mem>>
    %dma_start3A_126 = tpu.memref_squeeze %dma_start3A_125 : memref<1x!tpu.dma_semaphore, #tpu.memory_space<semaphore_mem>> -> memref<!tpu.dma_semaphore, #tpu.memory_space<semaphore_mem>>
    %dma_start3A_127 = arith.constant 0 : i32
    %dma_start3A_128 = tpu.memref_slice %arg4[%mul3A_116, %dma_start3A_127] : memref<16384x128xf32, #tpu.memory_space<hbm>> -> memref<128x128xf32, #tpu.memory_space<hbm>>
    %dma_start3A_129 = arith.constant 0 : i32
    %dma_start3A_130 = arith.constant 0 : i32
    %dma_start3A_131 = tpu.memref_slice %arg6[%dma_start3A_117, %dma_start3A_129, %dma_start3A_130] : memref<4x128x128xf32, #tpu.memory_space<vmem>> -> memref<1x128x128xf32, #tpu.memory_space<vmem>>
    %dma_start3A_132 = tpu.memref_squeeze %dma_start3A_131 : memref<1x128x128xf32, #tpu.memory_space<vmem>> -> memref<128x128xf32, #tpu.memory_space<vmem>>
    tpu.enqueue_dma source(%dma_start3A_132 : memref<128x128xf32, #tpu.memory_space<vmem>>) target(%dma_start3A_128 : memref<128x128xf32, #tpu.memory_space<hbm>>) target_semaphore(%dma_start3A_126 : memref<!tpu.dma_semaphore, #tpu.memory_space<semaphore_mem>>)
    %dma_wait3A_133 = arith.constant 2 : i32
    %dma_wait3A_134 = arith.constant 2 : i32
    %dma_wait3A_135 = arith.constant 2 : i32
    %dma_wait3A_136 = arith.constant 0 : i32
    %dma_wait3A_137 = arith.constant 0 : i32
    %dma_wait3A_138 = tpu.memref_slice %arg6[%dma_wait3A_134, %dma_wait3A_136, %dma_wait3A_137] : memref<4x128x128xf32, #tpu.memory_space<vmem>> -> memref<1x128x128xf32, #tpu.memory_space<vmem>>
    %dma_wait3A_139 = tpu.memref_squeeze %dma_wait3A_138 : memref<1x128x128xf32, #tpu.memory_space<vmem>> -> memref<128x128xf32, #tpu.memory_space<vmem>>
    %dma_wait3A_140 = arith.constant 0 : i32
    %dma_wait3A_141 = tpu.memref_slice %arg5[%dma_wait3A_133, %dma_wait3A_140] : memref<4x128xi32, #tpu.memory_space<vmem>> -> memref<1x128xi32, #tpu.memory_space<vmem>>
    %dma_wait3A_142 = tpu.memref_squeeze %dma_wait3A_141 : memref<1x128xi32, #tpu.memory_space<vmem>> -> memref<128xi32, #tpu.memory_space<vmem>>
    %dma_wait3A_143 = arith.constant 0 : i32
    %dma_wait3A_144 = arith.constant 0 : i32
    %dma_wait3A_145 = tpu.memref_slice %arg2[%dma_wait3A_143, %dma_wait3A_144] : memref<262144x128xf32, #tpu.memory_space<hbm>> -> memref<262144x128xf32, #tpu.memory_space<hbm>>
    %dma_wait3A_146 = tpu.memref_slice %arg7[%dma_wait3A_135] : memref<4x!tpu.dma_semaphore, #tpu.memory_space<semaphore_mem>> -> memref<1x!tpu.dma_semaphore, #tpu.memory_space<semaphore_mem>>
    %dma_wait3A_147 = tpu.memref_squeeze %dma_wait3A_146 : memref<1x!tpu.dma_semaphore, #tpu.memory_space<semaphore_mem>> -> memref<!tpu.dma_semaphore, #tpu.memory_space<semaphore_mem>>
    tpu.wait_indirect_dma semaphore(%dma_wait3A_147 : memref<!tpu.dma_semaphore, #tpu.memory_space<semaphore_mem>>) src(%dma_wait3A_145 : memref<262144x128xf32, #tpu.memory_space<hbm>>) dst(%dma_wait3A_139 : memref<128x128xf32, #tpu.memory_space<vmem>>)
    %add3A_148 = arith.constant 2 : i32
    %add3A_149 = arith.addi %mul3A_2, %add3A_148 : i32
    %mul3A_150 = arith.constant 128 : i32
    %mul3A_151 = arith.muli %add3A_149, %mul3A_150 : i32
    %dma_start3A_152 = arith.constant 2 : i32
    %dma_start3A_153 = arith.constant 2 : i32
    %dma_start3A_154 = arith.constant 0 : i32
    %dma_start3A_155 = arith.constant 0 : i32
    %dma_start3A_156 = tpu.memref_slice %arg6[%dma_start3A_152, %dma_start3A_154, %dma_start3A_155] : memref<4x128x128xf32, #tpu.memory_space<vmem>> -> memref<1x128x128xf32, #tpu.memory_space<vmem>>
    %dma_start3A_157 = tpu.memref_squeeze %dma_start3A_156 : memref<1x128x128xf32, #tpu.memory_space<vmem>> -> memref<128x128xf32, #tpu.memory_space<vmem>>
    %dma_start3A_158 = arith.constant 0 : i32
    %dma_start3A_159 = tpu.memref_slice %arg4[%mul3A_151, %dma_start3A_158] : memref<16384x128xf32, #tpu.memory_space<hbm>> -> memref<128x128xf32, #tpu.memory_space<hbm>>
    %dma_start3A_160 = tpu.memref_slice %arg8[%dma_start3A_153] : memref<4x!tpu.dma_semaphore, #tpu.memory_space<semaphore_mem>> -> memref<1x!tpu.dma_semaphore, #tpu.memory_space<semaphore_mem>>
    %dma_start3A_161 = tpu.memref_squeeze %dma_start3A_160 : memref<1x!tpu.dma_semaphore, #tpu.memory_space<semaphore_mem>> -> memref<!tpu.dma_semaphore, #tpu.memory_space<semaphore_mem>>
    %dma_start3A_162 = arith.constant 0 : i32
    %dma_start3A_163 = tpu.memref_slice %arg4[%mul3A_151, %dma_start3A_162] : memref<16384x128xf32, #tpu.memory_space<hbm>> -> memref<128x128xf32, #tpu.memory_space<hbm>>
    %dma_start3A_164 = arith.constant 0 : i32
    %dma_start3A_165 = arith.constant 0 : i32
    %dma_start3A_166 = tpu.memref_slice %arg6[%dma_start3A_152, %dma_start3A_164, %dma_start3A_165] : memref<4x128x128xf32, #tpu.memory_space<vmem>> -> memref<1x128x128xf32, #tpu.memory_space<vmem>>
    %dma_start3A_167 = tpu.memref_squeeze %dma_start3A_166 : memref<1x128x128xf32, #tpu.memory_space<vmem>> -> memref<128x128xf32, #tpu.memory_space<vmem>>
    tpu.enqueue_dma source(%dma_start3A_167 : memref<128x128xf32, #tpu.memory_space<vmem>>) target(%dma_start3A_163 : memref<128x128xf32, #tpu.memory_space<hbm>>) target_semaphore(%dma_start3A_161 : memref<!tpu.dma_semaphore, #tpu.memory_space<semaphore_mem>>)
    %dma_wait3A_168 = arith.constant 3 : i32
    %dma_wait3A_169 = arith.constant 3 : i32
    %dma_wait3A_170 = arith.constant 3 : i32
    %dma_wait3A_171 = arith.constant 0 : i32
    %dma_wait3A_172 = arith.constant 0 : i32
    %dma_wait3A_173 = tpu.memref_slice %arg6[%dma_wait3A_169, %dma_wait3A_171, %dma_wait3A_172] : memref<4x128x128xf32, #tpu.memory_space<vmem>> -> memref<1x128x128xf32, #tpu.memory_space<vmem>>
    %dma_wait3A_174 = tpu.memref_squeeze %dma_wait3A_173 : memref<1x128x128xf32, #tpu.memory_space<vmem>> -> memref<128x128xf32, #tpu.memory_space<vmem>>
    %dma_wait3A_175 = arith.constant 0 : i32
    %dma_wait3A_176 = tpu.memref_slice %arg5[%dma_wait3A_168, %dma_wait3A_175] : memref<4x128xi32, #tpu.memory_space<vmem>> -> memref<1x128xi32, #tpu.memory_space<vmem>>
    %dma_wait3A_177 = tpu.memref_squeeze %dma_wait3A_176 : memref<1x128xi32, #tpu.memory_space<vmem>> -> memref<128xi32, #tpu.memory_space<vmem>>
    %dma_wait3A_178 = arith.constant 0 : i32
    %dma_wait3A_179 = arith.constant 0 : i32
    %dma_wait3A_180 = tpu.memref_slice %arg2[%dma_wait3A_178, %dma_wait3A_179] : memref<262144x128xf32, #tpu.memory_space<hbm>> -> memref<262144x128xf32, #tpu.memory_space<hbm>>
    %dma_wait3A_181 = tpu.memref_slice %arg7[%dma_wait3A_170] : memref<4x!tpu.dma_semaphore, #tpu.memory_space<semaphore_mem>> -> memref<1x!tpu.dma_semaphore, #tpu.memory_space<semaphore_mem>>
    %dma_wait3A_182 = tpu.memref_squeeze %dma_wait3A_181 : memref<1x!tpu.dma_semaphore, #tpu.memory_space<semaphore_mem>> -> memref<!tpu.dma_semaphore, #tpu.memory_space<semaphore_mem>>
    tpu.wait_indirect_dma semaphore(%dma_wait3A_182 : memref<!tpu.dma_semaphore, #tpu.memory_space<semaphore_mem>>) src(%dma_wait3A_180 : memref<262144x128xf32, #tpu.memory_space<hbm>>) dst(%dma_wait3A_174 : memref<128x128xf32, #tpu.memory_space<vmem>>)
    %add3A_183 = arith.constant 3 : i32
    %add3A_184 = arith.addi %mul3A_2, %add3A_183 : i32
    %mul3A_185 = arith.constant 128 : i32
    %mul3A_186 = arith.muli %add3A_184, %mul3A_185 : i32
    %dma_start3A_187 = arith.constant 3 : i32
    %dma_start3A_188 = arith.constant 3 : i32
    %dma_start3A_189 = arith.constant 0 : i32
    %dma_start3A_190 = arith.constant 0 : i32
    %dma_start3A_191 = tpu.memref_slice %arg6[%dma_start3A_187, %dma_start3A_189, %dma_start3A_190] : memref<4x128x128xf32, #tpu.memory_space<vmem>> -> memref<1x128x128xf32, #tpu.memory_space<vmem>>
    %dma_start3A_192 = tpu.memref_squeeze %dma_start3A_191 : memref<1x128x128xf32, #tpu.memory_space<vmem>> -> memref<128x128xf32, #tpu.memory_space<vmem>>
    %dma_start3A_193 = arith.constant 0 : i32
    %dma_start3A_194 = tpu.memref_slice %arg4[%mul3A_186, %dma_start3A_193] : memref<16384x128xf32, #tpu.memory_space<hbm>> -> memref<128x128xf32, #tpu.memory_space<hbm>>
    %dma_start3A_195 = tpu.memref_slice %arg8[%dma_start3A_188] : memref<4x!tpu.dma_semaphore, #tpu.memory_space<semaphore_mem>> -> memref<1x!tpu.dma_semaphore, #tpu.memory_space<semaphore_mem>>
    %dma_start3A_196 = tpu.memref_squeeze %dma_start3A_195 : memref<1x!tpu.dma_semaphore, #tpu.memory_space<semaphore_mem>> -> memref<!tpu.dma_semaphore, #tpu.memory_space<semaphore_mem>>
    %dma_start3A_197 = arith.constant 0 : i32
    %dma_start3A_198 = tpu.memref_slice %arg4[%mul3A_186, %dma_start3A_197] : memref<16384x128xf32, #tpu.memory_space<hbm>> -> memref<128x128xf32, #tpu.memory_space<hbm>>
    %dma_start3A_199 = arith.constant 0 : i32
    %dma_start3A_200 = arith.constant 0 : i32
    %dma_start3A_201 = tpu.memref_slice %arg6[%dma_start3A_187, %dma_start3A_199, %dma_start3A_200] : memref<4x128x128xf32, #tpu.memory_space<vmem>> -> memref<1x128x128xf32, #tpu.memory_space<vmem>>
    %dma_start3A_202 = tpu.memref_squeeze %dma_start3A_201 : memref<1x128x128xf32, #tpu.memory_space<vmem>> -> memref<128x128xf32, #tpu.memory_space<vmem>>
    tpu.enqueue_dma source(%dma_start3A_202 : memref<128x128xf32, #tpu.memory_space<vmem>>) target(%dma_start3A_198 : memref<128x128xf32, #tpu.memory_space<hbm>>) target_semaphore(%dma_start3A_196 : memref<!tpu.dma_semaphore, #tpu.memory_space<semaphore_mem>>)
    %dma_wait3A_203 = arith.constant 0 : i32
    %dma_wait3A_204 = arith.constant 0 : i32
    %dma_wait3A_205 = arith.constant 0 : i32
    %dma_wait3A_206 = arith.constant 0 : i32
    %dma_wait3A_207 = tpu.memref_slice %arg6[%dma_wait3A_203, %dma_wait3A_205, %dma_wait3A_206] : memref<4x128x128xf32, #tpu.memory_space<vmem>> -> memref<1x128x128xf32, #tpu.memory_space<vmem>>
    %dma_wait3A_208 = tpu.memref_squeeze %dma_wait3A_207 : memref<1x128x128xf32, #tpu.memory_space<vmem>> -> memref<128x128xf32, #tpu.memory_space<vmem>>
    %dma_wait3A_209 = arith.constant 0 : i32
    %dma_wait3A_210 = tpu.memref_slice %arg4[%mul3A_81, %dma_wait3A_209] : memref<16384x128xf32, #tpu.memory_space<hbm>> -> memref<128x128xf32, #tpu.memory_space<hbm>>
    %dma_wait3A_211 = tpu.memref_slice %arg8[%dma_wait3A_204] : memref<4x!tpu.dma_semaphore, #tpu.memory_space<semaphore_mem>> -> memref<1x!tpu.dma_semaphore, #tpu.memory_space<semaphore_mem>>
    %dma_wait3A_212 = tpu.memref_squeeze %dma_wait3A_211 : memref<1x!tpu.dma_semaphore, #tpu.memory_space<semaphore_mem>> -> memref<!tpu.dma_semaphore, #tpu.memory_space<semaphore_mem>>
    %dma_wait3A_213 = arith.constant 0 : i32
    %dma_wait3A_214 = tpu.memref_slice %arg4[%mul3A_81, %dma_wait3A_213] : memref<16384x128xf32, #tpu.memory_space<hbm>> -> memref<128x128xf32, #tpu.memory_space<hbm>>
    %dma_wait3A_215 = arith.constant 0 : i32
    %dma_wait3A_216 = arith.constant 0 : i32
    %dma_wait3A_217 = tpu.memref_slice %arg6[%dma_wait3A_203, %dma_wait3A_215, %dma_wait3A_216] : memref<4x128x128xf32, #tpu.memory_space<vmem>> -> memref<1x128x128xf32, #tpu.memory_space<vmem>>
    %dma_wait3A_218 = tpu.memref_squeeze %dma_wait3A_217 : memref<1x128x128xf32, #tpu.memory_space<vmem>> -> memref<128x128xf32, #tpu.memory_space<vmem>>
    tpu.wait_dma2 semaphore(%dma_wait3A_212 : memref<!tpu.dma_semaphore, #tpu.memory_space<semaphore_mem>>) src(%dma_wait3A_218 : memref<128x128xf32, #tpu.memory_space<vmem>>) dst(%dma_wait3A_214 : memref<128x128xf32, #tpu.memory_space<hbm>>)
    %dma_wait3A_219 = arith.constant 1 : i32
    %dma_wait3A_220 = arith.constant 1 : i32
    %dma_wait3A_221 = arith.constant 0 : i32
    %dma_wait3A_222 = arith.constant 0 : i32
    %dma_wait3A_223 = tpu.memref_slice %arg6[%dma_wait3A_219, %dma_wait3A_221, %dma_wait3A_222] : memref<4x128x128xf32, #tpu.memory_space<vmem>> -> memref<1x128x128xf32, #tpu.memory_space<vmem>>
    %dma_wait3A_224 = tpu.memref_squeeze %dma_wait3A_223 : memref<1x128x128xf32, #tpu.memory_space<vmem>> -> memref<128x128xf32, #tpu.memory_space<vmem>>
    %dma_wait3A_225 = arith.constant 0 : i32
    %dma_wait3A_226 = tpu.memref_slice %arg4[%mul3A_116, %dma_wait3A_225] : memref<16384x128xf32, #tpu.memory_space<hbm>> -> memref<128x128xf32, #tpu.memory_space<hbm>>
    %dma_wait3A_227 = tpu.memref_slice %arg8[%dma_wait3A_220] : memref<4x!tpu.dma_semaphore, #tpu.memory_space<semaphore_mem>> -> memref<1x!tpu.dma_semaphore, #tpu.memory_space<semaphore_mem>>
    %dma_wait3A_228 = tpu.memref_squeeze %dma_wait3A_227 : memref<1x!tpu.dma_semaphore, #tpu.memory_space<semaphore_mem>> -> memref<!tpu.dma_semaphore, #tpu.memory_space<semaphore_mem>>
    %dma_wait3A_229 = arith.constant 0 : i32
    %dma_wait3A_230 = tpu.memref_slice %arg4[%mul3A_116, %dma_wait3A_229] : memref<16384x128xf32, #tpu.memory_space<hbm>> -> memref<128x128xf32, #tpu.memory_space<hbm>>
    %dma_wait3A_231 = arith.constant 0 : i32
    %dma_wait3A_232 = arith.constant 0 : i32
    %dma_wait3A_233 = tpu.memref_slice %arg6[%dma_wait3A_219, %dma_wait3A_231, %dma_wait3A_232] : memref<4x128x128xf32, #tpu.memory_space<vmem>> -> memref<1x128x128xf32, #tpu.memory_space<vmem>>
    %dma_wait3A_234 = tpu.memref_squeeze %dma_wait3A_233 : memref<1x128x128xf32, #tpu.memory_space<vmem>> -> memref<128x128xf32, #tpu.memory_space<vmem>>
    tpu.wait_dma2 semaphore(%dma_wait3A_228 : memref<!tpu.dma_semaphore, #tpu.memory_space<semaphore_mem>>) src(%dma_wait3A_234 : memref<128x128xf32, #tpu.memory_space<vmem>>) dst(%dma_wait3A_230 : memref<128x128xf32, #tpu.memory_space<hbm>>)
    %dma_wait3A_235 = arith.constant 2 : i32
    %dma_wait3A_236 = arith.constant 2 : i32
    %dma_wait3A_237 = arith.constant 0 : i32
    %dma_wait3A_238 = arith.constant 0 : i32
    %dma_wait3A_239 = tpu.memref_slice %arg6[%dma_wait3A_235, %dma_wait3A_237, %dma_wait3A_238] : memref<4x128x128xf32, #tpu.memory_space<vmem>> -> memref<1x128x128xf32, #tpu.memory_space<vmem>>
    %dma_wait3A_240 = tpu.memref_squeeze %dma_wait3A_239 : memref<1x128x128xf32, #tpu.memory_space<vmem>> -> memref<128x128xf32, #tpu.memory_space<vmem>>
    %dma_wait3A_241 = arith.constant 0 : i32
    %dma_wait3A_242 = tpu.memref_slice %arg4[%mul3A_151, %dma_wait3A_241] : memref<16384x128xf32, #tpu.memory_space<hbm>> -> memref<128x128xf32, #tpu.memory_space<hbm>>
    %dma_wait3A_243 = tpu.memref_slice %arg8[%dma_wait3A_236] : memref<4x!tpu.dma_semaphore, #tpu.memory_space<semaphore_mem>> -> memref<1x!tpu.dma_semaphore, #tpu.memory_space<semaphore_mem>>
    %dma_wait3A_244 = tpu.memref_squeeze %dma_wait3A_243 : memref<1x!tpu.dma_semaphore, #tpu.memory_space<semaphore_mem>> -> memref<!tpu.dma_semaphore, #tpu.memory_space<semaphore_mem>>
    %dma_wait3A_245 = arith.constant 0 : i32
    %dma_wait3A_246 = tpu.memref_slice %arg4[%mul3A_151, %dma_wait3A_245] : memref<16384x128xf32, #tpu.memory_space<hbm>> -> memref<128x128xf32, #tpu.memory_space<hbm>>
    %dma_wait3A_247 = arith.constant 0 : i32
    %dma_wait3A_248 = arith.constant 0 : i32
    %dma_wait3A_249 = tpu.memref_slice %arg6[%dma_wait3A_235, %dma_wait3A_247, %dma_wait3A_248] : memref<4x128x128xf32, #tpu.memory_space<vmem>> -> memref<1x128x128xf32, #tpu.memory_space<vmem>>
    %dma_wait3A_250 = tpu.memref_squeeze %dma_wait3A_249 : memref<1x128x128xf32, #tpu.memory_space<vmem>> -> memref<128x128xf32, #tpu.memory_space<vmem>>
    tpu.wait_dma2 semaphore(%dma_wait3A_244 : memref<!tpu.dma_semaphore, #tpu.memory_space<semaphore_mem>>) src(%dma_wait3A_250 : memref<128x128xf32, #tpu.memory_space<vmem>>) dst(%dma_wait3A_246 : memref<128x128xf32, #tpu.memory_space<hbm>>)
    %dma_wait3A_251 = arith.constant 3 : i32
    %dma_wait3A_252 = arith.constant 3 : i32
    %dma_wait3A_253 = arith.constant 0 : i32
    %dma_wait3A_254 = arith.constant 0 : i32
    %dma_wait3A_255 = tpu.memref_slice %arg6[%dma_wait3A_251, %dma_wait3A_253, %dma_wait3A_254] : memref<4x128x128xf32, #tpu.memory_space<vmem>> -> memref<1x128x128xf32, #tpu.memory_space<vmem>>
    %dma_wait3A_256 = tpu.memref_squeeze %dma_wait3A_255 : memref<1x128x128xf32, #tpu.memory_space<vmem>> -> memref<128x128xf32, #tpu.memory_space<vmem>>
    %dma_wait3A_257 = arith.constant 0 : i32
    %dma_wait3A_258 = tpu.memref_slice %arg4[%mul3A_186, %dma_wait3A_257] : memref<16384x128xf32, #tpu.memory_space<hbm>> -> memref<128x128xf32, #tpu.memory_space<hbm>>
    %dma_wait3A_259 = tpu.memref_slice %arg8[%dma_wait3A_252] : memref<4x!tpu.dma_semaphore, #tpu.memory_space<semaphore_mem>> -> memref<1x!tpu.dma_semaphore, #tpu.memory_space<semaphore_mem>>
    %dma_wait3A_260 = tpu.memref_squeeze %dma_wait3A_259 : memref<1x!tpu.dma_semaphore, #tpu.memory_space<semaphore_mem>> -> memref<!tpu.dma_semaphore, #tpu.memory_space<semaphore_mem>>
    %dma_wait3A_261 = arith.constant 0 : i32
    %dma_wait3A_262 = tpu.memref_slice %arg4[%mul3A_186, %dma_wait3A_261] : memref<16384x128xf32, #tpu.memory_space<hbm>> -> memref<128x128xf32, #tpu.memory_space<hbm>>
    %dma_wait3A_263 = arith.constant 0 : i32
    %dma_wait3A_264 = arith.constant 0 : i32
    %dma_wait3A_265 = tpu.memref_slice %arg6[%dma_wait3A_251, %dma_wait3A_263, %dma_wait3A_264] : memref<4x128x128xf32, #tpu.memory_space<vmem>> -> memref<1x128x128xf32, #tpu.memory_space<vmem>>
    %dma_wait3A_266 = tpu.memref_squeeze %dma_wait3A_265 : memref<1x128x128xf32, #tpu.memory_space<vmem>> -> memref<128x128xf32, #tpu.memory_space<vmem>>
    tpu.wait_dma2 semaphore(%dma_wait3A_260 : memref<!tpu.dma_semaphore, #tpu.memory_space<semaphore_mem>>) src(%dma_wait3A_266 : memref<128x128xf32, #tpu.memory_space<vmem>>) dst(%dma_wait3A_262 : memref<128x128xf32, #tpu.memory_space<hbm>>)
    return
  }
}

#map = affine_map<(d0, d1) -> (0, 0)>
module attributes {stable_mosaic.version = 14 : i64} {
  func.func @k(%arg0: i32, %arg1: i32, %arg2: memref<262144x128xf32, #tpu.memory_space<hbm>>, %arg3: memref<512x128xi32, #tpu.memory_space<hbm>>, %arg4: memref<16384x128xf32, #tpu.memory_space<hbm>>, %arg5: memref<4x128xi32, #tpu.memory_space<vmem>>, %arg6: memref<4x128x128xf32, #tpu.memory_space<vmem>>, %arg7: memref<4x!tpu.dma_semaphore, #tpu.memory_space<semaphore_mem>>, %arg8: memref<4x!tpu.dma_semaphore, #tpu.memory_space<semaphore_mem>>) attributes {dimension_semantics = [#tpu.dimension_semantics<core_parallel>, #tpu.dimension_semantics<subcore_parallel>], iteration_bounds = array<i64: 2, 16>, scalar_prefetch = 0 : i64, scratch_operands = 4 : i64, tpu.core_type = #tpu.core_type<sc_vector_subcore>, window_params = [{transform_indices = #map}, {transform_indices = #map}, {transform_indices = #map}]} {
    %mul3A = arith.constant 2 : i32
    %mul3A_0 = arith.muli %arg1, %mul3A : i32
    %add3A = arith.addi %mul3A_0, %arg0 : i32
    %mul3A_1 = arith.constant 4 : i32
    %mul3A_2 = arith.muli %add3A, %mul3A_1 : i32
    %add3A_3 = arith.constant 0 : i32
    %add3A_4 = arith.addi %add3A_3, %mul3A_2 : i32
    "tpu.region"() ({
      %run_scoped3A = tpu.sem_alloc : memref<!tpu.dma_semaphore, #tpu.memory_space<semaphore_mem>>
      %dma_start3A_267 = arith.constant 0 : i32
      %dma_start3A_268 = tpu.memref_slice %arg3[%add3A_4, %dma_start3A_267] : memref<512x128xi32, #tpu.memory_space<hbm>> -> memref<4x128xi32, #tpu.memory_space<hbm>>
      %dma_start3A_269 = arith.constant 0 : i32
      %dma_start3A_270 = tpu.memref_slice %arg3[%add3A_4, %dma_start3A_269] : memref<512x128xi32, #tpu.memory_space<hbm>> -> memref<4x128xi32, #tpu.memory_space<hbm>>
      tpu.enqueue_dma source(%dma_start3A_270 : memref<4x128xi32, #tpu.memory_space<hbm>>) target(%arg5 : memref<4x128xi32, #tpu.memory_space<vmem>>) target_semaphore(%run_scoped3A : memref<!tpu.dma_semaphore, #tpu.memory_space<semaphore_mem>>)
      %dma_wait3A_271 = arith.constant 0 : i32
      %dma_wait3A_272 = tpu.memref_slice %arg3[%add3A_4, %dma_wait3A_271] : memref<512x128xi32, #tpu.memory_space<hbm>> -> memref<4x128xi32, #tpu.memory_space<hbm>>
      %dma_wait3A_273 = arith.constant 0 : i32
      %dma_wait3A_274 = tpu.memref_slice %arg3[%add3A_4, %dma_wait3A_273] : memref<512x128xi32, #tpu.memory_space<hbm>> -> memref<4x128xi32, #tpu.memory_space<hbm>>
      tpu.wait_dma2 semaphore(%run_scoped3A : memref<!tpu.dma_semaphore, #tpu.memory_space<semaphore_mem>>) src(%dma_wait3A_274 : memref<4x128xi32, #tpu.memory_space<hbm>>) dst(%arg5 : memref<4x128xi32, #tpu.memory_space<vmem>>)
      tpu.yield
    }) : () -> ()
    %dma_start3A = arith.constant 0 : i32
    %dma_start3A_5 = arith.constant 0 : i32
    %dma_start3A_6 = arith.constant 0 : i32
    %dma_start3A_7 = arith.constant 0 : i32
    %dma_start3A_8 = arith.constant 0 : i32
    %dma_start3A_9 = tpu.memref_slice %arg6[%dma_start3A_5, %dma_start3A_7, %dma_start3A_8] : memref<4x128x128xf32, #tpu.memory_space<vmem>> -> memref<1x128x128xf32, #tpu.memory_space<vmem>>
    %dma_start3A_10 = tpu.memref_squeeze %dma_start3A_9 : memref<1x128x128xf32, #tpu.memory_space<vmem>> -> memref<128x128xf32, #tpu.memory_space<vmem>>
    %dma_start3A_11 = arith.constant 0 : i32
    %dma_start3A_12 = tpu.memref_slice %arg5[%dma_start3A, %dma_start3A_11] : memref<4x128xi32, #tpu.memory_space<vmem>> -> memref<1x128xi32, #tpu.memory_space<vmem>>
    %dma_start3A_13 = tpu.memref_squeeze %dma_start3A_12 : memref<1x128xi32, #tpu.memory_space<vmem>> -> memref<128xi32, #tpu.memory_space<vmem>>
    %dma_start3A_14 = arith.constant 0 : i32
    %dma_start3A_15 = arith.constant 0 : i32
    %dma_start3A_16 = tpu.memref_slice %arg2[%dma_start3A_14, %dma_start3A_15] : memref<262144x128xf32, #tpu.memory_space<hbm>> -> memref<262144x128xf32, #tpu.memory_space<hbm>>
    %dma_start3A_17 = tpu.memref_slice %arg7[%dma_start3A_6] : memref<4x!tpu.dma_semaphore, #tpu.memory_space<semaphore_mem>> -> memref<1x!tpu.dma_semaphore, #tpu.memory_space<semaphore_mem>>
    %dma_start3A_18 = tpu.memref_squeeze %dma_start3A_17 : memref<1x!tpu.dma_semaphore, #tpu.memory_space<semaphore_mem>> -> memref<!tpu.dma_semaphore, #tpu.memory_space<semaphore_mem>>
    tpu.enqueue_indirect_dma source(%dma_start3A_16 : memref<262144x128xf32, #tpu.memory_space<hbm>>) target(%dma_start3A_10 : memref<128x128xf32, #tpu.memory_space<vmem>>) offsets(%dma_start3A_13 : memref<128xi32, #tpu.memory_space<vmem>>) semaphore(%dma_start3A_18 : memref<!tpu.dma_semaphore, #tpu.memory_space<semaphore_mem>>)
    %dma_start3A_19 = arith.constant 1 : i32
    %dma_start3A_20 = arith.constant 1 : i32
    %dma_start3A_21 = arith.constant 1 : i32
    %dma_start3A_22 = arith.constant 0 : i32
    %dma_start3A_23 = arith.constant 0 : i32
    %dma_start3A_24 = tpu.memref_slice %arg6[%dma_start3A_20, %dma_start3A_22, %dma_start3A_23] : memref<4x128x128xf32, #tpu.memory_space<vmem>> -> memref<1x128x128xf32, #tpu.memory_space<vmem>>
    %dma_start3A_25 = tpu.memref_squeeze %dma_start3A_24 : memref<1x128x128xf32, #tpu.memory_space<vmem>> -> memref<128x128xf32, #tpu.memory_space<vmem>>
    %dma_start3A_26 = arith.constant 0 : i32
    %dma_start3A_27 = tpu.memref_slice %arg5[%dma_start3A_19, %dma_start3A_26] : memref<4x128xi32, #tpu.memory_space<vmem>> -> memref<1x128xi32, #tpu.memory_space<vmem>>
    %dma_start3A_28 = tpu.memref_squeeze %dma_start3A_27 : memref<1x128xi32, #tpu.memory_space<vmem>> -> memref<128xi32, #tpu.memory_space<vmem>>
    %dma_start3A_29 = arith.constant 0 : i32
    %dma_start3A_30 = arith.constant 0 : i32
    %dma_start3A_31 = tpu.memref_slice %arg2[%dma_start3A_29, %dma_start3A_30] : memref<262144x128xf32, #tpu.memory_space<hbm>> -> memref<262144x128xf32, #tpu.memory_space<hbm>>
    %dma_start3A_32 = tpu.memref_slice %arg7[%dma_start3A_21] : memref<4x!tpu.dma_semaphore, #tpu.memory_space<semaphore_mem>> -> memref<1x!tpu.dma_semaphore, #tpu.memory_space<semaphore_mem>>
    %dma_start3A_33 = tpu.memref_squeeze %dma_start3A_32 : memref<1x!tpu.dma_semaphore, #tpu.memory_space<semaphore_mem>> -> memref<!tpu.dma_semaphore, #tpu.memory_space<semaphore_mem>>
    tpu.enqueue_indirect_dma source(%dma_start3A_31 : memref<262144x128xf32, #tpu.memory_space<hbm>>) target(%dma_start3A_25 : memref<128x128xf32, #tpu.memory_space<vmem>>) offsets(%dma_start3A_28 : memref<128xi32, #tpu.memory_space<vmem>>) semaphore(%dma_start3A_33 : memref<!tpu.dma_semaphore, #tpu.memory_space<semaphore_mem>>)
    %dma_start3A_34 = arith.constant 2 : i32
    %dma_start3A_35 = arith.constant 2 : i32
    %dma_start3A_36 = arith.constant 2 : i32
    %dma_start3A_37 = arith.constant 0 : i32
    %dma_start3A_38 = arith.constant 0 : i32
    %dma_start3A_39 = tpu.memref_slice %arg6[%dma_start3A_35, %dma_start3A_37, %dma_start3A_38] : memref<4x128x128xf32, #tpu.memory_space<vmem>> -> memref<1x128x128xf32, #tpu.memory_space<vmem>>
    %dma_start3A_40 = tpu.memref_squeeze %dma_start3A_39 : memref<1x128x128xf32, #tpu.memory_space<vmem>> -> memref<128x128xf32, #tpu.memory_space<vmem>>
    %dma_start3A_41 = arith.constant 0 : i32
    %dma_start3A_42 = tpu.memref_slice %arg5[%dma_start3A_34, %dma_start3A_41] : memref<4x128xi32, #tpu.memory_space<vmem>> -> memref<1x128xi32, #tpu.memory_space<vmem>>
    %dma_start3A_43 = tpu.memref_squeeze %dma_start3A_42 : memref<1x128xi32, #tpu.memory_space<vmem>> -> memref<128xi32, #tpu.memory_space<vmem>>
    %dma_start3A_44 = arith.constant 0 : i32
    %dma_start3A_45 = arith.constant 0 : i32
    %dma_start3A_46 = tpu.memref_slice %arg2[%dma_start3A_44, %dma_start3A_45] : memref<262144x128xf32, #tpu.memory_space<hbm>> -> memref<262144x128xf32, #tpu.memory_space<hbm>>
    %dma_start3A_47 = tpu.memref_slice %arg7[%dma_start3A_36] : memref<4x!tpu.dma_semaphore, #tpu.memory_space<semaphore_mem>> -> memref<1x!tpu.dma_semaphore, #tpu.memory_space<semaphore_mem>>
    %dma_start3A_48 = tpu.memref_squeeze %dma_start3A_47 : memref<1x!tpu.dma_semaphore, #tpu.memory_space<semaphore_mem>> -> memref<!tpu.dma_semaphore, #tpu.memory_space<semaphore_mem>>
    tpu.enqueue_indirect_dma source(%dma_start3A_46 : memref<262144x128xf32, #tpu.memory_space<hbm>>) target(%dma_start3A_40 : memref<128x128xf32, #tpu.memory_space<vmem>>) offsets(%dma_start3A_43 : memref<128xi32, #tpu.memory_space<vmem>>) semaphore(%dma_start3A_48 : memref<!tpu.dma_semaphore, #tpu.memory_space<semaphore_mem>>)
    %dma_start3A_49 = arith.constant 3 : i32
    %dma_start3A_50 = arith.constant 3 : i32
    %dma_start3A_51 = arith.constant 3 : i32
    %dma_start3A_52 = arith.constant 0 : i32
    %dma_start3A_53 = arith.constant 0 : i32
    %dma_start3A_54 = tpu.memref_slice %arg6[%dma_start3A_50, %dma_start3A_52, %dma_start3A_53] : memref<4x128x128xf32, #tpu.memory_space<vmem>> -> memref<1x128x128xf32, #tpu.memory_space<vmem>>
    %dma_start3A_55 = tpu.memref_squeeze %dma_start3A_54 : memref<1x128x128xf32, #tpu.memory_space<vmem>> -> memref<128x128xf32, #tpu.memory_space<vmem>>
    %dma_start3A_56 = arith.constant 0 : i32
    %dma_start3A_57 = tpu.memref_slice %arg5[%dma_start3A_49, %dma_start3A_56] : memref<4x128xi32, #tpu.memory_space<vmem>> -> memref<1x128xi32, #tpu.memory_space<vmem>>
    %dma_start3A_58 = tpu.memref_squeeze %dma_start3A_57 : memref<1x128xi32, #tpu.memory_space<vmem>> -> memref<128xi32, #tpu.memory_space<vmem>>
    %dma_start3A_59 = arith.constant 0 : i32
    %dma_start3A_60 = arith.constant 0 : i32
    %dma_start3A_61 = tpu.memref_slice %arg2[%dma_start3A_59, %dma_start3A_60] : memref<262144x128xf32, #tpu.memory_space<hbm>> -> memref<262144x128xf32, #tpu.memory_space<hbm>>
    %dma_start3A_62 = tpu.memref_slice %arg7[%dma_start3A_51] : memref<4x!tpu.dma_semaphore, #tpu.memory_space<semaphore_mem>> -> memref<1x!tpu.dma_semaphore, #tpu.memory_space<semaphore_mem>>
    %dma_start3A_63 = tpu.memref_squeeze %dma_start3A_62 : memref<1x!tpu.dma_semaphore, #tpu.memory_space<semaphore_mem>> -> memref<!tpu.dma_semaphore, #tpu.memory_space<semaphore_mem>>
    tpu.enqueue_indirect_dma source(%dma_start3A_61 : memref<262144x128xf32, #tpu.memory_space<hbm>>) target(%dma_start3A_55 : memref<128x128xf32, #tpu.memory_space<vmem>>) offsets(%dma_start3A_58 : memref<128xi32, #tpu.memory_space<vmem>>) semaphore(%dma_start3A_63 : memref<!tpu.dma_semaphore, #tpu.memory_space<semaphore_mem>>)
    %dma_wait3A = arith.constant 0 : i32
    %dma_wait3A_64 = arith.constant 0 : i32
    %dma_wait3A_65 = arith.constant 0 : i32
    %dma_wait3A_66 = arith.constant 0 : i32
    %dma_wait3A_67 = arith.constant 0 : i32
    %dma_wait3A_68 = tpu.memref_slice %arg6[%dma_wait3A_64, %dma_wait3A_66, %dma_wait3A_67] : memref<4x128x128xf32, #tpu.memory_space<vmem>> -> memref<1x128x128xf32, #tpu.memory_space<vmem>>
    %dma_wait3A_69 = tpu.memref_squeeze %dma_wait3A_68 : memref<1x128x128xf32, #tpu.memory_space<vmem>> -> memref<128x128xf32, #tpu.memory_space<vmem>>
    %dma_wait3A_70 = arith.constant 0 : i32
    %dma_wait3A_71 = tpu.memref_slice %arg5[%dma_wait3A, %dma_wait3A_70] : memref<4x128xi32, #tpu.memory_space<vmem>> -> memref<1x128xi32, #tpu.memory_space<vmem>>
    %dma_wait3A_72 = tpu.memref_squeeze %dma_wait3A_71 : memref<1x128xi32, #tpu.memory_space<vmem>> -> memref<128xi32, #tpu.memory_space<vmem>>
    %dma_wait3A_73 = arith.constant 0 : i32
    %dma_wait3A_74 = arith.constant 0 : i32
    %dma_wait3A_75 = tpu.memref_slice %arg2[%dma_wait3A_73, %dma_wait3A_74] : memref<262144x128xf32, #tpu.memory_space<hbm>> -> memref<262144x128xf32, #tpu.memory_space<hbm>>
    %dma_wait3A_76 = tpu.memref_slice %arg7[%dma_wait3A_65] : memref<4x!tpu.dma_semaphore, #tpu.memory_space<semaphore_mem>> -> memref<1x!tpu.dma_semaphore, #tpu.memory_space<semaphore_mem>>
    %dma_wait3A_77 = tpu.memref_squeeze %dma_wait3A_76 : memref<1x!tpu.dma_semaphore, #tpu.memory_space<semaphore_mem>> -> memref<!tpu.dma_semaphore, #tpu.memory_space<semaphore_mem>>
    tpu.wait_indirect_dma semaphore(%dma_wait3A_77 : memref<!tpu.dma_semaphore, #tpu.memory_space<semaphore_mem>>) src(%dma_wait3A_75 : memref<262144x128xf32, #tpu.memory_space<hbm>>) dst(%dma_wait3A_69 : memref<128x128xf32, #tpu.memory_space<vmem>>)
    %add3A_78 = arith.constant 0 : i32
    %add3A_79 = arith.addi %mul3A_2, %add3A_78 : i32
    %mul3A_80 = arith.constant 128 : i32
    %mul3A_81 = arith.muli %add3A_79, %mul3A_80 : i32
    %dma_start3A_82 = arith.constant 0 : i32
    %dma_start3A_83 = arith.constant 0 : i32
    %dma_start3A_84 = arith.constant 0 : i32
    %dma_start3A_85 = arith.constant 0 : i32
    %dma_start3A_86 = tpu.memref_slice %arg6[%dma_start3A_82, %dma_start3A_84, %dma_start3A_85] : memref<4x128x128xf32, #tpu.memory_space<vmem>> -> memref<1x128x128xf32, #tpu.memory_space<vmem>>
    %dma_start3A_87 = tpu.memref_squeeze %dma_start3A_86 : memref<1x128x128xf32, #tpu.memory_space<vmem>> -> memref<128x128xf32, #tpu.memory_space<vmem>>
    %dma_start3A_88 = arith.constant 0 : i32
    %dma_start3A_89 = tpu.memref_slice %arg4[%mul3A_81, %dma_start3A_88] : memref<16384x128xf32, #tpu.memory_space<hbm>> -> memref<128x128xf32, #tpu.memory_space<hbm>>
    %dma_start3A_90 = tpu.memref_slice %arg8[%dma_start3A_83] : memref<4x!tpu.dma_semaphore, #tpu.memory_space<semaphore_mem>> -> memref<1x!tpu.dma_semaphore, #tpu.memory_space<semaphore_mem>>
    %dma_start3A_91 = tpu.memref_squeeze %dma_start3A_90 : memref<1x!tpu.dma_semaphore, #tpu.memory_space<semaphore_mem>> -> memref<!tpu.dma_semaphore, #tpu.memory_space<semaphore_mem>>
    %dma_start3A_92 = arith.constant 0 : i32
    %dma_start3A_93 = tpu.memref_slice %arg4[%mul3A_81, %dma_start3A_92] : memref<16384x128xf32, #tpu.memory_space<hbm>> -> memref<128x128xf32, #tpu.memory_space<hbm>>
    %dma_start3A_94 = arith.constant 0 : i32
    %dma_start3A_95 = arith.constant 0 : i32
    %dma_start3A_96 = tpu.memref_slice %arg6[%dma_start3A_82, %dma_start3A_94, %dma_start3A_95] : memref<4x128x128xf32, #tpu.memory_space<vmem>> -> memref<1x128x128xf32, #tpu.memory_space<vmem>>
    %dma_start3A_97 = tpu.memref_squeeze %dma_start3A_96 : memref<1x128x128xf32, #tpu.memory_space<vmem>> -> memref<128x128xf32, #tpu.memory_space<vmem>>
    tpu.enqueue_dma source(%dma_start3A_97 : memref<128x128xf32, #tpu.memory_space<vmem>>) target(%dma_start3A_93 : memref<128x128xf32, #tpu.memory_space<hbm>>) target_semaphore(%dma_start3A_91 : memref<!tpu.dma_semaphore, #tpu.memory_space<semaphore_mem>>)
    %dma_wait3A_98 = arith.constant 1 : i32
    %dma_wait3A_99 = arith.constant 1 : i32
    %dma_wait3A_100 = arith.constant 1 : i32
    %dma_wait3A_101 = arith.constant 0 : i32
    %dma_wait3A_102 = arith.constant 0 : i32
    %dma_wait3A_103 = tpu.memref_slice %arg6[%dma_wait3A_99, %dma_wait3A_101, %dma_wait3A_102] : memref<4x128x128xf32, #tpu.memory_space<vmem>> -> memref<1x128x128xf32, #tpu.memory_space<vmem>>
    %dma_wait3A_104 = tpu.memref_squeeze %dma_wait3A_103 : memref<1x128x128xf32, #tpu.memory_space<vmem>> -> memref<128x128xf32, #tpu.memory_space<vmem>>
    %dma_wait3A_105 = arith.constant 0 : i32
    %dma_wait3A_106 = tpu.memref_slice %arg5[%dma_wait3A_98, %dma_wait3A_105] : memref<4x128xi32, #tpu.memory_space<vmem>> -> memref<1x128xi32, #tpu.memory_space<vmem>>
    %dma_wait3A_107 = tpu.memref_squeeze %dma_wait3A_106 : memref<1x128xi32, #tpu.memory_space<vmem>> -> memref<128xi32, #tpu.memory_space<vmem>>
    %dma_wait3A_108 = arith.constant 0 : i32
    %dma_wait3A_109 = arith.constant 0 : i32
    %dma_wait3A_110 = tpu.memref_slice %arg2[%dma_wait3A_108, %dma_wait3A_109] : memref<262144x128xf32, #tpu.memory_space<hbm>> -> memref<262144x128xf32, #tpu.memory_space<hbm>>
    %dma_wait3A_111 = tpu.memref_slice %arg7[%dma_wait3A_100] : memref<4x!tpu.dma_semaphore, #tpu.memory_space<semaphore_mem>> -> memref<1x!tpu.dma_semaphore, #tpu.memory_space<semaphore_mem>>
    %dma_wait3A_112 = tpu.memref_squeeze %dma_wait3A_111 : memref<1x!tpu.dma_semaphore, #tpu.memory_space<semaphore_mem>> -> memref<!tpu.dma_semaphore, #tpu.memory_space<semaphore_mem>>
    tpu.wait_indirect_dma semaphore(%dma_wait3A_112 : memref<!tpu.dma_semaphore, #tpu.memory_space<semaphore_mem>>) src(%dma_wait3A_110 : memref<262144x128xf32, #tpu.memory_space<hbm>>) dst(%dma_wait3A_104 : memref<128x128xf32, #tpu.memory_space<vmem>>)
    %add3A_113 = arith.constant 1 : i32
    %add3A_114 = arith.addi %mul3A_2, %add3A_113 : i32
    %mul3A_115 = arith.constant 128 : i32
    %mul3A_116 = arith.muli %add3A_114, %mul3A_115 : i32
    %dma_start3A_117 = arith.constant 1 : i32
    %dma_start3A_118 = arith.constant 1 : i32
    %dma_start3A_119 = arith.constant 0 : i32
    %dma_start3A_120 = arith.constant 0 : i32
    %dma_start3A_121 = tpu.memref_slice %arg6[%dma_start3A_117, %dma_start3A_119, %dma_start3A_120] : memref<4x128x128xf32, #tpu.memory_space<vmem>> -> memref<1x128x128xf32, #tpu.memory_space<vmem>>
    %dma_start3A_122 = tpu.memref_squeeze %dma_start3A_121 : memref<1x128x128xf32, #tpu.memory_space<vmem>> -> memref<128x128xf32, #tpu.memory_space<vmem>>
    %dma_start3A_123 = arith.constant 0 : i32
    %dma_start3A_124 = tpu.memref_slice %arg4[%mul3A_116, %dma_start3A_123] : memref<16384x128xf32, #tpu.memory_space<hbm>> -> memref<128x128xf32, #tpu.memory_space<hbm>>
    %dma_start3A_125 = tpu.memref_slice %arg8[%dma_start3A_118] : memref<4x!tpu.dma_semaphore, #tpu.memory_space<semaphore_mem>> -> memref<1x!tpu.dma_semaphore, #tpu.memory_space<semaphore_mem>>
    %dma_start3A_126 = tpu.memref_squeeze %dma_start3A_125 : memref<1x!tpu.dma_semaphore, #tpu.memory_space<semaphore_mem>> -> memref<!tpu.dma_semaphore, #tpu.memory_space<semaphore_mem>>
    %dma_start3A_127 = arith.constant 0 : i32
    %dma_start3A_128 = tpu.memref_slice %arg4[%mul3A_116, %dma_start3A_127] : memref<16384x128xf32, #tpu.memory_space<hbm>> -> memref<128x128xf32, #tpu.memory_space<hbm>>
    %dma_start3A_129 = arith.constant 0 : i32
    %dma_start3A_130 = arith.constant 0 : i32
    %dma_start3A_131 = tpu.memref_slice %arg6[%dma_start3A_117, %dma_start3A_129, %dma_start3A_130] : memref<4x128x128xf32, #tpu.memory_space<vmem>> -> memref<1x128x128xf32, #tpu.memory_space<vmem>>
    %dma_start3A_132 = tpu.memref_squeeze %dma_start3A_131 : memref<1x128x128xf32, #tpu.memory_space<vmem>> -> memref<128x128xf32, #tpu.memory_space<vmem>>
    tpu.enqueue_dma source(%dma_start3A_132 : memref<128x128xf32, #tpu.memory_space<vmem>>) target(%dma_start3A_128 : memref<128x128xf32, #tpu.memory_space<hbm>>) target_semaphore(%dma_start3A_126 : memref<!tpu.dma_semaphore, #tpu.memory_space<semaphore_mem>>)
    %dma_wait3A_133 = arith.constant 2 : i32
    %dma_wait3A_134 = arith.constant 2 : i32
    %dma_wait3A_135 = arith.constant 2 : i32
    %dma_wait3A_136 = arith.constant 0 : i32
    %dma_wait3A_137 = arith.constant 0 : i32
    %dma_wait3A_138 = tpu.memref_slice %arg6[%dma_wait3A_134, %dma_wait3A_136, %dma_wait3A_137] : memref<4x128x128xf32, #tpu.memory_space<vmem>> -> memref<1x128x128xf32, #tpu.memory_space<vmem>>
    %dma_wait3A_139 = tpu.memref_squeeze %dma_wait3A_138 : memref<1x128x128xf32, #tpu.memory_space<vmem>> -> memref<128x128xf32, #tpu.memory_space<vmem>>
    %dma_wait3A_140 = arith.constant 0 : i32
    %dma_wait3A_141 = tpu.memref_slice %arg5[%dma_wait3A_133, %dma_wait3A_140] : memref<4x128xi32, #tpu.memory_space<vmem>> -> memref<1x128xi32, #tpu.memory_space<vmem>>
    %dma_wait3A_142 = tpu.memref_squeeze %dma_wait3A_141 : memref<1x128xi32, #tpu.memory_space<vmem>> -> memref<128xi32, #tpu.memory_space<vmem>>
    %dma_wait3A_143 = arith.constant 0 : i32
    %dma_wait3A_144 = arith.constant 0 : i32
    %dma_wait3A_145 = tpu.memref_slice %arg2[%dma_wait3A_143, %dma_wait3A_144] : memref<262144x128xf32, #tpu.memory_space<hbm>> -> memref<262144x128xf32, #tpu.memory_space<hbm>>
    %dma_wait3A_146 = tpu.memref_slice %arg7[%dma_wait3A_135] : memref<4x!tpu.dma_semaphore, #tpu.memory_space<semaphore_mem>> -> memref<1x!tpu.dma_semaphore, #tpu.memory_space<semaphore_mem>>
    %dma_wait3A_147 = tpu.memref_squeeze %dma_wait3A_146 : memref<1x!tpu.dma_semaphore, #tpu.memory_space<semaphore_mem>> -> memref<!tpu.dma_semaphore, #tpu.memory_space<semaphore_mem>>
    tpu.wait_indirect_dma semaphore(%dma_wait3A_147 : memref<!tpu.dma_semaphore, #tpu.memory_space<semaphore_mem>>) src(%dma_wait3A_145 : memref<262144x128xf32, #tpu.memory_space<hbm>>) dst(%dma_wait3A_139 : memref<128x128xf32, #tpu.memory_space<vmem>>)
    %add3A_148 = arith.constant 2 : i32
    %add3A_149 = arith.addi %mul3A_2, %add3A_148 : i32
    %mul3A_150 = arith.constant 128 : i32
    %mul3A_151 = arith.muli %add3A_149, %mul3A_150 : i32
    %dma_start3A_152 = arith.constant 2 : i32
    %dma_start3A_153 = arith.constant 2 : i32
    %dma_start3A_154 = arith.constant 0 : i32
    %dma_start3A_155 = arith.constant 0 : i32
    %dma_start3A_156 = tpu.memref_slice %arg6[%dma_start3A_152, %dma_start3A_154, %dma_start3A_155] : memref<4x128x128xf32, #tpu.memory_space<vmem>> -> memref<1x128x128xf32, #tpu.memory_space<vmem>>
    %dma_start3A_157 = tpu.memref_squeeze %dma_start3A_156 : memref<1x128x128xf32, #tpu.memory_space<vmem>> -> memref<128x128xf32, #tpu.memory_space<vmem>>
    %dma_start3A_158 = arith.constant 0 : i32
    %dma_start3A_159 = tpu.memref_slice %arg4[%mul3A_151, %dma_start3A_158] : memref<16384x128xf32, #tpu.memory_space<hbm>> -> memref<128x128xf32, #tpu.memory_space<hbm>>
    %dma_start3A_160 = tpu.memref_slice %arg8[%dma_start3A_153] : memref<4x!tpu.dma_semaphore, #tpu.memory_space<semaphore_mem>> -> memref<1x!tpu.dma_semaphore, #tpu.memory_space<semaphore_mem>>
    %dma_start3A_161 = tpu.memref_squeeze %dma_start3A_160 : memref<1x!tpu.dma_semaphore, #tpu.memory_space<semaphore_mem>> -> memref<!tpu.dma_semaphore, #tpu.memory_space<semaphore_mem>>
    %dma_start3A_162 = arith.constant 0 : i32
    %dma_start3A_163 = tpu.memref_slice %arg4[%mul3A_151, %dma_start3A_162] : memref<16384x128xf32, #tpu.memory_space<hbm>> -> memref<128x128xf32, #tpu.memory_space<hbm>>
    %dma_start3A_164 = arith.constant 0 : i32
    %dma_start3A_165 = arith.constant 0 : i32
    %dma_start3A_166 = tpu.memref_slice %arg6[%dma_start3A_152, %dma_start3A_164, %dma_start3A_165] : memref<4x128x128xf32, #tpu.memory_space<vmem>> -> memref<1x128x128xf32, #tpu.memory_space<vmem>>
    %dma_start3A_167 = tpu.memref_squeeze %dma_start3A_166 : memref<1x128x128xf32, #tpu.memory_space<vmem>> -> memref<128x128xf32, #tpu.memory_space<vmem>>
    tpu.enqueue_dma source(%dma_start3A_167 : memref<128x128xf32, #tpu.memory_space<vmem>>) target(%dma_start3A_163 : memref<128x128xf32, #tpu.memory_space<hbm>>) target_semaphore(%dma_start3A_161 : memref<!tpu.dma_semaphore, #tpu.memory_space<semaphore_mem>>)
    %dma_wait3A_168 = arith.constant 3 : i32
    %dma_wait3A_169 = arith.constant 3 : i32
    %dma_wait3A_170 = arith.constant 3 : i32
    %dma_wait3A_171 = arith.constant 0 : i32
    %dma_wait3A_172 = arith.constant 0 : i32
    %dma_wait3A_173 = tpu.memref_slice %arg6[%dma_wait3A_169, %dma_wait3A_171, %dma_wait3A_172] : memref<4x128x128xf32, #tpu.memory_space<vmem>> -> memref<1x128x128xf32, #tpu.memory_space<vmem>>
    %dma_wait3A_174 = tpu.memref_squeeze %dma_wait3A_173 : memref<1x128x128xf32, #tpu.memory_space<vmem>> -> memref<128x128xf32, #tpu.memory_space<vmem>>
    %dma_wait3A_175 = arith.constant 0 : i32
    %dma_wait3A_176 = tpu.memref_slice %arg5[%dma_wait3A_168, %dma_wait3A_175] : memref<4x128xi32, #tpu.memory_space<vmem>> -> memref<1x128xi32, #tpu.memory_space<vmem>>
    %dma_wait3A_177 = tpu.memref_squeeze %dma_wait3A_176 : memref<1x128xi32, #tpu.memory_space<vmem>> -> memref<128xi32, #tpu.memory_space<vmem>>
    %dma_wait3A_178 = arith.constant 0 : i32
    %dma_wait3A_179 = arith.constant 0 : i32
    %dma_wait3A_180 = tpu.memref_slice %arg2[%dma_wait3A_178, %dma_wait3A_179] : memref<262144x128xf32, #tpu.memory_space<hbm>> -> memref<262144x128xf32, #tpu.memory_space<hbm>>
    %dma_wait3A_181 = tpu.memref_slice %arg7[%dma_wait3A_170] : memref<4x!tpu.dma_semaphore, #tpu.memory_space<semaphore_mem>> -> memref<1x!tpu.dma_semaphore, #tpu.memory_space<semaphore_mem>>
    %dma_wait3A_182 = tpu.memref_squeeze %dma_wait3A_181 : memref<1x!tpu.dma_semaphore, #tpu.memory_space<semaphore_mem>> -> memref<!tpu.dma_semaphore, #tpu.memory_space<semaphore_mem>>
    tpu.wait_indirect_dma semaphore(%dma_wait3A_182 : memref<!tpu.dma_semaphore, #tpu.memory_space<semaphore_mem>>) src(%dma_wait3A_180 : memref<262144x128xf32, #tpu.memory_space<hbm>>) dst(%dma_wait3A_174 : memref<128x128xf32, #tpu.memory_space<vmem>>)
    %add3A_183 = arith.constant 3 : i32
    %add3A_184 = arith.addi %mul3A_2, %add3A_183 : i32
    %mul3A_185 = arith.constant 128 : i32
    %mul3A_186 = arith.muli %add3A_184, %mul3A_185 : i32
    %dma_start3A_187 = arith.constant 3 : i32
    %dma_start3A_188 = arith.constant 3 : i32
    %dma_start3A_189 = arith.constant 0 : i32
    %dma_start3A_190 = arith.constant 0 : i32
    %dma_start3A_191 = tpu.memref_slice %arg6[%dma_start3A_187, %dma_start3A_189, %dma_start3A_190] : memref<4x128x128xf32, #tpu.memory_space<vmem>> -> memref<1x128x128xf32, #tpu.memory_space<vmem>>
    %dma_start3A_192 = tpu.memref_squeeze %dma_start3A_191 : memref<1x128x128xf32, #tpu.memory_space<vmem>> -> memref<128x128xf32, #tpu.memory_space<vmem>>
    %dma_start3A_193 = arith.constant 0 : i32
    %dma_start3A_194 = tpu.memref_slice %arg4[%mul3A_186, %dma_start3A_193] : memref<16384x128xf32, #tpu.memory_space<hbm>> -> memref<128x128xf32, #tpu.memory_space<hbm>>
    %dma_start3A_195 = tpu.memref_slice %arg8[%dma_start3A_188] : memref<4x!tpu.dma_semaphore, #tpu.memory_space<semaphore_mem>> -> memref<1x!tpu.dma_semaphore, #tpu.memory_space<semaphore_mem>>
    %dma_start3A_196 = tpu.memref_squeeze %dma_start3A_195 : memref<1x!tpu.dma_semaphore, #tpu.memory_space<semaphore_mem>> -> memref<!tpu.dma_semaphore, #tpu.memory_space<semaphore_mem>>
    %dma_start3A_197 = arith.constant 0 : i32
    %dma_start3A_198 = tpu.memref_slice %arg4[%mul3A_186, %dma_start3A_197] : memref<16384x128xf32, #tpu.memory_space<hbm>> -> memref<128x128xf32, #tpu.memory_space<hbm>>
    %dma_start3A_199 = arith.constant 0 : i32
    %dma_start3A_200 = arith.constant 0 : i32
    %dma_start3A_201 = tpu.memref_slice %arg6[%dma_start3A_187, %dma_start3A_199, %dma_start3A_200] : memref<4x128x128xf32, #tpu.memory_space<vmem>> -> memref<1x128x128xf32, #tpu.memory_space<vmem>>
    %dma_start3A_202 = tpu.memref_squeeze %dma_start3A_201 : memref<1x128x128xf32, #tpu.memory_space<vmem>> -> memref<128x128xf32, #tpu.memory_space<vmem>>
    tpu.enqueue_dma source(%dma_start3A_202 : memref<128x128xf32, #tpu.memory_space<vmem>>) target(%dma_start3A_198 : memref<128x128xf32, #tpu.memory_space<hbm>>) target_semaphore(%dma_start3A_196 : memref<!tpu.dma_semaphore, #tpu.memory_space<semaphore_mem>>)
    %dma_wait3A_203 = arith.constant 0 : i32
    %dma_wait3A_204 = arith.constant 0 : i32
    %dma_wait3A_205 = arith.constant 0 : i32
    %dma_wait3A_206 = arith.constant 0 : i32
    %dma_wait3A_207 = tpu.memref_slice %arg6[%dma_wait3A_203, %dma_wait3A_205, %dma_wait3A_206] : memref<4x128x128xf32, #tpu.memory_space<vmem>> -> memref<1x128x128xf32, #tpu.memory_space<vmem>>
    %dma_wait3A_208 = tpu.memref_squeeze %dma_wait3A_207 : memref<1x128x128xf32, #tpu.memory_space<vmem>> -> memref<128x128xf32, #tpu.memory_space<vmem>>
    %dma_wait3A_209 = arith.constant 0 : i32
    %dma_wait3A_210 = tpu.memref_slice %arg4[%mul3A_81, %dma_wait3A_209] : memref<16384x128xf32, #tpu.memory_space<hbm>> -> memref<128x128xf32, #tpu.memory_space<hbm>>
    %dma_wait3A_211 = tpu.memref_slice %arg8[%dma_wait3A_204] : memref<4x!tpu.dma_semaphore, #tpu.memory_space<semaphore_mem>> -> memref<1x!tpu.dma_semaphore, #tpu.memory_space<semaphore_mem>>
    %dma_wait3A_212 = tpu.memref_squeeze %dma_wait3A_211 : memref<1x!tpu.dma_semaphore, #tpu.memory_space<semaphore_mem>> -> memref<!tpu.dma_semaphore, #tpu.memory_space<semaphore_mem>>
    %dma_wait3A_213 = arith.constant 0 : i32
    %dma_wait3A_214 = tpu.memref_slice %arg4[%mul3A_81, %dma_wait3A_213] : memref<16384x128xf32, #tpu.memory_space<hbm>> -> memref<128x128xf32, #tpu.memory_space<hbm>>
    %dma_wait3A_215 = arith.constant 0 : i32
    %dma_wait3A_216 = arith.constant 0 : i32
    %dma_wait3A_217 = tpu.memref_slice %arg6[%dma_wait3A_203, %dma_wait3A_215, %dma_wait3A_216] : memref<4x128x128xf32, #tpu.memory_space<vmem>> -> memref<1x128x128xf32, #tpu.memory_space<vmem>>
    %dma_wait3A_218 = tpu.memref_squeeze %dma_wait3A_217 : memref<1x128x128xf32, #tpu.memory_space<vmem>> -> memref<128x128xf32, #tpu.memory_space<vmem>>
    tpu.wait_dma2 semaphore(%dma_wait3A_212 : memref<!tpu.dma_semaphore, #tpu.memory_space<semaphore_mem>>) src(%dma_wait3A_218 : memref<128x128xf32, #tpu.memory_space<vmem>>) dst(%dma_wait3A_214 : memref<128x128xf32, #tpu.memory_space<hbm>>)
    %dma_wait3A_219 = arith.constant 1 : i32
    %dma_wait3A_220 = arith.constant 1 : i32
    %dma_wait3A_221 = arith.constant 0 : i32
    %dma_wait3A_222 = arith.constant 0 : i32
    %dma_wait3A_223 = tpu.memref_slice %arg6[%dma_wait3A_219, %dma_wait3A_221, %dma_wait3A_222] : memref<4x128x128xf32, #tpu.memory_space<vmem>> -> memref<1x128x128xf32, #tpu.memory_space<vmem>>
    %dma_wait3A_224 = tpu.memref_squeeze %dma_wait3A_223 : memref<1x128x128xf32, #tpu.memory_space<vmem>> -> memref<128x128xf32, #tpu.memory_space<vmem>>
    %dma_wait3A_225 = arith.constant 0 : i32
    %dma_wait3A_226 = tpu.memref_slice %arg4[%mul3A_116, %dma_wait3A_225] : memref<16384x128xf32, #tpu.memory_space<hbm>> -> memref<128x128xf32, #tpu.memory_space<hbm>>
    %dma_wait3A_227 = tpu.memref_slice %arg8[%dma_wait3A_220] : memref<4x!tpu.dma_semaphore, #tpu.memory_space<semaphore_mem>> -> memref<1x!tpu.dma_semaphore, #tpu.memory_space<semaphore_mem>>
    %dma_wait3A_228 = tpu.memref_squeeze %dma_wait3A_227 : memref<1x!tpu.dma_semaphore, #tpu.memory_space<semaphore_mem>> -> memref<!tpu.dma_semaphore, #tpu.memory_space<semaphore_mem>>
    %dma_wait3A_229 = arith.constant 0 : i32
    %dma_wait3A_230 = tpu.memref_slice %arg4[%mul3A_116, %dma_wait3A_229] : memref<16384x128xf32, #tpu.memory_space<hbm>> -> memref<128x128xf32, #tpu.memory_space<hbm>>
    %dma_wait3A_231 = arith.constant 0 : i32
    %dma_wait3A_232 = arith.constant 0 : i32
    %dma_wait3A_233 = tpu.memref_slice %arg6[%dma_wait3A_219, %dma_wait3A_231, %dma_wait3A_232] : memref<4x128x128xf32, #tpu.memory_space<vmem>> -> memref<1x128x128xf32, #tpu.memory_space<vmem>>
    %dma_wait3A_234 = tpu.memref_squeeze %dma_wait3A_233 : memref<1x128x128xf32, #tpu.memory_space<vmem>> -> memref<128x128xf32, #tpu.memory_space<vmem>>
    tpu.wait_dma2 semaphore(%dma_wait3A_228 : memref<!tpu.dma_semaphore, #tpu.memory_space<semaphore_mem>>) src(%dma_wait3A_234 : memref<128x128xf32, #tpu.memory_space<vmem>>) dst(%dma_wait3A_230 : memref<128x128xf32, #tpu.memory_space<hbm>>)
    %dma_wait3A_235 = arith.constant 2 : i32
    %dma_wait3A_236 = arith.constant 2 : i32
    %dma_wait3A_237 = arith.constant 0 : i32
    %dma_wait3A_238 = arith.constant 0 : i32
    %dma_wait3A_239 = tpu.memref_slice %arg6[%dma_wait3A_235, %dma_wait3A_237, %dma_wait3A_238] : memref<4x128x128xf32, #tpu.memory_space<vmem>> -> memref<1x128x128xf32, #tpu.memory_space<vmem>>
    %dma_wait3A_240 = tpu.memref_squeeze %dma_wait3A_239 : memref<1x128x128xf32, #tpu.memory_space<vmem>> -> memref<128x128xf32, #tpu.memory_space<vmem>>
    %dma_wait3A_241 = arith.constant 0 : i32
    %dma_wait3A_242 = tpu.memref_slice %arg4[%mul3A_151, %dma_wait3A_241] : memref<16384x128xf32, #tpu.memory_space<hbm>> -> memref<128x128xf32, #tpu.memory_space<hbm>>
    %dma_wait3A_243 = tpu.memref_slice %arg8[%dma_wait3A_236] : memref<4x!tpu.dma_semaphore, #tpu.memory_space<semaphore_mem>> -> memref<1x!tpu.dma_semaphore, #tpu.memory_space<semaphore_mem>>
    %dma_wait3A_244 = tpu.memref_squeeze %dma_wait3A_243 : memref<1x!tpu.dma_semaphore, #tpu.memory_space<semaphore_mem>> -> memref<!tpu.dma_semaphore, #tpu.memory_space<semaphore_mem>>
    %dma_wait3A_245 = arith.constant 0 : i32
    %dma_wait3A_246 = tpu.memref_slice %arg4[%mul3A_151, %dma_wait3A_245] : memref<16384x128xf32, #tpu.memory_space<hbm>> -> memref<128x128xf32, #tpu.memory_space<hbm>>
    %dma_wait3A_247 = arith.constant 0 : i32
    %dma_wait3A_248 = arith.constant 0 : i32
    %dma_wait3A_249 = tpu.memref_slice %arg6[%dma_wait3A_235, %dma_wait3A_247, %dma_wait3A_248] : memref<4x128x128xf32, #tpu.memory_space<vmem>> -> memref<1x128x128xf32, #tpu.memory_space<vmem>>
    %dma_wait3A_250 = tpu.memref_squeeze %dma_wait3A_249 : memref<1x128x128xf32, #tpu.memory_space<vmem>> -> memref<128x128xf32, #tpu.memory_space<vmem>>
    tpu.wait_dma2 semaphore(%dma_wait3A_244 : memref<!tpu.dma_semaphore, #tpu.memory_space<semaphore_mem>>) src(%dma_wait3A_250 : memref<128x128xf32, #tpu.memory_space<vmem>>) dst(%dma_wait3A_246 : memref<128x128xf32, #tpu.memory_space<hbm>>)
    %dma_wait3A_251 = arith.constant 3 : i32
    %dma_wait3A_252 = arith.constant 3 : i32
    %dma_wait3A_253 = arith.constant 0 : i32
    %dma_wait3A_254 = arith.constant 0 : i32
    %dma_wait3A_255 = tpu.memref_slice %arg6[%dma_wait3A_251, %dma_wait3A_253, %dma_wait3A_254] : memref<4x128x128xf32, #tpu.memory_space<vmem>> -> memref<1x128x128xf32, #tpu.memory_space<vmem>>
    %dma_wait3A_256 = tpu.memref_squeeze %dma_wait3A_255 : memref<1x128x128xf32, #tpu.memory_space<vmem>> -> memref<128x128xf32, #tpu.memory_space<vmem>>
    %dma_wait3A_257 = arith.constant 0 : i32
    %dma_wait3A_258 = tpu.memref_slice %arg4[%mul3A_186, %dma_wait3A_257] : memref<16384x128xf32, #tpu.memory_space<hbm>> -> memref<128x128xf32, #tpu.memory_space<hbm>>
    %dma_wait3A_259 = tpu.memref_slice %arg8[%dma_wait3A_252] : memref<4x!tpu.dma_semaphore, #tpu.memory_space<semaphore_mem>> -> memref<1x!tpu.dma_semaphore, #tpu.memory_space<semaphore_mem>>
    %dma_wait3A_260 = tpu.memref_squeeze %dma_wait3A_259 : memref<1x!tpu.dma_semaphore, #tpu.memory_space<semaphore_mem>> -> memref<!tpu.dma_semaphore, #tpu.memory_space<semaphore_mem>>
    %dma_wait3A_261 = arith.constant 0 : i32
    %dma_wait3A_262 = tpu.memref_slice %arg4[%mul3A_186, %dma_wait3A_261] : memref<16384x128xf32, #tpu.memory_space<hbm>> -> memref<128x128xf32, #tpu.memory_space<hbm>>
    %dma_wait3A_263 = arith.constant 0 : i32
    %dma_wait3A_264 = arith.constant 0 : i32
    %dma_wait3A_265 = tpu.memref_slice %arg6[%dma_wait3A_251, %dma_wait3A_263, %dma_wait3A_264] : memref<4x128x128xf32, #tpu.memory_space<vmem>> -> memref<1x128x128xf32, #tpu.memory_space<vmem>>
    %dma_wait3A_266 = tpu.memref_squeeze %dma_wait3A_265 : memref<1x128x128xf32, #tpu.memory_space<vmem>> -> memref<128x128xf32, #tpu.memory_space<vmem>>
    tpu.wait_dma2 semaphore(%dma_wait3A_260 : memref<!tpu.dma_semaphore, #tpu.memory_space<semaphore_mem>>) src(%dma_wait3A_266 : memref<128x128xf32, #tpu.memory_space<vmem>>) dst(%dma_wait3A_262 : memref<128x128xf32, #tpu.memory_space<hbm>>)
    return
  }
}

#map = affine_map<(d0, d1) -> (0, 0)>
module attributes {stable_mosaic.version = 14 : i64} {
  func.func @k(%arg0: i32, %arg1: i32, %arg2: memref<262144x128xf32, #tpu.memory_space<hbm>>, %arg3: memref<512x128xi32, #tpu.memory_space<hbm>>, %arg4: memref<16384x128xf32, #tpu.memory_space<hbm>>, %arg5: memref<4x128xi32, #tpu.memory_space<vmem>>, %arg6: memref<4x128x128xf32, #tpu.memory_space<vmem>>, %arg7: memref<4x!tpu.dma_semaphore, #tpu.memory_space<semaphore_mem>>, %arg8: memref<4x!tpu.dma_semaphore, #tpu.memory_space<semaphore_mem>>) attributes {dimension_semantics = [#tpu.dimension_semantics<core_parallel>, #tpu.dimension_semantics<subcore_parallel>], iteration_bounds = array<i64: 2, 16>, scalar_prefetch = 0 : i64, scratch_operands = 4 : i64, tpu.core_type = #tpu.core_type<sc_vector_subcore>, window_params = [{transform_indices = #map}, {transform_indices = #map}, {transform_indices = #map}]} {
    %mul3A = arith.constant 2 : i32
    %mul3A_0 = arith.muli %arg1, %mul3A : i32
    %add3A = arith.addi %mul3A_0, %arg0 : i32
    %mul3A_1 = arith.constant 4 : i32
    %mul3A_2 = arith.muli %add3A, %mul3A_1 : i32
    %add3A_3 = arith.constant 384 : i32
    %add3A_4 = arith.addi %add3A_3, %mul3A_2 : i32
    "tpu.region"() ({
      %run_scoped3A = tpu.sem_alloc : memref<!tpu.dma_semaphore, #tpu.memory_space<semaphore_mem>>
      %dma_start3A_267 = arith.constant 0 : i32
      %dma_start3A_268 = tpu.memref_slice %arg3[%add3A_4, %dma_start3A_267] : memref<512x128xi32, #tpu.memory_space<hbm>> -> memref<4x128xi32, #tpu.memory_space<hbm>>
      %dma_start3A_269 = arith.constant 0 : i32
      %dma_start3A_270 = tpu.memref_slice %arg3[%add3A_4, %dma_start3A_269] : memref<512x128xi32, #tpu.memory_space<hbm>> -> memref<4x128xi32, #tpu.memory_space<hbm>>
      tpu.enqueue_dma source(%dma_start3A_270 : memref<4x128xi32, #tpu.memory_space<hbm>>) target(%arg5 : memref<4x128xi32, #tpu.memory_space<vmem>>) target_semaphore(%run_scoped3A : memref<!tpu.dma_semaphore, #tpu.memory_space<semaphore_mem>>)
      %dma_wait3A_271 = arith.constant 0 : i32
      %dma_wait3A_272 = tpu.memref_slice %arg3[%add3A_4, %dma_wait3A_271] : memref<512x128xi32, #tpu.memory_space<hbm>> -> memref<4x128xi32, #tpu.memory_space<hbm>>
      %dma_wait3A_273 = arith.constant 0 : i32
      %dma_wait3A_274 = tpu.memref_slice %arg3[%add3A_4, %dma_wait3A_273] : memref<512x128xi32, #tpu.memory_space<hbm>> -> memref<4x128xi32, #tpu.memory_space<hbm>>
      tpu.wait_dma2 semaphore(%run_scoped3A : memref<!tpu.dma_semaphore, #tpu.memory_space<semaphore_mem>>) src(%dma_wait3A_274 : memref<4x128xi32, #tpu.memory_space<hbm>>) dst(%arg5 : memref<4x128xi32, #tpu.memory_space<vmem>>)
      tpu.yield
    }) : () -> ()
    %dma_start3A = arith.constant 0 : i32
    %dma_start3A_5 = arith.constant 0 : i32
    %dma_start3A_6 = arith.constant 0 : i32
    %dma_start3A_7 = arith.constant 0 : i32
    %dma_start3A_8 = arith.constant 0 : i32
    %dma_start3A_9 = tpu.memref_slice %arg6[%dma_start3A_5, %dma_start3A_7, %dma_start3A_8] : memref<4x128x128xf32, #tpu.memory_space<vmem>> -> memref<1x128x128xf32, #tpu.memory_space<vmem>>
    %dma_start3A_10 = tpu.memref_squeeze %dma_start3A_9 : memref<1x128x128xf32, #tpu.memory_space<vmem>> -> memref<128x128xf32, #tpu.memory_space<vmem>>
    %dma_start3A_11 = arith.constant 0 : i32
    %dma_start3A_12 = tpu.memref_slice %arg5[%dma_start3A, %dma_start3A_11] : memref<4x128xi32, #tpu.memory_space<vmem>> -> memref<1x128xi32, #tpu.memory_space<vmem>>
    %dma_start3A_13 = tpu.memref_squeeze %dma_start3A_12 : memref<1x128xi32, #tpu.memory_space<vmem>> -> memref<128xi32, #tpu.memory_space<vmem>>
    %dma_start3A_14 = arith.constant 0 : i32
    %dma_start3A_15 = arith.constant 0 : i32
    %dma_start3A_16 = tpu.memref_slice %arg2[%dma_start3A_14, %dma_start3A_15] : memref<262144x128xf32, #tpu.memory_space<hbm>> -> memref<262144x128xf32, #tpu.memory_space<hbm>>
    %dma_start3A_17 = tpu.memref_slice %arg7[%dma_start3A_6] : memref<4x!tpu.dma_semaphore, #tpu.memory_space<semaphore_mem>> -> memref<1x!tpu.dma_semaphore, #tpu.memory_space<semaphore_mem>>
    %dma_start3A_18 = tpu.memref_squeeze %dma_start3A_17 : memref<1x!tpu.dma_semaphore, #tpu.memory_space<semaphore_mem>> -> memref<!tpu.dma_semaphore, #tpu.memory_space<semaphore_mem>>
    tpu.enqueue_indirect_dma source(%dma_start3A_16 : memref<262144x128xf32, #tpu.memory_space<hbm>>) target(%dma_start3A_10 : memref<128x128xf32, #tpu.memory_space<vmem>>) offsets(%dma_start3A_13 : memref<128xi32, #tpu.memory_space<vmem>>) semaphore(%dma_start3A_18 : memref<!tpu.dma_semaphore, #tpu.memory_space<semaphore_mem>>)
    %dma_start3A_19 = arith.constant 1 : i32
    %dma_start3A_20 = arith.constant 1 : i32
    %dma_start3A_21 = arith.constant 1 : i32
    %dma_start3A_22 = arith.constant 0 : i32
    %dma_start3A_23 = arith.constant 0 : i32
    %dma_start3A_24 = tpu.memref_slice %arg6[%dma_start3A_20, %dma_start3A_22, %dma_start3A_23] : memref<4x128x128xf32, #tpu.memory_space<vmem>> -> memref<1x128x128xf32, #tpu.memory_space<vmem>>
    %dma_start3A_25 = tpu.memref_squeeze %dma_start3A_24 : memref<1x128x128xf32, #tpu.memory_space<vmem>> -> memref<128x128xf32, #tpu.memory_space<vmem>>
    %dma_start3A_26 = arith.constant 0 : i32
    %dma_start3A_27 = tpu.memref_slice %arg5[%dma_start3A_19, %dma_start3A_26] : memref<4x128xi32, #tpu.memory_space<vmem>> -> memref<1x128xi32, #tpu.memory_space<vmem>>
    %dma_start3A_28 = tpu.memref_squeeze %dma_start3A_27 : memref<1x128xi32, #tpu.memory_space<vmem>> -> memref<128xi32, #tpu.memory_space<vmem>>
    %dma_start3A_29 = arith.constant 0 : i32
    %dma_start3A_30 = arith.constant 0 : i32
    %dma_start3A_31 = tpu.memref_slice %arg2[%dma_start3A_29, %dma_start3A_30] : memref<262144x128xf32, #tpu.memory_space<hbm>> -> memref<262144x128xf32, #tpu.memory_space<hbm>>
    %dma_start3A_32 = tpu.memref_slice %arg7[%dma_start3A_21] : memref<4x!tpu.dma_semaphore, #tpu.memory_space<semaphore_mem>> -> memref<1x!tpu.dma_semaphore, #tpu.memory_space<semaphore_mem>>
    %dma_start3A_33 = tpu.memref_squeeze %dma_start3A_32 : memref<1x!tpu.dma_semaphore, #tpu.memory_space<semaphore_mem>> -> memref<!tpu.dma_semaphore, #tpu.memory_space<semaphore_mem>>
    tpu.enqueue_indirect_dma source(%dma_start3A_31 : memref<262144x128xf32, #tpu.memory_space<hbm>>) target(%dma_start3A_25 : memref<128x128xf32, #tpu.memory_space<vmem>>) offsets(%dma_start3A_28 : memref<128xi32, #tpu.memory_space<vmem>>) semaphore(%dma_start3A_33 : memref<!tpu.dma_semaphore, #tpu.memory_space<semaphore_mem>>)
    %dma_start3A_34 = arith.constant 2 : i32
    %dma_start3A_35 = arith.constant 2 : i32
    %dma_start3A_36 = arith.constant 2 : i32
    %dma_start3A_37 = arith.constant 0 : i32
    %dma_start3A_38 = arith.constant 0 : i32
    %dma_start3A_39 = tpu.memref_slice %arg6[%dma_start3A_35, %dma_start3A_37, %dma_start3A_38] : memref<4x128x128xf32, #tpu.memory_space<vmem>> -> memref<1x128x128xf32, #tpu.memory_space<vmem>>
    %dma_start3A_40 = tpu.memref_squeeze %dma_start3A_39 : memref<1x128x128xf32, #tpu.memory_space<vmem>> -> memref<128x128xf32, #tpu.memory_space<vmem>>
    %dma_start3A_41 = arith.constant 0 : i32
    %dma_start3A_42 = tpu.memref_slice %arg5[%dma_start3A_34, %dma_start3A_41] : memref<4x128xi32, #tpu.memory_space<vmem>> -> memref<1x128xi32, #tpu.memory_space<vmem>>
    %dma_start3A_43 = tpu.memref_squeeze %dma_start3A_42 : memref<1x128xi32, #tpu.memory_space<vmem>> -> memref<128xi32, #tpu.memory_space<vmem>>
    %dma_start3A_44 = arith.constant 0 : i32
    %dma_start3A_45 = arith.constant 0 : i32
    %dma_start3A_46 = tpu.memref_slice %arg2[%dma_start3A_44, %dma_start3A_45] : memref<262144x128xf32, #tpu.memory_space<hbm>> -> memref<262144x128xf32, #tpu.memory_space<hbm>>
    %dma_start3A_47 = tpu.memref_slice %arg7[%dma_start3A_36] : memref<4x!tpu.dma_semaphore, #tpu.memory_space<semaphore_mem>> -> memref<1x!tpu.dma_semaphore, #tpu.memory_space<semaphore_mem>>
    %dma_start3A_48 = tpu.memref_squeeze %dma_start3A_47 : memref<1x!tpu.dma_semaphore, #tpu.memory_space<semaphore_mem>> -> memref<!tpu.dma_semaphore, #tpu.memory_space<semaphore_mem>>
    tpu.enqueue_indirect_dma source(%dma_start3A_46 : memref<262144x128xf32, #tpu.memory_space<hbm>>) target(%dma_start3A_40 : memref<128x128xf32, #tpu.memory_space<vmem>>) offsets(%dma_start3A_43 : memref<128xi32, #tpu.memory_space<vmem>>) semaphore(%dma_start3A_48 : memref<!tpu.dma_semaphore, #tpu.memory_space<semaphore_mem>>)
    %dma_start3A_49 = arith.constant 3 : i32
    %dma_start3A_50 = arith.constant 3 : i32
    %dma_start3A_51 = arith.constant 3 : i32
    %dma_start3A_52 = arith.constant 0 : i32
    %dma_start3A_53 = arith.constant 0 : i32
    %dma_start3A_54 = tpu.memref_slice %arg6[%dma_start3A_50, %dma_start3A_52, %dma_start3A_53] : memref<4x128x128xf32, #tpu.memory_space<vmem>> -> memref<1x128x128xf32, #tpu.memory_space<vmem>>
    %dma_start3A_55 = tpu.memref_squeeze %dma_start3A_54 : memref<1x128x128xf32, #tpu.memory_space<vmem>> -> memref<128x128xf32, #tpu.memory_space<vmem>>
    %dma_start3A_56 = arith.constant 0 : i32
    %dma_start3A_57 = tpu.memref_slice %arg5[%dma_start3A_49, %dma_start3A_56] : memref<4x128xi32, #tpu.memory_space<vmem>> -> memref<1x128xi32, #tpu.memory_space<vmem>>
    %dma_start3A_58 = tpu.memref_squeeze %dma_start3A_57 : memref<1x128xi32, #tpu.memory_space<vmem>> -> memref<128xi32, #tpu.memory_space<vmem>>
    %dma_start3A_59 = arith.constant 0 : i32
    %dma_start3A_60 = arith.constant 0 : i32
    %dma_start3A_61 = tpu.memref_slice %arg2[%dma_start3A_59, %dma_start3A_60] : memref<262144x128xf32, #tpu.memory_space<hbm>> -> memref<262144x128xf32, #tpu.memory_space<hbm>>
    %dma_start3A_62 = tpu.memref_slice %arg7[%dma_start3A_51] : memref<4x!tpu.dma_semaphore, #tpu.memory_space<semaphore_mem>> -> memref<1x!tpu.dma_semaphore, #tpu.memory_space<semaphore_mem>>
    %dma_start3A_63 = tpu.memref_squeeze %dma_start3A_62 : memref<1x!tpu.dma_semaphore, #tpu.memory_space<semaphore_mem>> -> memref<!tpu.dma_semaphore, #tpu.memory_space<semaphore_mem>>
    tpu.enqueue_indirect_dma source(%dma_start3A_61 : memref<262144x128xf32, #tpu.memory_space<hbm>>) target(%dma_start3A_55 : memref<128x128xf32, #tpu.memory_space<vmem>>) offsets(%dma_start3A_58 : memref<128xi32, #tpu.memory_space<vmem>>) semaphore(%dma_start3A_63 : memref<!tpu.dma_semaphore, #tpu.memory_space<semaphore_mem>>)
    %dma_wait3A = arith.constant 0 : i32
    %dma_wait3A_64 = arith.constant 0 : i32
    %dma_wait3A_65 = arith.constant 0 : i32
    %dma_wait3A_66 = arith.constant 0 : i32
    %dma_wait3A_67 = arith.constant 0 : i32
    %dma_wait3A_68 = tpu.memref_slice %arg6[%dma_wait3A_64, %dma_wait3A_66, %dma_wait3A_67] : memref<4x128x128xf32, #tpu.memory_space<vmem>> -> memref<1x128x128xf32, #tpu.memory_space<vmem>>
    %dma_wait3A_69 = tpu.memref_squeeze %dma_wait3A_68 : memref<1x128x128xf32, #tpu.memory_space<vmem>> -> memref<128x128xf32, #tpu.memory_space<vmem>>
    %dma_wait3A_70 = arith.constant 0 : i32
    %dma_wait3A_71 = tpu.memref_slice %arg5[%dma_wait3A, %dma_wait3A_70] : memref<4x128xi32, #tpu.memory_space<vmem>> -> memref<1x128xi32, #tpu.memory_space<vmem>>
    %dma_wait3A_72 = tpu.memref_squeeze %dma_wait3A_71 : memref<1x128xi32, #tpu.memory_space<vmem>> -> memref<128xi32, #tpu.memory_space<vmem>>
    %dma_wait3A_73 = arith.constant 0 : i32
    %dma_wait3A_74 = arith.constant 0 : i32
    %dma_wait3A_75 = tpu.memref_slice %arg2[%dma_wait3A_73, %dma_wait3A_74] : memref<262144x128xf32, #tpu.memory_space<hbm>> -> memref<262144x128xf32, #tpu.memory_space<hbm>>
    %dma_wait3A_76 = tpu.memref_slice %arg7[%dma_wait3A_65] : memref<4x!tpu.dma_semaphore, #tpu.memory_space<semaphore_mem>> -> memref<1x!tpu.dma_semaphore, #tpu.memory_space<semaphore_mem>>
    %dma_wait3A_77 = tpu.memref_squeeze %dma_wait3A_76 : memref<1x!tpu.dma_semaphore, #tpu.memory_space<semaphore_mem>> -> memref<!tpu.dma_semaphore, #tpu.memory_space<semaphore_mem>>
    tpu.wait_indirect_dma semaphore(%dma_wait3A_77 : memref<!tpu.dma_semaphore, #tpu.memory_space<semaphore_mem>>) src(%dma_wait3A_75 : memref<262144x128xf32, #tpu.memory_space<hbm>>) dst(%dma_wait3A_69 : memref<128x128xf32, #tpu.memory_space<vmem>>)
    %add3A_78 = arith.constant 0 : i32
    %add3A_79 = arith.addi %mul3A_2, %add3A_78 : i32
    %mul3A_80 = arith.constant 128 : i32
    %mul3A_81 = arith.muli %add3A_79, %mul3A_80 : i32
    %dma_start3A_82 = arith.constant 0 : i32
    %dma_start3A_83 = arith.constant 0 : i32
    %dma_start3A_84 = arith.constant 0 : i32
    %dma_start3A_85 = arith.constant 0 : i32
    %dma_start3A_86 = tpu.memref_slice %arg6[%dma_start3A_82, %dma_start3A_84, %dma_start3A_85] : memref<4x128x128xf32, #tpu.memory_space<vmem>> -> memref<1x128x128xf32, #tpu.memory_space<vmem>>
    %dma_start3A_87 = tpu.memref_squeeze %dma_start3A_86 : memref<1x128x128xf32, #tpu.memory_space<vmem>> -> memref<128x128xf32, #tpu.memory_space<vmem>>
    %dma_start3A_88 = arith.constant 0 : i32
    %dma_start3A_89 = tpu.memref_slice %arg4[%mul3A_81, %dma_start3A_88] : memref<16384x128xf32, #tpu.memory_space<hbm>> -> memref<128x128xf32, #tpu.memory_space<hbm>>
    %dma_start3A_90 = tpu.memref_slice %arg8[%dma_start3A_83] : memref<4x!tpu.dma_semaphore, #tpu.memory_space<semaphore_mem>> -> memref<1x!tpu.dma_semaphore, #tpu.memory_space<semaphore_mem>>
    %dma_start3A_91 = tpu.memref_squeeze %dma_start3A_90 : memref<1x!tpu.dma_semaphore, #tpu.memory_space<semaphore_mem>> -> memref<!tpu.dma_semaphore, #tpu.memory_space<semaphore_mem>>
    %dma_start3A_92 = arith.constant 0 : i32
    %dma_start3A_93 = tpu.memref_slice %arg4[%mul3A_81, %dma_start3A_92] : memref<16384x128xf32, #tpu.memory_space<hbm>> -> memref<128x128xf32, #tpu.memory_space<hbm>>
    %dma_start3A_94 = arith.constant 0 : i32
    %dma_start3A_95 = arith.constant 0 : i32
    %dma_start3A_96 = tpu.memref_slice %arg6[%dma_start3A_82, %dma_start3A_94, %dma_start3A_95] : memref<4x128x128xf32, #tpu.memory_space<vmem>> -> memref<1x128x128xf32, #tpu.memory_space<vmem>>
    %dma_start3A_97 = tpu.memref_squeeze %dma_start3A_96 : memref<1x128x128xf32, #tpu.memory_space<vmem>> -> memref<128x128xf32, #tpu.memory_space<vmem>>
    tpu.enqueue_dma source(%dma_start3A_97 : memref<128x128xf32, #tpu.memory_space<vmem>>) target(%dma_start3A_93 : memref<128x128xf32, #tpu.memory_space<hbm>>) target_semaphore(%dma_start3A_91 : memref<!tpu.dma_semaphore, #tpu.memory_space<semaphore_mem>>)
    %dma_wait3A_98 = arith.constant 1 : i32
    %dma_wait3A_99 = arith.constant 1 : i32
    %dma_wait3A_100 = arith.constant 1 : i32
    %dma_wait3A_101 = arith.constant 0 : i32
    %dma_wait3A_102 = arith.constant 0 : i32
    %dma_wait3A_103 = tpu.memref_slice %arg6[%dma_wait3A_99, %dma_wait3A_101, %dma_wait3A_102] : memref<4x128x128xf32, #tpu.memory_space<vmem>> -> memref<1x128x128xf32, #tpu.memory_space<vmem>>
    %dma_wait3A_104 = tpu.memref_squeeze %dma_wait3A_103 : memref<1x128x128xf32, #tpu.memory_space<vmem>> -> memref<128x128xf32, #tpu.memory_space<vmem>>
    %dma_wait3A_105 = arith.constant 0 : i32
    %dma_wait3A_106 = tpu.memref_slice %arg5[%dma_wait3A_98, %dma_wait3A_105] : memref<4x128xi32, #tpu.memory_space<vmem>> -> memref<1x128xi32, #tpu.memory_space<vmem>>
    %dma_wait3A_107 = tpu.memref_squeeze %dma_wait3A_106 : memref<1x128xi32, #tpu.memory_space<vmem>> -> memref<128xi32, #tpu.memory_space<vmem>>
    %dma_wait3A_108 = arith.constant 0 : i32
    %dma_wait3A_109 = arith.constant 0 : i32
    %dma_wait3A_110 = tpu.memref_slice %arg2[%dma_wait3A_108, %dma_wait3A_109] : memref<262144x128xf32, #tpu.memory_space<hbm>> -> memref<262144x128xf32, #tpu.memory_space<hbm>>
    %dma_wait3A_111 = tpu.memref_slice %arg7[%dma_wait3A_100] : memref<4x!tpu.dma_semaphore, #tpu.memory_space<semaphore_mem>> -> memref<1x!tpu.dma_semaphore, #tpu.memory_space<semaphore_mem>>
    %dma_wait3A_112 = tpu.memref_squeeze %dma_wait3A_111 : memref<1x!tpu.dma_semaphore, #tpu.memory_space<semaphore_mem>> -> memref<!tpu.dma_semaphore, #tpu.memory_space<semaphore_mem>>
    tpu.wait_indirect_dma semaphore(%dma_wait3A_112 : memref<!tpu.dma_semaphore, #tpu.memory_space<semaphore_mem>>) src(%dma_wait3A_110 : memref<262144x128xf32, #tpu.memory_space<hbm>>) dst(%dma_wait3A_104 : memref<128x128xf32, #tpu.memory_space<vmem>>)
    %add3A_113 = arith.constant 1 : i32
    %add3A_114 = arith.addi %mul3A_2, %add3A_113 : i32
    %mul3A_115 = arith.constant 128 : i32
    %mul3A_116 = arith.muli %add3A_114, %mul3A_115 : i32
    %dma_start3A_117 = arith.constant 1 : i32
    %dma_start3A_118 = arith.constant 1 : i32
    %dma_start3A_119 = arith.constant 0 : i32
    %dma_start3A_120 = arith.constant 0 : i32
    %dma_start3A_121 = tpu.memref_slice %arg6[%dma_start3A_117, %dma_start3A_119, %dma_start3A_120] : memref<4x128x128xf32, #tpu.memory_space<vmem>> -> memref<1x128x128xf32, #tpu.memory_space<vmem>>
    %dma_start3A_122 = tpu.memref_squeeze %dma_start3A_121 : memref<1x128x128xf32, #tpu.memory_space<vmem>> -> memref<128x128xf32, #tpu.memory_space<vmem>>
    %dma_start3A_123 = arith.constant 0 : i32
    %dma_start3A_124 = tpu.memref_slice %arg4[%mul3A_116, %dma_start3A_123] : memref<16384x128xf32, #tpu.memory_space<hbm>> -> memref<128x128xf32, #tpu.memory_space<hbm>>
    %dma_start3A_125 = tpu.memref_slice %arg8[%dma_start3A_118] : memref<4x!tpu.dma_semaphore, #tpu.memory_space<semaphore_mem>> -> memref<1x!tpu.dma_semaphore, #tpu.memory_space<semaphore_mem>>
    %dma_start3A_126 = tpu.memref_squeeze %dma_start3A_125 : memref<1x!tpu.dma_semaphore, #tpu.memory_space<semaphore_mem>> -> memref<!tpu.dma_semaphore, #tpu.memory_space<semaphore_mem>>
    %dma_start3A_127 = arith.constant 0 : i32
    %dma_start3A_128 = tpu.memref_slice %arg4[%mul3A_116, %dma_start3A_127] : memref<16384x128xf32, #tpu.memory_space<hbm>> -> memref<128x128xf32, #tpu.memory_space<hbm>>
    %dma_start3A_129 = arith.constant 0 : i32
    %dma_start3A_130 = arith.constant 0 : i32
    %dma_start3A_131 = tpu.memref_slice %arg6[%dma_start3A_117, %dma_start3A_129, %dma_start3A_130] : memref<4x128x128xf32, #tpu.memory_space<vmem>> -> memref<1x128x128xf32, #tpu.memory_space<vmem>>
    %dma_start3A_132 = tpu.memref_squeeze %dma_start3A_131 : memref<1x128x128xf32, #tpu.memory_space<vmem>> -> memref<128x128xf32, #tpu.memory_space<vmem>>
    tpu.enqueue_dma source(%dma_start3A_132 : memref<128x128xf32, #tpu.memory_space<vmem>>) target(%dma_start3A_128 : memref<128x128xf32, #tpu.memory_space<hbm>>) target_semaphore(%dma_start3A_126 : memref<!tpu.dma_semaphore, #tpu.memory_space<semaphore_mem>>)
    %dma_wait3A_133 = arith.constant 2 : i32
    %dma_wait3A_134 = arith.constant 2 : i32
    %dma_wait3A_135 = arith.constant 2 : i32
    %dma_wait3A_136 = arith.constant 0 : i32
    %dma_wait3A_137 = arith.constant 0 : i32
    %dma_wait3A_138 = tpu.memref_slice %arg6[%dma_wait3A_134, %dma_wait3A_136, %dma_wait3A_137] : memref<4x128x128xf32, #tpu.memory_space<vmem>> -> memref<1x128x128xf32, #tpu.memory_space<vmem>>
    %dma_wait3A_139 = tpu.memref_squeeze %dma_wait3A_138 : memref<1x128x128xf32, #tpu.memory_space<vmem>> -> memref<128x128xf32, #tpu.memory_space<vmem>>
    %dma_wait3A_140 = arith.constant 0 : i32
    %dma_wait3A_141 = tpu.memref_slice %arg5[%dma_wait3A_133, %dma_wait3A_140] : memref<4x128xi32, #tpu.memory_space<vmem>> -> memref<1x128xi32, #tpu.memory_space<vmem>>
    %dma_wait3A_142 = tpu.memref_squeeze %dma_wait3A_141 : memref<1x128xi32, #tpu.memory_space<vmem>> -> memref<128xi32, #tpu.memory_space<vmem>>
    %dma_wait3A_143 = arith.constant 0 : i32
    %dma_wait3A_144 = arith.constant 0 : i32
    %dma_wait3A_145 = tpu.memref_slice %arg2[%dma_wait3A_143, %dma_wait3A_144] : memref<262144x128xf32, #tpu.memory_space<hbm>> -> memref<262144x128xf32, #tpu.memory_space<hbm>>
    %dma_wait3A_146 = tpu.memref_slice %arg7[%dma_wait3A_135] : memref<4x!tpu.dma_semaphore, #tpu.memory_space<semaphore_mem>> -> memref<1x!tpu.dma_semaphore, #tpu.memory_space<semaphore_mem>>
    %dma_wait3A_147 = tpu.memref_squeeze %dma_wait3A_146 : memref<1x!tpu.dma_semaphore, #tpu.memory_space<semaphore_mem>> -> memref<!tpu.dma_semaphore, #tpu.memory_space<semaphore_mem>>
    tpu.wait_indirect_dma semaphore(%dma_wait3A_147 : memref<!tpu.dma_semaphore, #tpu.memory_space<semaphore_mem>>) src(%dma_wait3A_145 : memref<262144x128xf32, #tpu.memory_space<hbm>>) dst(%dma_wait3A_139 : memref<128x128xf32, #tpu.memory_space<vmem>>)
    %add3A_148 = arith.constant 2 : i32
    %add3A_149 = arith.addi %mul3A_2, %add3A_148 : i32
    %mul3A_150 = arith.constant 128 : i32
    %mul3A_151 = arith.muli %add3A_149, %mul3A_150 : i32
    %dma_start3A_152 = arith.constant 2 : i32
    %dma_start3A_153 = arith.constant 2 : i32
    %dma_start3A_154 = arith.constant 0 : i32
    %dma_start3A_155 = arith.constant 0 : i32
    %dma_start3A_156 = tpu.memref_slice %arg6[%dma_start3A_152, %dma_start3A_154, %dma_start3A_155] : memref<4x128x128xf32, #tpu.memory_space<vmem>> -> memref<1x128x128xf32, #tpu.memory_space<vmem>>
    %dma_start3A_157 = tpu.memref_squeeze %dma_start3A_156 : memref<1x128x128xf32, #tpu.memory_space<vmem>> -> memref<128x128xf32, #tpu.memory_space<vmem>>
    %dma_start3A_158 = arith.constant 0 : i32
    %dma_start3A_159 = tpu.memref_slice %arg4[%mul3A_151, %dma_start3A_158] : memref<16384x128xf32, #tpu.memory_space<hbm>> -> memref<128x128xf32, #tpu.memory_space<hbm>>
    %dma_start3A_160 = tpu.memref_slice %arg8[%dma_start3A_153] : memref<4x!tpu.dma_semaphore, #tpu.memory_space<semaphore_mem>> -> memref<1x!tpu.dma_semaphore, #tpu.memory_space<semaphore_mem>>
    %dma_start3A_161 = tpu.memref_squeeze %dma_start3A_160 : memref<1x!tpu.dma_semaphore, #tpu.memory_space<semaphore_mem>> -> memref<!tpu.dma_semaphore, #tpu.memory_space<semaphore_mem>>
    %dma_start3A_162 = arith.constant 0 : i32
    %dma_start3A_163 = tpu.memref_slice %arg4[%mul3A_151, %dma_start3A_162] : memref<16384x128xf32, #tpu.memory_space<hbm>> -> memref<128x128xf32, #tpu.memory_space<hbm>>
    %dma_start3A_164 = arith.constant 0 : i32
    %dma_start3A_165 = arith.constant 0 : i32
    %dma_start3A_166 = tpu.memref_slice %arg6[%dma_start3A_152, %dma_start3A_164, %dma_start3A_165] : memref<4x128x128xf32, #tpu.memory_space<vmem>> -> memref<1x128x128xf32, #tpu.memory_space<vmem>>
    %dma_start3A_167 = tpu.memref_squeeze %dma_start3A_166 : memref<1x128x128xf32, #tpu.memory_space<vmem>> -> memref<128x128xf32, #tpu.memory_space<vmem>>
    tpu.enqueue_dma source(%dma_start3A_167 : memref<128x128xf32, #tpu.memory_space<vmem>>) target(%dma_start3A_163 : memref<128x128xf32, #tpu.memory_space<hbm>>) target_semaphore(%dma_start3A_161 : memref<!tpu.dma_semaphore, #tpu.memory_space<semaphore_mem>>)
    %dma_wait3A_168 = arith.constant 3 : i32
    %dma_wait3A_169 = arith.constant 3 : i32
    %dma_wait3A_170 = arith.constant 3 : i32
    %dma_wait3A_171 = arith.constant 0 : i32
    %dma_wait3A_172 = arith.constant 0 : i32
    %dma_wait3A_173 = tpu.memref_slice %arg6[%dma_wait3A_169, %dma_wait3A_171, %dma_wait3A_172] : memref<4x128x128xf32, #tpu.memory_space<vmem>> -> memref<1x128x128xf32, #tpu.memory_space<vmem>>
    %dma_wait3A_174 = tpu.memref_squeeze %dma_wait3A_173 : memref<1x128x128xf32, #tpu.memory_space<vmem>> -> memref<128x128xf32, #tpu.memory_space<vmem>>
    %dma_wait3A_175 = arith.constant 0 : i32
    %dma_wait3A_176 = tpu.memref_slice %arg5[%dma_wait3A_168, %dma_wait3A_175] : memref<4x128xi32, #tpu.memory_space<vmem>> -> memref<1x128xi32, #tpu.memory_space<vmem>>
    %dma_wait3A_177 = tpu.memref_squeeze %dma_wait3A_176 : memref<1x128xi32, #tpu.memory_space<vmem>> -> memref<128xi32, #tpu.memory_space<vmem>>
    %dma_wait3A_178 = arith.constant 0 : i32
    %dma_wait3A_179 = arith.constant 0 : i32
    %dma_wait3A_180 = tpu.memref_slice %arg2[%dma_wait3A_178, %dma_wait3A_179] : memref<262144x128xf32, #tpu.memory_space<hbm>> -> memref<262144x128xf32, #tpu.memory_space<hbm>>
    %dma_wait3A_181 = tpu.memref_slice %arg7[%dma_wait3A_170] : memref<4x!tpu.dma_semaphore, #tpu.memory_space<semaphore_mem>> -> memref<1x!tpu.dma_semaphore, #tpu.memory_space<semaphore_mem>>
    %dma_wait3A_182 = tpu.memref_squeeze %dma_wait3A_181 : memref<1x!tpu.dma_semaphore, #tpu.memory_space<semaphore_mem>> -> memref<!tpu.dma_semaphore, #tpu.memory_space<semaphore_mem>>
    tpu.wait_indirect_dma semaphore(%dma_wait3A_182 : memref<!tpu.dma_semaphore, #tpu.memory_space<semaphore_mem>>) src(%dma_wait3A_180 : memref<262144x128xf32, #tpu.memory_space<hbm>>) dst(%dma_wait3A_174 : memref<128x128xf32, #tpu.memory_space<vmem>>)
    %add3A_183 = arith.constant 3 : i32
    %add3A_184 = arith.addi %mul3A_2, %add3A_183 : i32
    %mul3A_185 = arith.constant 128 : i32
    %mul3A_186 = arith.muli %add3A_184, %mul3A_185 : i32
    %dma_start3A_187 = arith.constant 3 : i32
    %dma_start3A_188 = arith.constant 3 : i32
    %dma_start3A_189 = arith.constant 0 : i32
    %dma_start3A_190 = arith.constant 0 : i32
    %dma_start3A_191 = tpu.memref_slice %arg6[%dma_start3A_187, %dma_start3A_189, %dma_start3A_190] : memref<4x128x128xf32, #tpu.memory_space<vmem>> -> memref<1x128x128xf32, #tpu.memory_space<vmem>>
    %dma_start3A_192 = tpu.memref_squeeze %dma_start3A_191 : memref<1x128x128xf32, #tpu.memory_space<vmem>> -> memref<128x128xf32, #tpu.memory_space<vmem>>
    %dma_start3A_193 = arith.constant 0 : i32
    %dma_start3A_194 = tpu.memref_slice %arg4[%mul3A_186, %dma_start3A_193] : memref<16384x128xf32, #tpu.memory_space<hbm>> -> memref<128x128xf32, #tpu.memory_space<hbm>>
    %dma_start3A_195 = tpu.memref_slice %arg8[%dma_start3A_188] : memref<4x!tpu.dma_semaphore, #tpu.memory_space<semaphore_mem>> -> memref<1x!tpu.dma_semaphore, #tpu.memory_space<semaphore_mem>>
    %dma_start3A_196 = tpu.memref_squeeze %dma_start3A_195 : memref<1x!tpu.dma_semaphore, #tpu.memory_space<semaphore_mem>> -> memref<!tpu.dma_semaphore, #tpu.memory_space<semaphore_mem>>
    %dma_start3A_197 = arith.constant 0 : i32
    %dma_start3A_198 = tpu.memref_slice %arg4[%mul3A_186, %dma_start3A_197] : memref<16384x128xf32, #tpu.memory_space<hbm>> -> memref<128x128xf32, #tpu.memory_space<hbm>>
    %dma_start3A_199 = arith.constant 0 : i32
    %dma_start3A_200 = arith.constant 0 : i32
    %dma_start3A_201 = tpu.memref_slice %arg6[%dma_start3A_187, %dma_start3A_199, %dma_start3A_200] : memref<4x128x128xf32, #tpu.memory_space<vmem>> -> memref<1x128x128xf32, #tpu.memory_space<vmem>>
    %dma_start3A_202 = tpu.memref_squeeze %dma_start3A_201 : memref<1x128x128xf32, #tpu.memory_space<vmem>> -> memref<128x128xf32, #tpu.memory_space<vmem>>
    tpu.enqueue_dma source(%dma_start3A_202 : memref<128x128xf32, #tpu.memory_space<vmem>>) target(%dma_start3A_198 : memref<128x128xf32, #tpu.memory_space<hbm>>) target_semaphore(%dma_start3A_196 : memref<!tpu.dma_semaphore, #tpu.memory_space<semaphore_mem>>)
    %dma_wait3A_203 = arith.constant 0 : i32
    %dma_wait3A_204 = arith.constant 0 : i32
    %dma_wait3A_205 = arith.constant 0 : i32
    %dma_wait3A_206 = arith.constant 0 : i32
    %dma_wait3A_207 = tpu.memref_slice %arg6[%dma_wait3A_203, %dma_wait3A_205, %dma_wait3A_206] : memref<4x128x128xf32, #tpu.memory_space<vmem>> -> memref<1x128x128xf32, #tpu.memory_space<vmem>>
    %dma_wait3A_208 = tpu.memref_squeeze %dma_wait3A_207 : memref<1x128x128xf32, #tpu.memory_space<vmem>> -> memref<128x128xf32, #tpu.memory_space<vmem>>
    %dma_wait3A_209 = arith.constant 0 : i32
    %dma_wait3A_210 = tpu.memref_slice %arg4[%mul3A_81, %dma_wait3A_209] : memref<16384x128xf32, #tpu.memory_space<hbm>> -> memref<128x128xf32, #tpu.memory_space<hbm>>
    %dma_wait3A_211 = tpu.memref_slice %arg8[%dma_wait3A_204] : memref<4x!tpu.dma_semaphore, #tpu.memory_space<semaphore_mem>> -> memref<1x!tpu.dma_semaphore, #tpu.memory_space<semaphore_mem>>
    %dma_wait3A_212 = tpu.memref_squeeze %dma_wait3A_211 : memref<1x!tpu.dma_semaphore, #tpu.memory_space<semaphore_mem>> -> memref<!tpu.dma_semaphore, #tpu.memory_space<semaphore_mem>>
    %dma_wait3A_213 = arith.constant 0 : i32
    %dma_wait3A_214 = tpu.memref_slice %arg4[%mul3A_81, %dma_wait3A_213] : memref<16384x128xf32, #tpu.memory_space<hbm>> -> memref<128x128xf32, #tpu.memory_space<hbm>>
    %dma_wait3A_215 = arith.constant 0 : i32
    %dma_wait3A_216 = arith.constant 0 : i32
    %dma_wait3A_217 = tpu.memref_slice %arg6[%dma_wait3A_203, %dma_wait3A_215, %dma_wait3A_216] : memref<4x128x128xf32, #tpu.memory_space<vmem>> -> memref<1x128x128xf32, #tpu.memory_space<vmem>>
    %dma_wait3A_218 = tpu.memref_squeeze %dma_wait3A_217 : memref<1x128x128xf32, #tpu.memory_space<vmem>> -> memref<128x128xf32, #tpu.memory_space<vmem>>
    tpu.wait_dma2 semaphore(%dma_wait3A_212 : memref<!tpu.dma_semaphore, #tpu.memory_space<semaphore_mem>>) src(%dma_wait3A_218 : memref<128x128xf32, #tpu.memory_space<vmem>>) dst(%dma_wait3A_214 : memref<128x128xf32, #tpu.memory_space<hbm>>)
    %dma_wait3A_219 = arith.constant 1 : i32
    %dma_wait3A_220 = arith.constant 1 : i32
    %dma_wait3A_221 = arith.constant 0 : i32
    %dma_wait3A_222 = arith.constant 0 : i32
    %dma_wait3A_223 = tpu.memref_slice %arg6[%dma_wait3A_219, %dma_wait3A_221, %dma_wait3A_222] : memref<4x128x128xf32, #tpu.memory_space<vmem>> -> memref<1x128x128xf32, #tpu.memory_space<vmem>>
    %dma_wait3A_224 = tpu.memref_squeeze %dma_wait3A_223 : memref<1x128x128xf32, #tpu.memory_space<vmem>> -> memref<128x128xf32, #tpu.memory_space<vmem>>
    %dma_wait3A_225 = arith.constant 0 : i32
    %dma_wait3A_226 = tpu.memref_slice %arg4[%mul3A_116, %dma_wait3A_225] : memref<16384x128xf32, #tpu.memory_space<hbm>> -> memref<128x128xf32, #tpu.memory_space<hbm>>
    %dma_wait3A_227 = tpu.memref_slice %arg8[%dma_wait3A_220] : memref<4x!tpu.dma_semaphore, #tpu.memory_space<semaphore_mem>> -> memref<1x!tpu.dma_semaphore, #tpu.memory_space<semaphore_mem>>
    %dma_wait3A_228 = tpu.memref_squeeze %dma_wait3A_227 : memref<1x!tpu.dma_semaphore, #tpu.memory_space<semaphore_mem>> -> memref<!tpu.dma_semaphore, #tpu.memory_space<semaphore_mem>>
    %dma_wait3A_229 = arith.constant 0 : i32
    %dma_wait3A_230 = tpu.memref_slice %arg4[%mul3A_116, %dma_wait3A_229] : memref<16384x128xf32, #tpu.memory_space<hbm>> -> memref<128x128xf32, #tpu.memory_space<hbm>>
    %dma_wait3A_231 = arith.constant 0 : i32
    %dma_wait3A_232 = arith.constant 0 : i32
    %dma_wait3A_233 = tpu.memref_slice %arg6[%dma_wait3A_219, %dma_wait3A_231, %dma_wait3A_232] : memref<4x128x128xf32, #tpu.memory_space<vmem>> -> memref<1x128x128xf32, #tpu.memory_space<vmem>>
    %dma_wait3A_234 = tpu.memref_squeeze %dma_wait3A_233 : memref<1x128x128xf32, #tpu.memory_space<vmem>> -> memref<128x128xf32, #tpu.memory_space<vmem>>
    tpu.wait_dma2 semaphore(%dma_wait3A_228 : memref<!tpu.dma_semaphore, #tpu.memory_space<semaphore_mem>>) src(%dma_wait3A_234 : memref<128x128xf32, #tpu.memory_space<vmem>>) dst(%dma_wait3A_230 : memref<128x128xf32, #tpu.memory_space<hbm>>)
    %dma_wait3A_235 = arith.constant 2 : i32
    %dma_wait3A_236 = arith.constant 2 : i32
    %dma_wait3A_237 = arith.constant 0 : i32
    %dma_wait3A_238 = arith.constant 0 : i32
    %dma_wait3A_239 = tpu.memref_slice %arg6[%dma_wait3A_235, %dma_wait3A_237, %dma_wait3A_238] : memref<4x128x128xf32, #tpu.memory_space<vmem>> -> memref<1x128x128xf32, #tpu.memory_space<vmem>>
    %dma_wait3A_240 = tpu.memref_squeeze %dma_wait3A_239 : memref<1x128x128xf32, #tpu.memory_space<vmem>> -> memref<128x128xf32, #tpu.memory_space<vmem>>
    %dma_wait3A_241 = arith.constant 0 : i32
    %dma_wait3A_242 = tpu.memref_slice %arg4[%mul3A_151, %dma_wait3A_241] : memref<16384x128xf32, #tpu.memory_space<hbm>> -> memref<128x128xf32, #tpu.memory_space<hbm>>
    %dma_wait3A_243 = tpu.memref_slice %arg8[%dma_wait3A_236] : memref<4x!tpu.dma_semaphore, #tpu.memory_space<semaphore_mem>> -> memref<1x!tpu.dma_semaphore, #tpu.memory_space<semaphore_mem>>
    %dma_wait3A_244 = tpu.memref_squeeze %dma_wait3A_243 : memref<1x!tpu.dma_semaphore, #tpu.memory_space<semaphore_mem>> -> memref<!tpu.dma_semaphore, #tpu.memory_space<semaphore_mem>>
    %dma_wait3A_245 = arith.constant 0 : i32
    %dma_wait3A_246 = tpu.memref_slice %arg4[%mul3A_151, %dma_wait3A_245] : memref<16384x128xf32, #tpu.memory_space<hbm>> -> memref<128x128xf32, #tpu.memory_space<hbm>>
    %dma_wait3A_247 = arith.constant 0 : i32
    %dma_wait3A_248 = arith.constant 0 : i32
    %dma_wait3A_249 = tpu.memref_slice %arg6[%dma_wait3A_235, %dma_wait3A_247, %dma_wait3A_248] : memref<4x128x128xf32, #tpu.memory_space<vmem>> -> memref<1x128x128xf32, #tpu.memory_space<vmem>>
    %dma_wait3A_250 = tpu.memref_squeeze %dma_wait3A_249 : memref<1x128x128xf32, #tpu.memory_space<vmem>> -> memref<128x128xf32, #tpu.memory_space<vmem>>
    tpu.wait_dma2 semaphore(%dma_wait3A_244 : memref<!tpu.dma_semaphore, #tpu.memory_space<semaphore_mem>>) src(%dma_wait3A_250 : memref<128x128xf32, #tpu.memory_space<vmem>>) dst(%dma_wait3A_246 : memref<128x128xf32, #tpu.memory_space<hbm>>)
    %dma_wait3A_251 = arith.constant 3 : i32
    %dma_wait3A_252 = arith.constant 3 : i32
    %dma_wait3A_253 = arith.constant 0 : i32
    %dma_wait3A_254 = arith.constant 0 : i32
    %dma_wait3A_255 = tpu.memref_slice %arg6[%dma_wait3A_251, %dma_wait3A_253, %dma_wait3A_254] : memref<4x128x128xf32, #tpu.memory_space<vmem>> -> memref<1x128x128xf32, #tpu.memory_space<vmem>>
    %dma_wait3A_256 = tpu.memref_squeeze %dma_wait3A_255 : memref<1x128x128xf32, #tpu.memory_space<vmem>> -> memref<128x128xf32, #tpu.memory_space<vmem>>
    %dma_wait3A_257 = arith.constant 0 : i32
    %dma_wait3A_258 = tpu.memref_slice %arg4[%mul3A_186, %dma_wait3A_257] : memref<16384x128xf32, #tpu.memory_space<hbm>> -> memref<128x128xf32, #tpu.memory_space<hbm>>
    %dma_wait3A_259 = tpu.memref_slice %arg8[%dma_wait3A_252] : memref<4x!tpu.dma_semaphore, #tpu.memory_space<semaphore_mem>> -> memref<1x!tpu.dma_semaphore, #tpu.memory_space<semaphore_mem>>
    %dma_wait3A_260 = tpu.memref_squeeze %dma_wait3A_259 : memref<1x!tpu.dma_semaphore, #tpu.memory_space<semaphore_mem>> -> memref<!tpu.dma_semaphore, #tpu.memory_space<semaphore_mem>>
    %dma_wait3A_261 = arith.constant 0 : i32
    %dma_wait3A_262 = tpu.memref_slice %arg4[%mul3A_186, %dma_wait3A_261] : memref<16384x128xf32, #tpu.memory_space<hbm>> -> memref<128x128xf32, #tpu.memory_space<hbm>>
    %dma_wait3A_263 = arith.constant 0 : i32
    %dma_wait3A_264 = arith.constant 0 : i32
    %dma_wait3A_265 = tpu.memref_slice %arg6[%dma_wait3A_251, %dma_wait3A_263, %dma_wait3A_264] : memref<4x128x128xf32, #tpu.memory_space<vmem>> -> memref<1x128x128xf32, #tpu.memory_space<vmem>>
    %dma_wait3A_266 = tpu.memref_squeeze %dma_wait3A_265 : memref<1x128x128xf32, #tpu.memory_space<vmem>> -> memref<128x128xf32, #tpu.memory_space<vmem>>
    tpu.wait_dma2 semaphore(%dma_wait3A_260 : memref<!tpu.dma_semaphore, #tpu.memory_space<semaphore_mem>>) src(%dma_wait3A_266 : memref<128x128xf32, #tpu.memory_space<vmem>>) dst(%dma_wait3A_262 : memref<128x128xf32, #tpu.memory_space<hbm>>)
    return
  }
}

#map = affine_map<(d0, d1) -> (0, 0)>
module attributes {stable_mosaic.version = 14 : i64} {
  func.func @k(%arg0: i32, %arg1: i32, %arg2: memref<262144x128xf32, #tpu.memory_space<hbm>>, %arg3: memref<512x128xi32, #tpu.memory_space<hbm>>, %arg4: memref<16384x128xf32, #tpu.memory_space<hbm>>, %arg5: memref<4x128xi32, #tpu.memory_space<vmem>>, %arg6: memref<4x128x128xf32, #tpu.memory_space<vmem>>, %arg7: memref<4x!tpu.dma_semaphore, #tpu.memory_space<semaphore_mem>>, %arg8: memref<4x!tpu.dma_semaphore, #tpu.memory_space<semaphore_mem>>) attributes {dimension_semantics = [#tpu.dimension_semantics<core_parallel>, #tpu.dimension_semantics<subcore_parallel>], iteration_bounds = array<i64: 2, 16>, scalar_prefetch = 0 : i64, scratch_operands = 4 : i64, tpu.core_type = #tpu.core_type<sc_vector_subcore>, window_params = [{transform_indices = #map}, {transform_indices = #map}, {transform_indices = #map}]} {
    %mul3A = arith.constant 2 : i32
    %mul3A_0 = arith.muli %arg1, %mul3A : i32
    %add3A = arith.addi %mul3A_0, %arg0 : i32
    %mul3A_1 = arith.constant 4 : i32
    %mul3A_2 = arith.muli %add3A, %mul3A_1 : i32
    %add3A_3 = arith.constant 128 : i32
    %add3A_4 = arith.addi %add3A_3, %mul3A_2 : i32
    "tpu.region"() ({
      %run_scoped3A = tpu.sem_alloc : memref<!tpu.dma_semaphore, #tpu.memory_space<semaphore_mem>>
      %dma_start3A_267 = arith.constant 0 : i32
      %dma_start3A_268 = tpu.memref_slice %arg3[%add3A_4, %dma_start3A_267] : memref<512x128xi32, #tpu.memory_space<hbm>> -> memref<4x128xi32, #tpu.memory_space<hbm>>
      %dma_start3A_269 = arith.constant 0 : i32
      %dma_start3A_270 = tpu.memref_slice %arg3[%add3A_4, %dma_start3A_269] : memref<512x128xi32, #tpu.memory_space<hbm>> -> memref<4x128xi32, #tpu.memory_space<hbm>>
      tpu.enqueue_dma source(%dma_start3A_270 : memref<4x128xi32, #tpu.memory_space<hbm>>) target(%arg5 : memref<4x128xi32, #tpu.memory_space<vmem>>) target_semaphore(%run_scoped3A : memref<!tpu.dma_semaphore, #tpu.memory_space<semaphore_mem>>)
      %dma_wait3A_271 = arith.constant 0 : i32
      %dma_wait3A_272 = tpu.memref_slice %arg3[%add3A_4, %dma_wait3A_271] : memref<512x128xi32, #tpu.memory_space<hbm>> -> memref<4x128xi32, #tpu.memory_space<hbm>>
      %dma_wait3A_273 = arith.constant 0 : i32
      %dma_wait3A_274 = tpu.memref_slice %arg3[%add3A_4, %dma_wait3A_273] : memref<512x128xi32, #tpu.memory_space<hbm>> -> memref<4x128xi32, #tpu.memory_space<hbm>>
      tpu.wait_dma2 semaphore(%run_scoped3A : memref<!tpu.dma_semaphore, #tpu.memory_space<semaphore_mem>>) src(%dma_wait3A_274 : memref<4x128xi32, #tpu.memory_space<hbm>>) dst(%arg5 : memref<4x128xi32, #tpu.memory_space<vmem>>)
      tpu.yield
    }) : () -> ()
    %dma_start3A = arith.constant 0 : i32
    %dma_start3A_5 = arith.constant 0 : i32
    %dma_start3A_6 = arith.constant 0 : i32
    %dma_start3A_7 = arith.constant 0 : i32
    %dma_start3A_8 = arith.constant 0 : i32
    %dma_start3A_9 = tpu.memref_slice %arg6[%dma_start3A_5, %dma_start3A_7, %dma_start3A_8] : memref<4x128x128xf32, #tpu.memory_space<vmem>> -> memref<1x128x128xf32, #tpu.memory_space<vmem>>
    %dma_start3A_10 = tpu.memref_squeeze %dma_start3A_9 : memref<1x128x128xf32, #tpu.memory_space<vmem>> -> memref<128x128xf32, #tpu.memory_space<vmem>>
    %dma_start3A_11 = arith.constant 0 : i32
    %dma_start3A_12 = tpu.memref_slice %arg5[%dma_start3A, %dma_start3A_11] : memref<4x128xi32, #tpu.memory_space<vmem>> -> memref<1x128xi32, #tpu.memory_space<vmem>>
    %dma_start3A_13 = tpu.memref_squeeze %dma_start3A_12 : memref<1x128xi32, #tpu.memory_space<vmem>> -> memref<128xi32, #tpu.memory_space<vmem>>
    %dma_start3A_14 = arith.constant 0 : i32
    %dma_start3A_15 = arith.constant 0 : i32
    %dma_start3A_16 = tpu.memref_slice %arg2[%dma_start3A_14, %dma_start3A_15] : memref<262144x128xf32, #tpu.memory_space<hbm>> -> memref<262144x128xf32, #tpu.memory_space<hbm>>
    %dma_start3A_17 = tpu.memref_slice %arg7[%dma_start3A_6] : memref<4x!tpu.dma_semaphore, #tpu.memory_space<semaphore_mem>> -> memref<1x!tpu.dma_semaphore, #tpu.memory_space<semaphore_mem>>
    %dma_start3A_18 = tpu.memref_squeeze %dma_start3A_17 : memref<1x!tpu.dma_semaphore, #tpu.memory_space<semaphore_mem>> -> memref<!tpu.dma_semaphore, #tpu.memory_space<semaphore_mem>>
    tpu.enqueue_indirect_dma source(%dma_start3A_16 : memref<262144x128xf32, #tpu.memory_space<hbm>>) target(%dma_start3A_10 : memref<128x128xf32, #tpu.memory_space<vmem>>) offsets(%dma_start3A_13 : memref<128xi32, #tpu.memory_space<vmem>>) semaphore(%dma_start3A_18 : memref<!tpu.dma_semaphore, #tpu.memory_space<semaphore_mem>>)
    %dma_start3A_19 = arith.constant 1 : i32
    %dma_start3A_20 = arith.constant 1 : i32
    %dma_start3A_21 = arith.constant 1 : i32
    %dma_start3A_22 = arith.constant 0 : i32
    %dma_start3A_23 = arith.constant 0 : i32
    %dma_start3A_24 = tpu.memref_slice %arg6[%dma_start3A_20, %dma_start3A_22, %dma_start3A_23] : memref<4x128x128xf32, #tpu.memory_space<vmem>> -> memref<1x128x128xf32, #tpu.memory_space<vmem>>
    %dma_start3A_25 = tpu.memref_squeeze %dma_start3A_24 : memref<1x128x128xf32, #tpu.memory_space<vmem>> -> memref<128x128xf32, #tpu.memory_space<vmem>>
    %dma_start3A_26 = arith.constant 0 : i32
    %dma_start3A_27 = tpu.memref_slice %arg5[%dma_start3A_19, %dma_start3A_26] : memref<4x128xi32, #tpu.memory_space<vmem>> -> memref<1x128xi32, #tpu.memory_space<vmem>>
    %dma_start3A_28 = tpu.memref_squeeze %dma_start3A_27 : memref<1x128xi32, #tpu.memory_space<vmem>> -> memref<128xi32, #tpu.memory_space<vmem>>
    %dma_start3A_29 = arith.constant 0 : i32
    %dma_start3A_30 = arith.constant 0 : i32
    %dma_start3A_31 = tpu.memref_slice %arg2[%dma_start3A_29, %dma_start3A_30] : memref<262144x128xf32, #tpu.memory_space<hbm>> -> memref<262144x128xf32, #tpu.memory_space<hbm>>
    %dma_start3A_32 = tpu.memref_slice %arg7[%dma_start3A_21] : memref<4x!tpu.dma_semaphore, #tpu.memory_space<semaphore_mem>> -> memref<1x!tpu.dma_semaphore, #tpu.memory_space<semaphore_mem>>
    %dma_start3A_33 = tpu.memref_squeeze %dma_start3A_32 : memref<1x!tpu.dma_semaphore, #tpu.memory_space<semaphore_mem>> -> memref<!tpu.dma_semaphore, #tpu.memory_space<semaphore_mem>>
    tpu.enqueue_indirect_dma source(%dma_start3A_31 : memref<262144x128xf32, #tpu.memory_space<hbm>>) target(%dma_start3A_25 : memref<128x128xf32, #tpu.memory_space<vmem>>) offsets(%dma_start3A_28 : memref<128xi32, #tpu.memory_space<vmem>>) semaphore(%dma_start3A_33 : memref<!tpu.dma_semaphore, #tpu.memory_space<semaphore_mem>>)
    %dma_start3A_34 = arith.constant 2 : i32
    %dma_start3A_35 = arith.constant 2 : i32
    %dma_start3A_36 = arith.constant 2 : i32
    %dma_start3A_37 = arith.constant 0 : i32
    %dma_start3A_38 = arith.constant 0 : i32
    %dma_start3A_39 = tpu.memref_slice %arg6[%dma_start3A_35, %dma_start3A_37, %dma_start3A_38] : memref<4x128x128xf32, #tpu.memory_space<vmem>> -> memref<1x128x128xf32, #tpu.memory_space<vmem>>
    %dma_start3A_40 = tpu.memref_squeeze %dma_start3A_39 : memref<1x128x128xf32, #tpu.memory_space<vmem>> -> memref<128x128xf32, #tpu.memory_space<vmem>>
    %dma_start3A_41 = arith.constant 0 : i32
    %dma_start3A_42 = tpu.memref_slice %arg5[%dma_start3A_34, %dma_start3A_41] : memref<4x128xi32, #tpu.memory_space<vmem>> -> memref<1x128xi32, #tpu.memory_space<vmem>>
    %dma_start3A_43 = tpu.memref_squeeze %dma_start3A_42 : memref<1x128xi32, #tpu.memory_space<vmem>> -> memref<128xi32, #tpu.memory_space<vmem>>
    %dma_start3A_44 = arith.constant 0 : i32
    %dma_start3A_45 = arith.constant 0 : i32
    %dma_start3A_46 = tpu.memref_slice %arg2[%dma_start3A_44, %dma_start3A_45] : memref<262144x128xf32, #tpu.memory_space<hbm>> -> memref<262144x128xf32, #tpu.memory_space<hbm>>
    %dma_start3A_47 = tpu.memref_slice %arg7[%dma_start3A_36] : memref<4x!tpu.dma_semaphore, #tpu.memory_space<semaphore_mem>> -> memref<1x!tpu.dma_semaphore, #tpu.memory_space<semaphore_mem>>
    %dma_start3A_48 = tpu.memref_squeeze %dma_start3A_47 : memref<1x!tpu.dma_semaphore, #tpu.memory_space<semaphore_mem>> -> memref<!tpu.dma_semaphore, #tpu.memory_space<semaphore_mem>>
    tpu.enqueue_indirect_dma source(%dma_start3A_46 : memref<262144x128xf32, #tpu.memory_space<hbm>>) target(%dma_start3A_40 : memref<128x128xf32, #tpu.memory_space<vmem>>) offsets(%dma_start3A_43 : memref<128xi32, #tpu.memory_space<vmem>>) semaphore(%dma_start3A_48 : memref<!tpu.dma_semaphore, #tpu.memory_space<semaphore_mem>>)
    %dma_start3A_49 = arith.constant 3 : i32
    %dma_start3A_50 = arith.constant 3 : i32
    %dma_start3A_51 = arith.constant 3 : i32
    %dma_start3A_52 = arith.constant 0 : i32
    %dma_start3A_53 = arith.constant 0 : i32
    %dma_start3A_54 = tpu.memref_slice %arg6[%dma_start3A_50, %dma_start3A_52, %dma_start3A_53] : memref<4x128x128xf32, #tpu.memory_space<vmem>> -> memref<1x128x128xf32, #tpu.memory_space<vmem>>
    %dma_start3A_55 = tpu.memref_squeeze %dma_start3A_54 : memref<1x128x128xf32, #tpu.memory_space<vmem>> -> memref<128x128xf32, #tpu.memory_space<vmem>>
    %dma_start3A_56 = arith.constant 0 : i32
    %dma_start3A_57 = tpu.memref_slice %arg5[%dma_start3A_49, %dma_start3A_56] : memref<4x128xi32, #tpu.memory_space<vmem>> -> memref<1x128xi32, #tpu.memory_space<vmem>>
    %dma_start3A_58 = tpu.memref_squeeze %dma_start3A_57 : memref<1x128xi32, #tpu.memory_space<vmem>> -> memref<128xi32, #tpu.memory_space<vmem>>
    %dma_start3A_59 = arith.constant 0 : i32
    %dma_start3A_60 = arith.constant 0 : i32
    %dma_start3A_61 = tpu.memref_slice %arg2[%dma_start3A_59, %dma_start3A_60] : memref<262144x128xf32, #tpu.memory_space<hbm>> -> memref<262144x128xf32, #tpu.memory_space<hbm>>
    %dma_start3A_62 = tpu.memref_slice %arg7[%dma_start3A_51] : memref<4x!tpu.dma_semaphore, #tpu.memory_space<semaphore_mem>> -> memref<1x!tpu.dma_semaphore, #tpu.memory_space<semaphore_mem>>
    %dma_start3A_63 = tpu.memref_squeeze %dma_start3A_62 : memref<1x!tpu.dma_semaphore, #tpu.memory_space<semaphore_mem>> -> memref<!tpu.dma_semaphore, #tpu.memory_space<semaphore_mem>>
    tpu.enqueue_indirect_dma source(%dma_start3A_61 : memref<262144x128xf32, #tpu.memory_space<hbm>>) target(%dma_start3A_55 : memref<128x128xf32, #tpu.memory_space<vmem>>) offsets(%dma_start3A_58 : memref<128xi32, #tpu.memory_space<vmem>>) semaphore(%dma_start3A_63 : memref<!tpu.dma_semaphore, #tpu.memory_space<semaphore_mem>>)
    %dma_wait3A = arith.constant 0 : i32
    %dma_wait3A_64 = arith.constant 0 : i32
    %dma_wait3A_65 = arith.constant 0 : i32
    %dma_wait3A_66 = arith.constant 0 : i32
    %dma_wait3A_67 = arith.constant 0 : i32
    %dma_wait3A_68 = tpu.memref_slice %arg6[%dma_wait3A_64, %dma_wait3A_66, %dma_wait3A_67] : memref<4x128x128xf32, #tpu.memory_space<vmem>> -> memref<1x128x128xf32, #tpu.memory_space<vmem>>
    %dma_wait3A_69 = tpu.memref_squeeze %dma_wait3A_68 : memref<1x128x128xf32, #tpu.memory_space<vmem>> -> memref<128x128xf32, #tpu.memory_space<vmem>>
    %dma_wait3A_70 = arith.constant 0 : i32
    %dma_wait3A_71 = tpu.memref_slice %arg5[%dma_wait3A, %dma_wait3A_70] : memref<4x128xi32, #tpu.memory_space<vmem>> -> memref<1x128xi32, #tpu.memory_space<vmem>>
    %dma_wait3A_72 = tpu.memref_squeeze %dma_wait3A_71 : memref<1x128xi32, #tpu.memory_space<vmem>> -> memref<128xi32, #tpu.memory_space<vmem>>
    %dma_wait3A_73 = arith.constant 0 : i32
    %dma_wait3A_74 = arith.constant 0 : i32
    %dma_wait3A_75 = tpu.memref_slice %arg2[%dma_wait3A_73, %dma_wait3A_74] : memref<262144x128xf32, #tpu.memory_space<hbm>> -> memref<262144x128xf32, #tpu.memory_space<hbm>>
    %dma_wait3A_76 = tpu.memref_slice %arg7[%dma_wait3A_65] : memref<4x!tpu.dma_semaphore, #tpu.memory_space<semaphore_mem>> -> memref<1x!tpu.dma_semaphore, #tpu.memory_space<semaphore_mem>>
    %dma_wait3A_77 = tpu.memref_squeeze %dma_wait3A_76 : memref<1x!tpu.dma_semaphore, #tpu.memory_space<semaphore_mem>> -> memref<!tpu.dma_semaphore, #tpu.memory_space<semaphore_mem>>
    tpu.wait_indirect_dma semaphore(%dma_wait3A_77 : memref<!tpu.dma_semaphore, #tpu.memory_space<semaphore_mem>>) src(%dma_wait3A_75 : memref<262144x128xf32, #tpu.memory_space<hbm>>) dst(%dma_wait3A_69 : memref<128x128xf32, #tpu.memory_space<vmem>>)
    %add3A_78 = arith.constant 0 : i32
    %add3A_79 = arith.addi %mul3A_2, %add3A_78 : i32
    %mul3A_80 = arith.constant 128 : i32
    %mul3A_81 = arith.muli %add3A_79, %mul3A_80 : i32
    %dma_start3A_82 = arith.constant 0 : i32
    %dma_start3A_83 = arith.constant 0 : i32
    %dma_start3A_84 = arith.constant 0 : i32
    %dma_start3A_85 = arith.constant 0 : i32
    %dma_start3A_86 = tpu.memref_slice %arg6[%dma_start3A_82, %dma_start3A_84, %dma_start3A_85] : memref<4x128x128xf32, #tpu.memory_space<vmem>> -> memref<1x128x128xf32, #tpu.memory_space<vmem>>
    %dma_start3A_87 = tpu.memref_squeeze %dma_start3A_86 : memref<1x128x128xf32, #tpu.memory_space<vmem>> -> memref<128x128xf32, #tpu.memory_space<vmem>>
    %dma_start3A_88 = arith.constant 0 : i32
    %dma_start3A_89 = tpu.memref_slice %arg4[%mul3A_81, %dma_start3A_88] : memref<16384x128xf32, #tpu.memory_space<hbm>> -> memref<128x128xf32, #tpu.memory_space<hbm>>
    %dma_start3A_90 = tpu.memref_slice %arg8[%dma_start3A_83] : memref<4x!tpu.dma_semaphore, #tpu.memory_space<semaphore_mem>> -> memref<1x!tpu.dma_semaphore, #tpu.memory_space<semaphore_mem>>
    %dma_start3A_91 = tpu.memref_squeeze %dma_start3A_90 : memref<1x!tpu.dma_semaphore, #tpu.memory_space<semaphore_mem>> -> memref<!tpu.dma_semaphore, #tpu.memory_space<semaphore_mem>>
    %dma_start3A_92 = arith.constant 0 : i32
    %dma_start3A_93 = tpu.memref_slice %arg4[%mul3A_81, %dma_start3A_92] : memref<16384x128xf32, #tpu.memory_space<hbm>> -> memref<128x128xf32, #tpu.memory_space<hbm>>
    %dma_start3A_94 = arith.constant 0 : i32
    %dma_start3A_95 = arith.constant 0 : i32
    %dma_start3A_96 = tpu.memref_slice %arg6[%dma_start3A_82, %dma_start3A_94, %dma_start3A_95] : memref<4x128x128xf32, #tpu.memory_space<vmem>> -> memref<1x128x128xf32, #tpu.memory_space<vmem>>
    %dma_start3A_97 = tpu.memref_squeeze %dma_start3A_96 : memref<1x128x128xf32, #tpu.memory_space<vmem>> -> memref<128x128xf32, #tpu.memory_space<vmem>>
    tpu.enqueue_dma source(%dma_start3A_97 : memref<128x128xf32, #tpu.memory_space<vmem>>) target(%dma_start3A_93 : memref<128x128xf32, #tpu.memory_space<hbm>>) target_semaphore(%dma_start3A_91 : memref<!tpu.dma_semaphore, #tpu.memory_space<semaphore_mem>>)
    %dma_wait3A_98 = arith.constant 1 : i32
    %dma_wait3A_99 = arith.constant 1 : i32
    %dma_wait3A_100 = arith.constant 1 : i32
    %dma_wait3A_101 = arith.constant 0 : i32
    %dma_wait3A_102 = arith.constant 0 : i32
    %dma_wait3A_103 = tpu.memref_slice %arg6[%dma_wait3A_99, %dma_wait3A_101, %dma_wait3A_102] : memref<4x128x128xf32, #tpu.memory_space<vmem>> -> memref<1x128x128xf32, #tpu.memory_space<vmem>>
    %dma_wait3A_104 = tpu.memref_squeeze %dma_wait3A_103 : memref<1x128x128xf32, #tpu.memory_space<vmem>> -> memref<128x128xf32, #tpu.memory_space<vmem>>
    %dma_wait3A_105 = arith.constant 0 : i32
    %dma_wait3A_106 = tpu.memref_slice %arg5[%dma_wait3A_98, %dma_wait3A_105] : memref<4x128xi32, #tpu.memory_space<vmem>> -> memref<1x128xi32, #tpu.memory_space<vmem>>
    %dma_wait3A_107 = tpu.memref_squeeze %dma_wait3A_106 : memref<1x128xi32, #tpu.memory_space<vmem>> -> memref<128xi32, #tpu.memory_space<vmem>>
    %dma_wait3A_108 = arith.constant 0 : i32
    %dma_wait3A_109 = arith.constant 0 : i32
    %dma_wait3A_110 = tpu.memref_slice %arg2[%dma_wait3A_108, %dma_wait3A_109] : memref<262144x128xf32, #tpu.memory_space<hbm>> -> memref<262144x128xf32, #tpu.memory_space<hbm>>
    %dma_wait3A_111 = tpu.memref_slice %arg7[%dma_wait3A_100] : memref<4x!tpu.dma_semaphore, #tpu.memory_space<semaphore_mem>> -> memref<1x!tpu.dma_semaphore, #tpu.memory_space<semaphore_mem>>
    %dma_wait3A_112 = tpu.memref_squeeze %dma_wait3A_111 : memref<1x!tpu.dma_semaphore, #tpu.memory_space<semaphore_mem>> -> memref<!tpu.dma_semaphore, #tpu.memory_space<semaphore_mem>>
    tpu.wait_indirect_dma semaphore(%dma_wait3A_112 : memref<!tpu.dma_semaphore, #tpu.memory_space<semaphore_mem>>) src(%dma_wait3A_110 : memref<262144x128xf32, #tpu.memory_space<hbm>>) dst(%dma_wait3A_104 : memref<128x128xf32, #tpu.memory_space<vmem>>)
    %add3A_113 = arith.constant 1 : i32
    %add3A_114 = arith.addi %mul3A_2, %add3A_113 : i32
    %mul3A_115 = arith.constant 128 : i32
    %mul3A_116 = arith.muli %add3A_114, %mul3A_115 : i32
    %dma_start3A_117 = arith.constant 1 : i32
    %dma_start3A_118 = arith.constant 1 : i32
    %dma_start3A_119 = arith.constant 0 : i32
    %dma_start3A_120 = arith.constant 0 : i32
    %dma_start3A_121 = tpu.memref_slice %arg6[%dma_start3A_117, %dma_start3A_119, %dma_start3A_120] : memref<4x128x128xf32, #tpu.memory_space<vmem>> -> memref<1x128x128xf32, #tpu.memory_space<vmem>>
    %dma_start3A_122 = tpu.memref_squeeze %dma_start3A_121 : memref<1x128x128xf32, #tpu.memory_space<vmem>> -> memref<128x128xf32, #tpu.memory_space<vmem>>
    %dma_start3A_123 = arith.constant 0 : i32
    %dma_start3A_124 = tpu.memref_slice %arg4[%mul3A_116, %dma_start3A_123] : memref<16384x128xf32, #tpu.memory_space<hbm>> -> memref<128x128xf32, #tpu.memory_space<hbm>>
    %dma_start3A_125 = tpu.memref_slice %arg8[%dma_start3A_118] : memref<4x!tpu.dma_semaphore, #tpu.memory_space<semaphore_mem>> -> memref<1x!tpu.dma_semaphore, #tpu.memory_space<semaphore_mem>>
    %dma_start3A_126 = tpu.memref_squeeze %dma_start3A_125 : memref<1x!tpu.dma_semaphore, #tpu.memory_space<semaphore_mem>> -> memref<!tpu.dma_semaphore, #tpu.memory_space<semaphore_mem>>
    %dma_start3A_127 = arith.constant 0 : i32
    %dma_start3A_128 = tpu.memref_slice %arg4[%mul3A_116, %dma_start3A_127] : memref<16384x128xf32, #tpu.memory_space<hbm>> -> memref<128x128xf32, #tpu.memory_space<hbm>>
    %dma_start3A_129 = arith.constant 0 : i32
    %dma_start3A_130 = arith.constant 0 : i32
    %dma_start3A_131 = tpu.memref_slice %arg6[%dma_start3A_117, %dma_start3A_129, %dma_start3A_130] : memref<4x128x128xf32, #tpu.memory_space<vmem>> -> memref<1x128x128xf32, #tpu.memory_space<vmem>>
    %dma_start3A_132 = tpu.memref_squeeze %dma_start3A_131 : memref<1x128x128xf32, #tpu.memory_space<vmem>> -> memref<128x128xf32, #tpu.memory_space<vmem>>
    tpu.enqueue_dma source(%dma_start3A_132 : memref<128x128xf32, #tpu.memory_space<vmem>>) target(%dma_start3A_128 : memref<128x128xf32, #tpu.memory_space<hbm>>) target_semaphore(%dma_start3A_126 : memref<!tpu.dma_semaphore, #tpu.memory_space<semaphore_mem>>)
    %dma_wait3A_133 = arith.constant 2 : i32
    %dma_wait3A_134 = arith.constant 2 : i32
    %dma_wait3A_135 = arith.constant 2 : i32
    %dma_wait3A_136 = arith.constant 0 : i32
    %dma_wait3A_137 = arith.constant 0 : i32
    %dma_wait3A_138 = tpu.memref_slice %arg6[%dma_wait3A_134, %dma_wait3A_136, %dma_wait3A_137] : memref<4x128x128xf32, #tpu.memory_space<vmem>> -> memref<1x128x128xf32, #tpu.memory_space<vmem>>
    %dma_wait3A_139 = tpu.memref_squeeze %dma_wait3A_138 : memref<1x128x128xf32, #tpu.memory_space<vmem>> -> memref<128x128xf32, #tpu.memory_space<vmem>>
    %dma_wait3A_140 = arith.constant 0 : i32
    %dma_wait3A_141 = tpu.memref_slice %arg5[%dma_wait3A_133, %dma_wait3A_140] : memref<4x128xi32, #tpu.memory_space<vmem>> -> memref<1x128xi32, #tpu.memory_space<vmem>>
    %dma_wait3A_142 = tpu.memref_squeeze %dma_wait3A_141 : memref<1x128xi32, #tpu.memory_space<vmem>> -> memref<128xi32, #tpu.memory_space<vmem>>
    %dma_wait3A_143 = arith.constant 0 : i32
    %dma_wait3A_144 = arith.constant 0 : i32
    %dma_wait3A_145 = tpu.memref_slice %arg2[%dma_wait3A_143, %dma_wait3A_144] : memref<262144x128xf32, #tpu.memory_space<hbm>> -> memref<262144x128xf32, #tpu.memory_space<hbm>>
    %dma_wait3A_146 = tpu.memref_slice %arg7[%dma_wait3A_135] : memref<4x!tpu.dma_semaphore, #tpu.memory_space<semaphore_mem>> -> memref<1x!tpu.dma_semaphore, #tpu.memory_space<semaphore_mem>>
    %dma_wait3A_147 = tpu.memref_squeeze %dma_wait3A_146 : memref<1x!tpu.dma_semaphore, #tpu.memory_space<semaphore_mem>> -> memref<!tpu.dma_semaphore, #tpu.memory_space<semaphore_mem>>
    tpu.wait_indirect_dma semaphore(%dma_wait3A_147 : memref<!tpu.dma_semaphore, #tpu.memory_space<semaphore_mem>>) src(%dma_wait3A_145 : memref<262144x128xf32, #tpu.memory_space<hbm>>) dst(%dma_wait3A_139 : memref<128x128xf32, #tpu.memory_space<vmem>>)
    %add3A_148 = arith.constant 2 : i32
    %add3A_149 = arith.addi %mul3A_2, %add3A_148 : i32
    %mul3A_150 = arith.constant 128 : i32
    %mul3A_151 = arith.muli %add3A_149, %mul3A_150 : i32
    %dma_start3A_152 = arith.constant 2 : i32
    %dma_start3A_153 = arith.constant 2 : i32
    %dma_start3A_154 = arith.constant 0 : i32
    %dma_start3A_155 = arith.constant 0 : i32
    %dma_start3A_156 = tpu.memref_slice %arg6[%dma_start3A_152, %dma_start3A_154, %dma_start3A_155] : memref<4x128x128xf32, #tpu.memory_space<vmem>> -> memref<1x128x128xf32, #tpu.memory_space<vmem>>
    %dma_start3A_157 = tpu.memref_squeeze %dma_start3A_156 : memref<1x128x128xf32, #tpu.memory_space<vmem>> -> memref<128x128xf32, #tpu.memory_space<vmem>>
    %dma_start3A_158 = arith.constant 0 : i32
    %dma_start3A_159 = tpu.memref_slice %arg4[%mul3A_151, %dma_start3A_158] : memref<16384x128xf32, #tpu.memory_space<hbm>> -> memref<128x128xf32, #tpu.memory_space<hbm>>
    %dma_start3A_160 = tpu.memref_slice %arg8[%dma_start3A_153] : memref<4x!tpu.dma_semaphore, #tpu.memory_space<semaphore_mem>> -> memref<1x!tpu.dma_semaphore, #tpu.memory_space<semaphore_mem>>
    %dma_start3A_161 = tpu.memref_squeeze %dma_start3A_160 : memref<1x!tpu.dma_semaphore, #tpu.memory_space<semaphore_mem>> -> memref<!tpu.dma_semaphore, #tpu.memory_space<semaphore_mem>>
    %dma_start3A_162 = arith.constant 0 : i32
    %dma_start3A_163 = tpu.memref_slice %arg4[%mul3A_151, %dma_start3A_162] : memref<16384x128xf32, #tpu.memory_space<hbm>> -> memref<128x128xf32, #tpu.memory_space<hbm>>
    %dma_start3A_164 = arith.constant 0 : i32
    %dma_start3A_165 = arith.constant 0 : i32
    %dma_start3A_166 = tpu.memref_slice %arg6[%dma_start3A_152, %dma_start3A_164, %dma_start3A_165] : memref<4x128x128xf32, #tpu.memory_space<vmem>> -> memref<1x128x128xf32, #tpu.memory_space<vmem>>
    %dma_start3A_167 = tpu.memref_squeeze %dma_start3A_166 : memref<1x128x128xf32, #tpu.memory_space<vmem>> -> memref<128x128xf32, #tpu.memory_space<vmem>>
    tpu.enqueue_dma source(%dma_start3A_167 : memref<128x128xf32, #tpu.memory_space<vmem>>) target(%dma_start3A_163 : memref<128x128xf32, #tpu.memory_space<hbm>>) target_semaphore(%dma_start3A_161 : memref<!tpu.dma_semaphore, #tpu.memory_space<semaphore_mem>>)
    %dma_wait3A_168 = arith.constant 3 : i32
    %dma_wait3A_169 = arith.constant 3 : i32
    %dma_wait3A_170 = arith.constant 3 : i32
    %dma_wait3A_171 = arith.constant 0 : i32
    %dma_wait3A_172 = arith.constant 0 : i32
    %dma_wait3A_173 = tpu.memref_slice %arg6[%dma_wait3A_169, %dma_wait3A_171, %dma_wait3A_172] : memref<4x128x128xf32, #tpu.memory_space<vmem>> -> memref<1x128x128xf32, #tpu.memory_space<vmem>>
    %dma_wait3A_174 = tpu.memref_squeeze %dma_wait3A_173 : memref<1x128x128xf32, #tpu.memory_space<vmem>> -> memref<128x128xf32, #tpu.memory_space<vmem>>
    %dma_wait3A_175 = arith.constant 0 : i32
    %dma_wait3A_176 = tpu.memref_slice %arg5[%dma_wait3A_168, %dma_wait3A_175] : memref<4x128xi32, #tpu.memory_space<vmem>> -> memref<1x128xi32, #tpu.memory_space<vmem>>
    %dma_wait3A_177 = tpu.memref_squeeze %dma_wait3A_176 : memref<1x128xi32, #tpu.memory_space<vmem>> -> memref<128xi32, #tpu.memory_space<vmem>>
    %dma_wait3A_178 = arith.constant 0 : i32
    %dma_wait3A_179 = arith.constant 0 : i32
    %dma_wait3A_180 = tpu.memref_slice %arg2[%dma_wait3A_178, %dma_wait3A_179] : memref<262144x128xf32, #tpu.memory_space<hbm>> -> memref<262144x128xf32, #tpu.memory_space<hbm>>
    %dma_wait3A_181 = tpu.memref_slice %arg7[%dma_wait3A_170] : memref<4x!tpu.dma_semaphore, #tpu.memory_space<semaphore_mem>> -> memref<1x!tpu.dma_semaphore, #tpu.memory_space<semaphore_mem>>
    %dma_wait3A_182 = tpu.memref_squeeze %dma_wait3A_181 : memref<1x!tpu.dma_semaphore, #tpu.memory_space<semaphore_mem>> -> memref<!tpu.dma_semaphore, #tpu.memory_space<semaphore_mem>>
    tpu.wait_indirect_dma semaphore(%dma_wait3A_182 : memref<!tpu.dma_semaphore, #tpu.memory_space<semaphore_mem>>) src(%dma_wait3A_180 : memref<262144x128xf32, #tpu.memory_space<hbm>>) dst(%dma_wait3A_174 : memref<128x128xf32, #tpu.memory_space<vmem>>)
    %add3A_183 = arith.constant 3 : i32
    %add3A_184 = arith.addi %mul3A_2, %add3A_183 : i32
    %mul3A_185 = arith.constant 128 : i32
    %mul3A_186 = arith.muli %add3A_184, %mul3A_185 : i32
    %dma_start3A_187 = arith.constant 3 : i32
    %dma_start3A_188 = arith.constant 3 : i32
    %dma_start3A_189 = arith.constant 0 : i32
    %dma_start3A_190 = arith.constant 0 : i32
    %dma_start3A_191 = tpu.memref_slice %arg6[%dma_start3A_187, %dma_start3A_189, %dma_start3A_190] : memref<4x128x128xf32, #tpu.memory_space<vmem>> -> memref<1x128x128xf32, #tpu.memory_space<vmem>>
    %dma_start3A_192 = tpu.memref_squeeze %dma_start3A_191 : memref<1x128x128xf32, #tpu.memory_space<vmem>> -> memref<128x128xf32, #tpu.memory_space<vmem>>
    %dma_start3A_193 = arith.constant 0 : i32
    %dma_start3A_194 = tpu.memref_slice %arg4[%mul3A_186, %dma_start3A_193] : memref<16384x128xf32, #tpu.memory_space<hbm>> -> memref<128x128xf32, #tpu.memory_space<hbm>>
    %dma_start3A_195 = tpu.memref_slice %arg8[%dma_start3A_188] : memref<4x!tpu.dma_semaphore, #tpu.memory_space<semaphore_mem>> -> memref<1x!tpu.dma_semaphore, #tpu.memory_space<semaphore_mem>>
    %dma_start3A_196 = tpu.memref_squeeze %dma_start3A_195 : memref<1x!tpu.dma_semaphore, #tpu.memory_space<semaphore_mem>> -> memref<!tpu.dma_semaphore, #tpu.memory_space<semaphore_mem>>
    %dma_start3A_197 = arith.constant 0 : i32
    %dma_start3A_198 = tpu.memref_slice %arg4[%mul3A_186, %dma_start3A_197] : memref<16384x128xf32, #tpu.memory_space<hbm>> -> memref<128x128xf32, #tpu.memory_space<hbm>>
    %dma_start3A_199 = arith.constant 0 : i32
    %dma_start3A_200 = arith.constant 0 : i32
    %dma_start3A_201 = tpu.memref_slice %arg6[%dma_start3A_187, %dma_start3A_199, %dma_start3A_200] : memref<4x128x128xf32, #tpu.memory_space<vmem>> -> memref<1x128x128xf32, #tpu.memory_space<vmem>>
    %dma_start3A_202 = tpu.memref_squeeze %dma_start3A_201 : memref<1x128x128xf32, #tpu.memory_space<vmem>> -> memref<128x128xf32, #tpu.memory_space<vmem>>
    tpu.enqueue_dma source(%dma_start3A_202 : memref<128x128xf32, #tpu.memory_space<vmem>>) target(%dma_start3A_198 : memref<128x128xf32, #tpu.memory_space<hbm>>) target_semaphore(%dma_start3A_196 : memref<!tpu.dma_semaphore, #tpu.memory_space<semaphore_mem>>)
    %dma_wait3A_203 = arith.constant 0 : i32
    %dma_wait3A_204 = arith.constant 0 : i32
    %dma_wait3A_205 = arith.constant 0 : i32
    %dma_wait3A_206 = arith.constant 0 : i32
    %dma_wait3A_207 = tpu.memref_slice %arg6[%dma_wait3A_203, %dma_wait3A_205, %dma_wait3A_206] : memref<4x128x128xf32, #tpu.memory_space<vmem>> -> memref<1x128x128xf32, #tpu.memory_space<vmem>>
    %dma_wait3A_208 = tpu.memref_squeeze %dma_wait3A_207 : memref<1x128x128xf32, #tpu.memory_space<vmem>> -> memref<128x128xf32, #tpu.memory_space<vmem>>
    %dma_wait3A_209 = arith.constant 0 : i32
    %dma_wait3A_210 = tpu.memref_slice %arg4[%mul3A_81, %dma_wait3A_209] : memref<16384x128xf32, #tpu.memory_space<hbm>> -> memref<128x128xf32, #tpu.memory_space<hbm>>
    %dma_wait3A_211 = tpu.memref_slice %arg8[%dma_wait3A_204] : memref<4x!tpu.dma_semaphore, #tpu.memory_space<semaphore_mem>> -> memref<1x!tpu.dma_semaphore, #tpu.memory_space<semaphore_mem>>
    %dma_wait3A_212 = tpu.memref_squeeze %dma_wait3A_211 : memref<1x!tpu.dma_semaphore, #tpu.memory_space<semaphore_mem>> -> memref<!tpu.dma_semaphore, #tpu.memory_space<semaphore_mem>>
    %dma_wait3A_213 = arith.constant 0 : i32
    %dma_wait3A_214 = tpu.memref_slice %arg4[%mul3A_81, %dma_wait3A_213] : memref<16384x128xf32, #tpu.memory_space<hbm>> -> memref<128x128xf32, #tpu.memory_space<hbm>>
    %dma_wait3A_215 = arith.constant 0 : i32
    %dma_wait3A_216 = arith.constant 0 : i32
    %dma_wait3A_217 = tpu.memref_slice %arg6[%dma_wait3A_203, %dma_wait3A_215, %dma_wait3A_216] : memref<4x128x128xf32, #tpu.memory_space<vmem>> -> memref<1x128x128xf32, #tpu.memory_space<vmem>>
    %dma_wait3A_218 = tpu.memref_squeeze %dma_wait3A_217 : memref<1x128x128xf32, #tpu.memory_space<vmem>> -> memref<128x128xf32, #tpu.memory_space<vmem>>
    tpu.wait_dma2 semaphore(%dma_wait3A_212 : memref<!tpu.dma_semaphore, #tpu.memory_space<semaphore_mem>>) src(%dma_wait3A_218 : memref<128x128xf32, #tpu.memory_space<vmem>>) dst(%dma_wait3A_214 : memref<128x128xf32, #tpu.memory_space<hbm>>)
    %dma_wait3A_219 = arith.constant 1 : i32
    %dma_wait3A_220 = arith.constant 1 : i32
    %dma_wait3A_221 = arith.constant 0 : i32
    %dma_wait3A_222 = arith.constant 0 : i32
    %dma_wait3A_223 = tpu.memref_slice %arg6[%dma_wait3A_219, %dma_wait3A_221, %dma_wait3A_222] : memref<4x128x128xf32, #tpu.memory_space<vmem>> -> memref<1x128x128xf32, #tpu.memory_space<vmem>>
    %dma_wait3A_224 = tpu.memref_squeeze %dma_wait3A_223 : memref<1x128x128xf32, #tpu.memory_space<vmem>> -> memref<128x128xf32, #tpu.memory_space<vmem>>
    %dma_wait3A_225 = arith.constant 0 : i32
    %dma_wait3A_226 = tpu.memref_slice %arg4[%mul3A_116, %dma_wait3A_225] : memref<16384x128xf32, #tpu.memory_space<hbm>> -> memref<128x128xf32, #tpu.memory_space<hbm>>
    %dma_wait3A_227 = tpu.memref_slice %arg8[%dma_wait3A_220] : memref<4x!tpu.dma_semaphore, #tpu.memory_space<semaphore_mem>> -> memref<1x!tpu.dma_semaphore, #tpu.memory_space<semaphore_mem>>
    %dma_wait3A_228 = tpu.memref_squeeze %dma_wait3A_227 : memref<1x!tpu.dma_semaphore, #tpu.memory_space<semaphore_mem>> -> memref<!tpu.dma_semaphore, #tpu.memory_space<semaphore_mem>>
    %dma_wait3A_229 = arith.constant 0 : i32
    %dma_wait3A_230 = tpu.memref_slice %arg4[%mul3A_116, %dma_wait3A_229] : memref<16384x128xf32, #tpu.memory_space<hbm>> -> memref<128x128xf32, #tpu.memory_space<hbm>>
    %dma_wait3A_231 = arith.constant 0 : i32
    %dma_wait3A_232 = arith.constant 0 : i32
    %dma_wait3A_233 = tpu.memref_slice %arg6[%dma_wait3A_219, %dma_wait3A_231, %dma_wait3A_232] : memref<4x128x128xf32, #tpu.memory_space<vmem>> -> memref<1x128x128xf32, #tpu.memory_space<vmem>>
    %dma_wait3A_234 = tpu.memref_squeeze %dma_wait3A_233 : memref<1x128x128xf32, #tpu.memory_space<vmem>> -> memref<128x128xf32, #tpu.memory_space<vmem>>
    tpu.wait_dma2 semaphore(%dma_wait3A_228 : memref<!tpu.dma_semaphore, #tpu.memory_space<semaphore_mem>>) src(%dma_wait3A_234 : memref<128x128xf32, #tpu.memory_space<vmem>>) dst(%dma_wait3A_230 : memref<128x128xf32, #tpu.memory_space<hbm>>)
    %dma_wait3A_235 = arith.constant 2 : i32
    %dma_wait3A_236 = arith.constant 2 : i32
    %dma_wait3A_237 = arith.constant 0 : i32
    %dma_wait3A_238 = arith.constant 0 : i32
    %dma_wait3A_239 = tpu.memref_slice %arg6[%dma_wait3A_235, %dma_wait3A_237, %dma_wait3A_238] : memref<4x128x128xf32, #tpu.memory_space<vmem>> -> memref<1x128x128xf32, #tpu.memory_space<vmem>>
    %dma_wait3A_240 = tpu.memref_squeeze %dma_wait3A_239 : memref<1x128x128xf32, #tpu.memory_space<vmem>> -> memref<128x128xf32, #tpu.memory_space<vmem>>
    %dma_wait3A_241 = arith.constant 0 : i32
    %dma_wait3A_242 = tpu.memref_slice %arg4[%mul3A_151, %dma_wait3A_241] : memref<16384x128xf32, #tpu.memory_space<hbm>> -> memref<128x128xf32, #tpu.memory_space<hbm>>
    %dma_wait3A_243 = tpu.memref_slice %arg8[%dma_wait3A_236] : memref<4x!tpu.dma_semaphore, #tpu.memory_space<semaphore_mem>> -> memref<1x!tpu.dma_semaphore, #tpu.memory_space<semaphore_mem>>
    %dma_wait3A_244 = tpu.memref_squeeze %dma_wait3A_243 : memref<1x!tpu.dma_semaphore, #tpu.memory_space<semaphore_mem>> -> memref<!tpu.dma_semaphore, #tpu.memory_space<semaphore_mem>>
    %dma_wait3A_245 = arith.constant 0 : i32
    %dma_wait3A_246 = tpu.memref_slice %arg4[%mul3A_151, %dma_wait3A_245] : memref<16384x128xf32, #tpu.memory_space<hbm>> -> memref<128x128xf32, #tpu.memory_space<hbm>>
    %dma_wait3A_247 = arith.constant 0 : i32
    %dma_wait3A_248 = arith.constant 0 : i32
    %dma_wait3A_249 = tpu.memref_slice %arg6[%dma_wait3A_235, %dma_wait3A_247, %dma_wait3A_248] : memref<4x128x128xf32, #tpu.memory_space<vmem>> -> memref<1x128x128xf32, #tpu.memory_space<vmem>>
    %dma_wait3A_250 = tpu.memref_squeeze %dma_wait3A_249 : memref<1x128x128xf32, #tpu.memory_space<vmem>> -> memref<128x128xf32, #tpu.memory_space<vmem>>
    tpu.wait_dma2 semaphore(%dma_wait3A_244 : memref<!tpu.dma_semaphore, #tpu.memory_space<semaphore_mem>>) src(%dma_wait3A_250 : memref<128x128xf32, #tpu.memory_space<vmem>>) dst(%dma_wait3A_246 : memref<128x128xf32, #tpu.memory_space<hbm>>)
    %dma_wait3A_251 = arith.constant 3 : i32
    %dma_wait3A_252 = arith.constant 3 : i32
    %dma_wait3A_253 = arith.constant 0 : i32
    %dma_wait3A_254 = arith.constant 0 : i32
    %dma_wait3A_255 = tpu.memref_slice %arg6[%dma_wait3A_251, %dma_wait3A_253, %dma_wait3A_254] : memref<4x128x128xf32, #tpu.memory_space<vmem>> -> memref<1x128x128xf32, #tpu.memory_space<vmem>>
    %dma_wait3A_256 = tpu.memref_squeeze %dma_wait3A_255 : memref<1x128x128xf32, #tpu.memory_space<vmem>> -> memref<128x128xf32, #tpu.memory_space<vmem>>
    %dma_wait3A_257 = arith.constant 0 : i32
    %dma_wait3A_258 = tpu.memref_slice %arg4[%mul3A_186, %dma_wait3A_257] : memref<16384x128xf32, #tpu.memory_space<hbm>> -> memref<128x128xf32, #tpu.memory_space<hbm>>
    %dma_wait3A_259 = tpu.memref_slice %arg8[%dma_wait3A_252] : memref<4x!tpu.dma_semaphore, #tpu.memory_space<semaphore_mem>> -> memref<1x!tpu.dma_semaphore, #tpu.memory_space<semaphore_mem>>
    %dma_wait3A_260 = tpu.memref_squeeze %dma_wait3A_259 : memref<1x!tpu.dma_semaphore, #tpu.memory_space<semaphore_mem>> -> memref<!tpu.dma_semaphore, #tpu.memory_space<semaphore_mem>>
    %dma_wait3A_261 = arith.constant 0 : i32
    %dma_wait3A_262 = tpu.memref_slice %arg4[%mul3A_186, %dma_wait3A_261] : memref<16384x128xf32, #tpu.memory_space<hbm>> -> memref<128x128xf32, #tpu.memory_space<hbm>>
    %dma_wait3A_263 = arith.constant 0 : i32
    %dma_wait3A_264 = arith.constant 0 : i32
    %dma_wait3A_265 = tpu.memref_slice %arg6[%dma_wait3A_251, %dma_wait3A_263, %dma_wait3A_264] : memref<4x128x128xf32, #tpu.memory_space<vmem>> -> memref<1x128x128xf32, #tpu.memory_space<vmem>>
    %dma_wait3A_266 = tpu.memref_squeeze %dma_wait3A_265 : memref<1x128x128xf32, #tpu.memory_space<vmem>> -> memref<128x128xf32, #tpu.memory_space<vmem>>
    tpu.wait_dma2 semaphore(%dma_wait3A_260 : memref<!tpu.dma_semaphore, #tpu.memory_space<semaphore_mem>>) src(%dma_wait3A_266 : memref<128x128xf32, #tpu.memory_space<vmem>>) dst(%dma_wait3A_262 : memref<128x128xf32, #tpu.memory_space<hbm>>)
    return
  }
}

module attributes {stable_mosaic.version = 14 : i64} {
  func.func @_ln_body(%arg0: i32, %arg1: memref<2048x128xf32, #tpu.memory_space<vmem>>, %arg2: memref<2048x128xf32, #tpu.memory_space<vmem>>, %arg3: memref<1x128xf32, #tpu.memory_space<vmem>>, %arg4: memref<1x128xf32, #tpu.memory_space<vmem>>, %arg5: memref<128x128xbf16, #tpu.memory_space<vmem>>, %arg6: memref<128x128xbf16, #tpu.memory_space<vmem>>, %arg7: memref<2048x128xf32, #tpu.memory_space<vmem>>) attributes {dimension_semantics = [#tpu.dimension_semantics<arbitrary>], iteration_bounds = array<i64: 8>, scalar_prefetch = 0 : i64, scratch_operands = 0 : i64, tpu.core_type = #tpu.core_type<tc>, window_params = [{transform_indices = @transform_0, window_bounds = array<i64: 2048, 128>}, {pipeline_mode = #tpu.pipeline_mode<synchronous>, transform_indices = @transform_1, window_bounds = array<i64: 2048, 128>}, {pipeline_mode = #tpu.pipeline_mode<synchronous>, transform_indices = @transform_2, window_bounds = array<i64: 1, 128>}, {pipeline_mode = #tpu.pipeline_mode<synchronous>, transform_indices = @transform_3, window_bounds = array<i64: 1, 128>}, {pipeline_mode = #tpu.pipeline_mode<synchronous>, transform_indices = @transform_4, window_bounds = array<i64: 128, 128>}, {pipeline_mode = #tpu.pipeline_mode<synchronous>, transform_indices = @transform_5, window_bounds = array<i64: 128, 128>}, {transform_indices = @transform_6, window_bounds = array<i64: 2048, 128>}]} {
    %get3A = arith.constant 0 : index
    %get3A_0 = arith.constant 0 : index
    %get3A_1 = vector.load %arg1[%get3A, %get3A_0] : memref<2048x128xf32, #tpu.memory_space<vmem>>, vector<2048x128xf32>
    %get3A_2 = arith.constant 0 : index
    %get3A_3 = arith.constant 0 : index
    %get3A_4 = vector.load %arg2[%get3A_2, %get3A_3] : memref<2048x128xf32, #tpu.memory_space<vmem>>, vector<2048x128xf32>
    %add3A = arith.addf %get3A_1, %get3A_4 : vector<2048x128xf32>
    %get3A_5 = arith.constant 0 : index
    %get3A_6 = arith.constant 0 : index
    %get3A_7 = vector.load %arg5[%get3A_5, %get3A_6] : memref<128x128xbf16, #tpu.memory_space<vmem>>, vector<128x128xbf16>
    %convert_element_type3A = arith.truncf %add3A : vector<2048x128xf32> to vector<2048x128xbf16>
    %dot_general3A = arith.constant dense<0.000000e+00> : vector<2048x128xf32>
    %dot_general3A_8 = tpu.matmul %convert_element_type3A, %get3A_7, %dot_general3A {dimension_numbers = #tpu.dot_dimension_numbers<[1], [0], [0], [1], [0, 0, 1, 1], [], []>, transpose_lhs_hint = false} : vector<2048x128xbf16>, vector<128x128xbf16>, vector<2048x128xf32> -> vector<2048x128xf32>
    %mul3A = arith.mulf %dot_general3A_8, %dot_general3A_8 : vector<2048x128xf32>
    %get3A_9 = arith.constant 0 : index
    %get3A_10 = arith.constant 0 : index
    %get3A_11 = vector.load %arg6[%get3A_9, %get3A_10] : memref<128x128xbf16, #tpu.memory_space<vmem>>, vector<128x128xbf16>
    %convert_element_type3A_12 = arith.truncf %mul3A : vector<2048x128xf32> to vector<2048x128xbf16>
    %dot_general3A_13 = arith.constant dense<0.000000e+00> : vector<2048x128xf32>
    %dot_general3A_14 = tpu.matmul %convert_element_type3A_12, %get3A_11, %dot_general3A_13 {dimension_numbers = #tpu.dot_dimension_numbers<[1], [0], [0], [1], [0, 0, 1, 1], [], []>, transpose_lhs_hint = false} : vector<2048x128xbf16>, vector<128x128xbf16>, vector<2048x128xf32> -> vector<2048x128xf32>
    %add3A_15 = arith.constant 9.99999974E-6 : f32
    %add3A_16 = vector.broadcast %add3A_15 : f32 to vector<2048x128xf32>
    %add3A_17 = arith.addf %dot_general3A_14, %add3A_16 : vector<2048x128xf32>
    %rsqrt3A = math.rsqrt %add3A_17 : vector<2048x128xf32>
    %mul3A_18 = arith.mulf %dot_general3A_8, %rsqrt3A : vector<2048x128xf32>
    %get3A_19 = arith.constant 0 : index
    %get3A_20 = arith.constant 0 : index
    %get3A_21 = vector.load %arg3[%get3A_19, %get3A_20] : memref<1x128xf32, #tpu.memory_space<vmem>>, vector<1x128xf32>
    %mul3A_22 = vector.broadcast %get3A_21 : vector<1x128xf32> to vector<2048x128xf32>
    %mul3A_23 = arith.mulf %mul3A_18, %mul3A_22 : vector<2048x128xf32>
    %get3A_24 = arith.constant 0 : index
    %get3A_25 = arith.constant 0 : index
    %get3A_26 = vector.load %arg4[%get3A_24, %get3A_25] : memref<1x128xf32, #tpu.memory_space<vmem>>, vector<1x128xf32>
    %add3A_27 = vector.broadcast %get3A_26 : vector<1x128xf32> to vector<2048x128xf32>
    %add3A_28 = arith.addf %mul3A_23, %add3A_27 : vector<2048x128xf32>
    %swap3A = arith.constant 0 : index
    %swap3A_29 = arith.constant 0 : index
    %swap3A_30 = vector.load %arg7[%swap3A, %swap3A_29] : memref<2048x128xf32, #tpu.memory_space<vmem>>, vector<2048x128xf32>
    tpu.vector_store %arg7[%swap3A, %swap3A_29], %add3A_28 {strides = array<i32>} : memref<2048x128xf32, #tpu.memory_space<vmem>>, vector<2048x128xf32>,
    return
  }
  func.func @transform_0(%arg0: i32) -> (i32, i32) {
    %c0_i32 = arith.constant 0 : i32
    %c0_i32_0 = arith.constant 0 : i32
    return %arg0, %c0_i32 : i32, i32
  }
  func.func @transform_1(%arg0: i32) -> (i32, i32) {
    %c0_i32 = arith.constant 0 : i32
    %c0_i32_0 = arith.constant 0 : i32
    %c0_i32_1 = arith.constant 0 : i32
    return %c0_i32, %c0_i32_0 : i32, i32
  }
  func.func @transform_2(%arg0: i32) -> (i32, i32) {
    %c0_i32 = arith.constant 0 : i32
    %c0_i32_0 = arith.constant 0 : i32
    %c0_i32_1 = arith.constant 0 : i32
    return %c0_i32, %c0_i32_0 : i32, i32
  }
  func.func @transform_3(%arg0: i32) -> (i32, i32) {
    %c0_i32 = arith.constant 0 : i32
    %c0_i32_0 = arith.constant 0 : i32
    %c0_i32_1 = arith.constant 0 : i32
    return %c0_i32, %c0_i32_0 : i32, i32
  }
  func.func @transform_4(%arg0: i32) -> (i32, i32) {
    %c0_i32 = arith.constant 0 : i32
    %c0_i32_0 = arith.constant 0 : i32
    %c0_i32_1 = arith.constant 0 : i32
    return %c0_i32, %c0_i32_0 : i32, i32
  }
  func.func @transform_5(%arg0: i32) -> (i32, i32) {
    %c0_i32 = arith.constant 0 : i32
    %c0_i32_0 = arith.constant 0 : i32
    %c0_i32_1 = arith.constant 0 : i32
    return %c0_i32, %c0_i32_0 : i32, i32
  }
  func.func @transform_6(%arg0: i32) -> (i32, i32) {
    %add3A = arith.constant 0 : i32
    %add3A_0 = arith.addi %arg0, %add3A : i32
    %c0_i32 = arith.constant 0 : i32
    %c0_i32_1 = arith.constant 0 : i32
    return %add3A_0, %c0_i32 : i32, i32
  }
}

module attributes {stable_mosaic.version = 14 : i64} {
  func.func @_ln_body_full(%arg0: i32, %arg1: memref<65536x128xf32, #tpu.memory_space<hbm>>, %arg2: memref<2048x128xf32, #tpu.memory_space<vmem>>, %arg3: memref<2048x128xf32, #tpu.memory_space<vmem>>, %arg4: memref<1x128xf32, #tpu.memory_space<vmem>>, %arg5: memref<1x128xf32, #tpu.memory_space<vmem>>, %arg6: memref<128x128xbf16, #tpu.memory_space<vmem>>, %arg7: memref<128x128xbf16, #tpu.memory_space<vmem>>, %arg8: memref<2048x128xf32, #tpu.memory_space<vmem>>) attributes {dimension_semantics = [#tpu.dimension_semantics<arbitrary>], iteration_bounds = array<i64: 8>, scalar_prefetch = 0 : i64, scratch_operands = 0 : i64, tpu.core_type = #tpu.core_type<tc>, window_params = [{}, {transform_indices = @transform_1, window_bounds = array<i64: 2048, 128>}, {pipeline_mode = #tpu.pipeline_mode<synchronous>, transform_indices = @transform_2, window_bounds = array<i64: 2048, 128>}, {pipeline_mode = #tpu.pipeline_mode<synchronous>, transform_indices = @transform_3, window_bounds = array<i64: 1, 128>}, {pipeline_mode = #tpu.pipeline_mode<synchronous>, transform_indices = @transform_4, window_bounds = array<i64: 1, 128>}, {pipeline_mode = #tpu.pipeline_mode<synchronous>, transform_indices = @transform_5, window_bounds = array<i64: 128, 128>}, {pipeline_mode = #tpu.pipeline_mode<synchronous>, transform_indices = @transform_6, window_bounds = array<i64: 128, 128>}, {transform_indices = @transform_7, window_bounds = array<i64: 2048, 128>}]} {
    %get3A = arith.constant 0 : index
    %get3A_0 = arith.constant 0 : index
    %get3A_1 = vector.load %arg2[%get3A, %get3A_0] : memref<2048x128xf32, #tpu.memory_space<vmem>>, vector<2048x128xf32>
    %get3A_2 = arith.constant 0 : index
    %get3A_3 = arith.constant 0 : index
    %get3A_4 = vector.load %arg3[%get3A_2, %get3A_3] : memref<2048x128xf32, #tpu.memory_space<vmem>>, vector<2048x128xf32>
    %add3A = arith.addf %get3A_1, %get3A_4 : vector<2048x128xf32>
    %get3A_5 = arith.constant 0 : index
    %get3A_6 = arith.constant 0 : index
    %get3A_7 = vector.load %arg6[%get3A_5, %get3A_6] : memref<128x128xbf16, #tpu.memory_space<vmem>>, vector<128x128xbf16>
    %convert_element_type3A = arith.truncf %add3A : vector<2048x128xf32> to vector<2048x128xbf16>
    %dot_general3A = arith.constant dense<0.000000e+00> : vector<2048x128xf32>
    %dot_general3A_8 = tpu.matmul %convert_element_type3A, %get3A_7, %dot_general3A {dimension_numbers = #tpu.dot_dimension_numbers<[1], [0], [0], [1], [0, 0, 1, 1], [], []>, transpose_lhs_hint = false} : vector<2048x128xbf16>, vector<128x128xbf16>, vector<2048x128xf32> -> vector<2048x128xf32>
    %mul3A = arith.mulf %dot_general3A_8, %dot_general3A_8 : vector<2048x128xf32>
    %get3A_9 = arith.constant 0 : index
    %get3A_10 = arith.constant 0 : index
    %get3A_11 = vector.load %arg7[%get3A_9, %get3A_10] : memref<128x128xbf16, #tpu.memory_space<vmem>>, vector<128x128xbf16>
    %convert_element_type3A_12 = arith.truncf %mul3A : vector<2048x128xf32> to vector<2048x128xbf16>
    %dot_general3A_13 = arith.constant dense<0.000000e+00> : vector<2048x128xf32>
    %dot_general3A_14 = tpu.matmul %convert_element_type3A_12, %get3A_11, %dot_general3A_13 {dimension_numbers = #tpu.dot_dimension_numbers<[1], [0], [0], [1], [0, 0, 1, 1], [], []>, transpose_lhs_hint = false} : vector<2048x128xbf16>, vector<128x128xbf16>, vector<2048x128xf32> -> vector<2048x128xf32>
    %add3A_15 = arith.constant 9.99999974E-6 : f32
    %add3A_16 = vector.broadcast %add3A_15 : f32 to vector<2048x128xf32>
    %add3A_17 = arith.addf %dot_general3A_14, %add3A_16 : vector<2048x128xf32>
    %rsqrt3A = math.rsqrt %add3A_17 : vector<2048x128xf32>
    %mul3A_18 = arith.mulf %dot_general3A_8, %rsqrt3A : vector<2048x128xf32>
    %get3A_19 = arith.constant 0 : index
    %get3A_20 = arith.constant 0 : index
    %get3A_21 = vector.load %arg4[%get3A_19, %get3A_20] : memref<1x128xf32, #tpu.memory_space<vmem>>, vector<1x128xf32>
    %mul3A_22 = vector.broadcast %get3A_21 : vector<1x128xf32> to vector<2048x128xf32>
    %mul3A_23 = arith.mulf %mul3A_18, %mul3A_22 : vector<2048x128xf32>
    %get3A_24 = arith.constant 0 : index
    %get3A_25 = arith.constant 0 : index
    %get3A_26 = vector.load %arg5[%get3A_24, %get3A_25] : memref<1x128xf32, #tpu.memory_space<vmem>>, vector<1x128xf32>
    %add3A_27 = vector.broadcast %get3A_26 : vector<1x128xf32> to vector<2048x128xf32>
    %add3A_28 = arith.addf %mul3A_23, %add3A_27 : vector<2048x128xf32>
    %swap3A = arith.constant 0 : index
    %swap3A_29 = arith.constant 0 : index
    %swap3A_30 = vector.load %arg8[%swap3A, %swap3A_29] : memref<2048x128xf32, #tpu.memory_space<vmem>>, vector<2048x128xf32>
    tpu.vector_store %arg8[%swap3A, %swap3A_29], %add3A_28 {strides = array<i32>} : memref<2048x128xf32, #tpu.memory_space<vmem>>, vector<2048x128xf32>,
    return
  }
  func.func @transform_1(%arg0: i32) -> (i32, i32) {
    %c0_i32 = arith.constant 0 : i32
    %c0_i32_0 = arith.constant 0 : i32
    return %arg0, %c0_i32 : i32, i32
  }
  func.func @transform_2(%arg0: i32) -> (i32, i32) {
    %c0_i32 = arith.constant 0 : i32
    %c0_i32_0 = arith.constant 0 : i32
    %c0_i32_1 = arith.constant 0 : i32
    return %c0_i32, %c0_i32_0 : i32, i32
  }
  func.func @transform_3(%arg0: i32) -> (i32, i32) {
    %c0_i32 = arith.constant 0 : i32
    %c0_i32_0 = arith.constant 0 : i32
    %c0_i32_1 = arith.constant 0 : i32
    return %c0_i32, %c0_i32_0 : i32, i32
  }
  func.func @transform_4(%arg0: i32) -> (i32, i32) {
    %c0_i32 = arith.constant 0 : i32
    %c0_i32_0 = arith.constant 0 : i32
    %c0_i32_1 = arith.constant 0 : i32
    return %c0_i32, %c0_i32_0 : i32, i32
  }
  func.func @transform_5(%arg0: i32) -> (i32, i32) {
    %c0_i32 = arith.constant 0 : i32
    %c0_i32_0 = arith.constant 0 : i32
    %c0_i32_1 = arith.constant 0 : i32
    return %c0_i32, %c0_i32_0 : i32, i32
  }
  func.func @transform_6(%arg0: i32) -> (i32, i32) {
    %c0_i32 = arith.constant 0 : i32
    %c0_i32_0 = arith.constant 0 : i32
    %c0_i32_1 = arith.constant 0 : i32
    return %c0_i32, %c0_i32_0 : i32, i32
  }
  func.func @transform_7(%arg0: i32) -> (i32, i32) {
    %add3A = arith.constant 16 : i32
    %add3A_0 = arith.addi %arg0, %add3A : i32
    %c0_i32 = arith.constant 0 : i32
    %c0_i32_1 = arith.constant 0 : i32
    return %add3A_0, %c0_i32 : i32, i32
  }
}

module attributes {stable_mosaic.version = 14 : i64} {
  func.func @_ln_body_full(%arg0: i32, %arg1: memref<65536x128xf32, #tpu.memory_space<hbm>>, %arg2: memref<2048x128xf32, #tpu.memory_space<vmem>>, %arg3: memref<2048x128xf32, #tpu.memory_space<vmem>>, %arg4: memref<1x128xf32, #tpu.memory_space<vmem>>, %arg5: memref<1x128xf32, #tpu.memory_space<vmem>>, %arg6: memref<128x128xbf16, #tpu.memory_space<vmem>>, %arg7: memref<128x128xbf16, #tpu.memory_space<vmem>>, %arg8: memref<2048x128xf32, #tpu.memory_space<vmem>>) attributes {dimension_semantics = [#tpu.dimension_semantics<arbitrary>], iteration_bounds = array<i64: 8>, scalar_prefetch = 0 : i64, scratch_operands = 0 : i64, tpu.core_type = #tpu.core_type<tc>, window_params = [{}, {transform_indices = @transform_1, window_bounds = array<i64: 2048, 128>}, {pipeline_mode = #tpu.pipeline_mode<synchronous>, transform_indices = @transform_2, window_bounds = array<i64: 2048, 128>}, {pipeline_mode = #tpu.pipeline_mode<synchronous>, transform_indices = @transform_3, window_bounds = array<i64: 1, 128>}, {pipeline_mode = #tpu.pipeline_mode<synchronous>, transform_indices = @transform_4, window_bounds = array<i64: 1, 128>}, {pipeline_mode = #tpu.pipeline_mode<synchronous>, transform_indices = @transform_5, window_bounds = array<i64: 128, 128>}, {pipeline_mode = #tpu.pipeline_mode<synchronous>, transform_indices = @transform_6, window_bounds = array<i64: 128, 128>}, {transform_indices = @transform_7, window_bounds = array<i64: 2048, 128>}]} {
    %get3A = arith.constant 0 : index
    %get3A_0 = arith.constant 0 : index
    %get3A_1 = vector.load %arg2[%get3A, %get3A_0] : memref<2048x128xf32, #tpu.memory_space<vmem>>, vector<2048x128xf32>
    %get3A_2 = arith.constant 0 : index
    %get3A_3 = arith.constant 0 : index
    %get3A_4 = vector.load %arg3[%get3A_2, %get3A_3] : memref<2048x128xf32, #tpu.memory_space<vmem>>, vector<2048x128xf32>
    %add3A = arith.addf %get3A_1, %get3A_4 : vector<2048x128xf32>
    %get3A_5 = arith.constant 0 : index
    %get3A_6 = arith.constant 0 : index
    %get3A_7 = vector.load %arg6[%get3A_5, %get3A_6] : memref<128x128xbf16, #tpu.memory_space<vmem>>, vector<128x128xbf16>
    %convert_element_type3A = arith.truncf %add3A : vector<2048x128xf32> to vector<2048x128xbf16>
    %dot_general3A = arith.constant dense<0.000000e+00> : vector<2048x128xf32>
    %dot_general3A_8 = tpu.matmul %convert_element_type3A, %get3A_7, %dot_general3A {dimension_numbers = #tpu.dot_dimension_numbers<[1], [0], [0], [1], [0, 0, 1, 1], [], []>, transpose_lhs_hint = false} : vector<2048x128xbf16>, vector<128x128xbf16>, vector<2048x128xf32> -> vector<2048x128xf32>
    %mul3A = arith.mulf %dot_general3A_8, %dot_general3A_8 : vector<2048x128xf32>
    %get3A_9 = arith.constant 0 : index
    %get3A_10 = arith.constant 0 : index
    %get3A_11 = vector.load %arg7[%get3A_9, %get3A_10] : memref<128x128xbf16, #tpu.memory_space<vmem>>, vector<128x128xbf16>
    %convert_element_type3A_12 = arith.truncf %mul3A : vector<2048x128xf32> to vector<2048x128xbf16>
    %dot_general3A_13 = arith.constant dense<0.000000e+00> : vector<2048x128xf32>
    %dot_general3A_14 = tpu.matmul %convert_element_type3A_12, %get3A_11, %dot_general3A_13 {dimension_numbers = #tpu.dot_dimension_numbers<[1], [0], [0], [1], [0, 0, 1, 1], [], []>, transpose_lhs_hint = false} : vector<2048x128xbf16>, vector<128x128xbf16>, vector<2048x128xf32> -> vector<2048x128xf32>
    %add3A_15 = arith.constant 9.99999974E-6 : f32
    %add3A_16 = vector.broadcast %add3A_15 : f32 to vector<2048x128xf32>
    %add3A_17 = arith.addf %dot_general3A_14, %add3A_16 : vector<2048x128xf32>
    %rsqrt3A = math.rsqrt %add3A_17 : vector<2048x128xf32>
    %mul3A_18 = arith.mulf %dot_general3A_8, %rsqrt3A : vector<2048x128xf32>
    %get3A_19 = arith.constant 0 : index
    %get3A_20 = arith.constant 0 : index
    %get3A_21 = vector.load %arg4[%get3A_19, %get3A_20] : memref<1x128xf32, #tpu.memory_space<vmem>>, vector<1x128xf32>
    %mul3A_22 = vector.broadcast %get3A_21 : vector<1x128xf32> to vector<2048x128xf32>
    %mul3A_23 = arith.mulf %mul3A_18, %mul3A_22 : vector<2048x128xf32>
    %get3A_24 = arith.constant 0 : index
    %get3A_25 = arith.constant 0 : index
    %get3A_26 = vector.load %arg5[%get3A_24, %get3A_25] : memref<1x128xf32, #tpu.memory_space<vmem>>, vector<1x128xf32>
    %add3A_27 = vector.broadcast %get3A_26 : vector<1x128xf32> to vector<2048x128xf32>
    %add3A_28 = arith.addf %mul3A_23, %add3A_27 : vector<2048x128xf32>
    %swap3A = arith.constant 0 : index
    %swap3A_29 = arith.constant 0 : index
    %swap3A_30 = vector.load %arg8[%swap3A, %swap3A_29] : memref<2048x128xf32, #tpu.memory_space<vmem>>, vector<2048x128xf32>
    tpu.vector_store %arg8[%swap3A, %swap3A_29], %add3A_28 {strides = array<i32>} : memref<2048x128xf32, #tpu.memory_space<vmem>>, vector<2048x128xf32>,
    return
  }
  func.func @transform_1(%arg0: i32) -> (i32, i32) {
    %c0_i32 = arith.constant 0 : i32
    %c0_i32_0 = arith.constant 0 : i32
    return %arg0, %c0_i32 : i32, i32
  }
  func.func @transform_2(%arg0: i32) -> (i32, i32) {
    %c0_i32 = arith.constant 0 : i32
    %c0_i32_0 = arith.constant 0 : i32
    %c0_i32_1 = arith.constant 0 : i32
    return %c0_i32, %c0_i32_0 : i32, i32
  }
  func.func @transform_3(%arg0: i32) -> (i32, i32) {
    %c0_i32 = arith.constant 0 : i32
    %c0_i32_0 = arith.constant 0 : i32
    %c0_i32_1 = arith.constant 0 : i32
    return %c0_i32, %c0_i32_0 : i32, i32
  }
  func.func @transform_4(%arg0: i32) -> (i32, i32) {
    %c0_i32 = arith.constant 0 : i32
    %c0_i32_0 = arith.constant 0 : i32
    %c0_i32_1 = arith.constant 0 : i32
    return %c0_i32, %c0_i32_0 : i32, i32
  }
  func.func @transform_5(%arg0: i32) -> (i32, i32) {
    %c0_i32 = arith.constant 0 : i32
    %c0_i32_0 = arith.constant 0 : i32
    %c0_i32_1 = arith.constant 0 : i32
    return %c0_i32, %c0_i32_0 : i32, i32
  }
  func.func @transform_6(%arg0: i32) -> (i32, i32) {
    %c0_i32 = arith.constant 0 : i32
    %c0_i32_0 = arith.constant 0 : i32
    %c0_i32_1 = arith.constant 0 : i32
    return %c0_i32, %c0_i32_0 : i32, i32
  }
  func.func @transform_7(%arg0: i32) -> (i32, i32) {
    %add3A = arith.constant 8 : i32
    %add3A_0 = arith.addi %arg0, %add3A : i32
    %c0_i32 = arith.constant 0 : i32
    %c0_i32_1 = arith.constant 0 : i32
    return %add3A_0, %c0_i32 : i32, i32
  }
}

module attributes {stable_mosaic.version = 14 : i64} {
  func.func @_ln_body_full(%arg0: i32, %arg1: memref<65536x128xf32, #tpu.memory_space<hbm>>, %arg2: memref<2048x128xf32, #tpu.memory_space<vmem>>, %arg3: memref<2048x128xf32, #tpu.memory_space<vmem>>, %arg4: memref<1x128xf32, #tpu.memory_space<vmem>>, %arg5: memref<1x128xf32, #tpu.memory_space<vmem>>, %arg6: memref<128x128xbf16, #tpu.memory_space<vmem>>, %arg7: memref<128x128xbf16, #tpu.memory_space<vmem>>, %arg8: memref<2048x128xf32, #tpu.memory_space<vmem>>) attributes {dimension_semantics = [#tpu.dimension_semantics<arbitrary>], iteration_bounds = array<i64: 8>, scalar_prefetch = 0 : i64, scratch_operands = 0 : i64, tpu.core_type = #tpu.core_type<tc>, window_params = [{}, {transform_indices = @transform_1, window_bounds = array<i64: 2048, 128>}, {pipeline_mode = #tpu.pipeline_mode<synchronous>, transform_indices = @transform_2, window_bounds = array<i64: 2048, 128>}, {pipeline_mode = #tpu.pipeline_mode<synchronous>, transform_indices = @transform_3, window_bounds = array<i64: 1, 128>}, {pipeline_mode = #tpu.pipeline_mode<synchronous>, transform_indices = @transform_4, window_bounds = array<i64: 1, 128>}, {pipeline_mode = #tpu.pipeline_mode<synchronous>, transform_indices = @transform_5, window_bounds = array<i64: 128, 128>}, {pipeline_mode = #tpu.pipeline_mode<synchronous>, transform_indices = @transform_6, window_bounds = array<i64: 128, 128>}, {transform_indices = @transform_7, window_bounds = array<i64: 2048, 128>}]} {
    %get3A = arith.constant 0 : index
    %get3A_0 = arith.constant 0 : index
    %get3A_1 = vector.load %arg2[%get3A, %get3A_0] : memref<2048x128xf32, #tpu.memory_space<vmem>>, vector<2048x128xf32>
    %get3A_2 = arith.constant 0 : index
    %get3A_3 = arith.constant 0 : index
    %get3A_4 = vector.load %arg3[%get3A_2, %get3A_3] : memref<2048x128xf32, #tpu.memory_space<vmem>>, vector<2048x128xf32>
    %add3A = arith.addf %get3A_1, %get3A_4 : vector<2048x128xf32>
    %get3A_5 = arith.constant 0 : index
    %get3A_6 = arith.constant 0 : index
    %get3A_7 = vector.load %arg6[%get3A_5, %get3A_6] : memref<128x128xbf16, #tpu.memory_space<vmem>>, vector<128x128xbf16>
    %convert_element_type3A = arith.truncf %add3A : vector<2048x128xf32> to vector<2048x128xbf16>
    %dot_general3A = arith.constant dense<0.000000e+00> : vector<2048x128xf32>
    %dot_general3A_8 = tpu.matmul %convert_element_type3A, %get3A_7, %dot_general3A {dimension_numbers = #tpu.dot_dimension_numbers<[1], [0], [0], [1], [0, 0, 1, 1], [], []>, transpose_lhs_hint = false} : vector<2048x128xbf16>, vector<128x128xbf16>, vector<2048x128xf32> -> vector<2048x128xf32>
    %mul3A = arith.mulf %dot_general3A_8, %dot_general3A_8 : vector<2048x128xf32>
    %get3A_9 = arith.constant 0 : index
    %get3A_10 = arith.constant 0 : index
    %get3A_11 = vector.load %arg7[%get3A_9, %get3A_10] : memref<128x128xbf16, #tpu.memory_space<vmem>>, vector<128x128xbf16>
    %convert_element_type3A_12 = arith.truncf %mul3A : vector<2048x128xf32> to vector<2048x128xbf16>
    %dot_general3A_13 = arith.constant dense<0.000000e+00> : vector<2048x128xf32>
    %dot_general3A_14 = tpu.matmul %convert_element_type3A_12, %get3A_11, %dot_general3A_13 {dimension_numbers = #tpu.dot_dimension_numbers<[1], [0], [0], [1], [0, 0, 1, 1], [], []>, transpose_lhs_hint = false} : vector<2048x128xbf16>, vector<128x128xbf16>, vector<2048x128xf32> -> vector<2048x128xf32>
    %add3A_15 = arith.constant 9.99999974E-6 : f32
    %add3A_16 = vector.broadcast %add3A_15 : f32 to vector<2048x128xf32>
    %add3A_17 = arith.addf %dot_general3A_14, %add3A_16 : vector<2048x128xf32>
    %rsqrt3A = math.rsqrt %add3A_17 : vector<2048x128xf32>
    %mul3A_18 = arith.mulf %dot_general3A_8, %rsqrt3A : vector<2048x128xf32>
    %get3A_19 = arith.constant 0 : index
    %get3A_20 = arith.constant 0 : index
    %get3A_21 = vector.load %arg4[%get3A_19, %get3A_20] : memref<1x128xf32, #tpu.memory_space<vmem>>, vector<1x128xf32>
    %mul3A_22 = vector.broadcast %get3A_21 : vector<1x128xf32> to vector<2048x128xf32>
    %mul3A_23 = arith.mulf %mul3A_18, %mul3A_22 : vector<2048x128xf32>
    %get3A_24 = arith.constant 0 : index
    %get3A_25 = arith.constant 0 : index
    %get3A_26 = vector.load %arg5[%get3A_24, %get3A_25] : memref<1x128xf32, #tpu.memory_space<vmem>>, vector<1x128xf32>
    %add3A_27 = vector.broadcast %get3A_26 : vector<1x128xf32> to vector<2048x128xf32>
    %add3A_28 = arith.addf %mul3A_23, %add3A_27 : vector<2048x128xf32>
    %swap3A = arith.constant 0 : index
    %swap3A_29 = arith.constant 0 : index
    %swap3A_30 = vector.load %arg8[%swap3A, %swap3A_29] : memref<2048x128xf32, #tpu.memory_space<vmem>>, vector<2048x128xf32>
    tpu.vector_store %arg8[%swap3A, %swap3A_29], %add3A_28 {strides = array<i32>} : memref<2048x128xf32, #tpu.memory_space<vmem>>, vector<2048x128xf32>,
    return
  }
  func.func @transform_1(%arg0: i32) -> (i32, i32) {
    %c0_i32 = arith.constant 0 : i32
    %c0_i32_0 = arith.constant 0 : i32
    return %arg0, %c0_i32 : i32, i32
  }
  func.func @transform_2(%arg0: i32) -> (i32, i32) {
    %c0_i32 = arith.constant 0 : i32
    %c0_i32_0 = arith.constant 0 : i32
    %c0_i32_1 = arith.constant 0 : i32
    return %c0_i32, %c0_i32_0 : i32, i32
  }
  func.func @transform_3(%arg0: i32) -> (i32, i32) {
    %c0_i32 = arith.constant 0 : i32
    %c0_i32_0 = arith.constant 0 : i32
    %c0_i32_1 = arith.constant 0 : i32
    return %c0_i32, %c0_i32_0 : i32, i32
  }
  func.func @transform_4(%arg0: i32) -> (i32, i32) {
    %c0_i32 = arith.constant 0 : i32
    %c0_i32_0 = arith.constant 0 : i32
    %c0_i32_1 = arith.constant 0 : i32
    return %c0_i32, %c0_i32_0 : i32, i32
  }
  func.func @transform_5(%arg0: i32) -> (i32, i32) {
    %c0_i32 = arith.constant 0 : i32
    %c0_i32_0 = arith.constant 0 : i32
    %c0_i32_1 = arith.constant 0 : i32
    return %c0_i32, %c0_i32_0 : i32, i32
  }
  func.func @transform_6(%arg0: i32) -> (i32, i32) {
    %c0_i32 = arith.constant 0 : i32
    %c0_i32_0 = arith.constant 0 : i32
    %c0_i32_1 = arith.constant 0 : i32
    return %c0_i32, %c0_i32_0 : i32, i32
  }
  func.func @transform_7(%arg0: i32) -> (i32, i32) {
    %add3A = arith.constant 24 : i32
    %add3A_0 = arith.addi %arg0, %add3A : i32
    %c0_i32 = arith.constant 0 : i32
    %c0_i32_1 = arith.constant 0 : i32
    return %add3A_0, %c0_i32 : i32, i32
  }
}

</mosaic_0001>

<sc_bundles>
// kernel: kernel.10.cloned.1.call-start
scs
__scs_entry_jumppad:
0x0: {  	(pc) =	sbr.rel $0x88, $3  }
0x1: {  	(tag) =	ssettag $0x0;
	lr =	simm.s32 $0x1  }
0x2: {  	[smem:$0x3F9C] =	sst lr;
	_ =	strace $0xD0000000  }
0x3: {  	_ = 	snop  }
0x4: {  	_ = 	snop  }
0x5: {  	_ = 	snop  }
0x6: {  	_ = 	snop  }
0x7: {  	_ = 	snop  }
__scs_overlays_trampoline_lowered:
0x8: {  	[smem:$0x3FAB] =	sst s0  }
0x9: {  	[smem:$0x3FAC] =	sst s1  }
0xa: {  	[smem:$0x3FAD] =	sst s2  }
0xb: {  	[smem:$0x3FAE] =	sst s3  }
0xc: {  	[smem:$0x3FAF] =	sst s4  }
0xd: {  	[smem:$0x3FB0] =	sst s5  }
0xe: {  	[smem:$0x3FB1] =	sst s6  }
0xf: {  	[smem:$0x3FB2] =	sst s7  }
0x10: {  	[smem:$0x3FB3] =	sst s8  }
0x11: {  	[smem:$0x3FB4] =	sst s9;
	s0 =	simm.s32 @!p0 $0x0  }
0x12: {  	s1 =	sld [smem:$0x3F9A];
	s0 =	simm.s32 @p0 $0x1  }
0x13: {  	[smem:$0x3FB5] =	sst s0;
	s0 =	simm.s32 @!p1 $0x0  }
0x14: {  	s2 =	sld [smem:$0x3F99];
	s0 =	simm.s32 @p1 $0x1  }
0x15: {  	[smem:$0x3FB6] =	sst s0;
	s0 =	simm.s32 @!p2 $0x0  }
0x16: {  	s3 =	sld [smem:$0x3FDB];
	s0 =	simm.s32 @p2 $0x1  }
0x17: {  	s4 =	simm.s32 $0x1BF5;
	[smem:$0x3FB8] =	sst s0  }
0x18: {  	s0 =	sld [smem:$0x3F9B];
	_ =	swait.ge [sflag:s4], $0x0  }
0x19: {  	s7 =	sld [smem:$0x3F9C]  }
0x1a: {  	s8 =	sadd.s32 $0xFFFFE003, lr  }
0x1b: {  	s9 =	sadd.s32 $0xFFFFFEF7, lr;
	s5 =	simm.s32 $0xFFFFFFFF;
	p2 =	slt.u32 s8, $0xFFFFF086  }
0x1c: {  	p1 =	slt.u32 s9, $0xF7A;
	s5 =	simm.s32 @!p2 $0x0  }
0x1d: {  	s5 =	simm.s32 @p1 $0x1;
	p0 =	seq.s32 s7, s2  }
0x1e: {  	s7 =	smul.u32 @!p0 $0xF7A, s2;
	p2 =	seq.s32 @!p0 s5, $0x0  }
0x1f: {  	s9 =	smul.u32 $0xF7A, s1;
	s8 =	simm.s32 @!p0 $0x1BF5;
	p2 =	por !p2, p0  }
0x20: {  	[sflag:s8] =	ssyncset.s32 @!p0 $0xFFFFF086;
	s6 =	sadd.s32 @!p0 s3, s7;
	s7 =	simm.s32 @!p0 $0x108  }
0x21: {  	s3 =	sadd.s32 s3, s9;
	s6 =	sadd.s32 @!p0 $0x88, s6;
	s7 =	simm.s32 @p2 $0x1082  }
0x22: {  	[simem:s7], [sflag:s8] =	dma.local @!p0 [hbm:s6], $0xF7A  }
0x23: {  	s9 =	sor.u32 $0xD0000000, s2;
	s6 =	simm.s32 $0x108;
	_ =	swait.ge @!p0 [sflag:s8], $0x0  }
0x24: {  	s3 =	sadd.s32 $0x88, s3;
	s6 =	simm.s32 @!p1 $0x1082;
	[sflag:s4] =	ssyncset.s32 $0xFFFFF086  }
0x25: {  	[simem:s6], [sflag:s4] =	dma.local [hbm:s3], $0xF7A  }
0x26: {  	[smem:$0x3F9C] =	sst s1;
	(tag) =	ssettag s2;
	_ =	strace s9  }
0x27: {  	s1 =	sld [smem:$0x3FAC]  }
0x28: {  	s2 =	sld [smem:$0x3FAD]  }
0x29: {  	s4 =	sld [smem:$0x3FAF]  }
0x2a: {  	p0 =	seq.s32 s5, $0x0;
	s5 =	sld [smem:$0x3FB0]  }
0x2b: {  	s6 =	sld [smem:$0x3FB1]  }
0x2c: {  	s7 =	sld [smem:$0x3FB2]  }
0x2d: {  	s3 =	simm.s32 $0x108;
	s8 =	sld [smem:$0x3FB3]  }
0x2e: {  	s3 =	simm.s32 @!p0 $0x1082;
	s9 =	sld [smem:$0x3FB4]  }
0x2f: {  	lr =	sadd.s32 s0, s3;
	s0 =	sld [smem:$0x3FAB]  }
0x30: {  	s3 =	sld [smem:$0x3FAE]  }
0x31: {  	[smem:$0x3FB7] =	sst s10  }
0x32: {  	s10 =	sld [smem:$0x3FB5];
	_ =	sdelay $0x3  }
0x33: {  	p0 =	seq.s32 s10, $0x1;
	s10 =	sld [smem:$0x3FB7];
	_ =	sdelay $0x3  }
0x34: {  	[smem:$0x3FB7] =	sst s10  }
0x35: {  	s10 =	sld [smem:$0x3FB6];
	_ =	sdelay $0x3  }
0x36: {  	p1 =	seq.s32 s10, $0x1;
	s10 =	sld [smem:$0x3FB7];
	_ =	sdelay $0x3  }
0x37: {  	[smem:$0x3FB7] =	sst s10  }
0x38: {  	s10 =	sld [smem:$0x3FB8]  }
0x39: {  	_ = 	snop;
	(pc) =	sbr.ind lr, $3  }
0x3a: {  	_ = 	snop  }
0x3b: {  	_ = 	snop  }
0x3c: {  	p2 =	seq.s32 s10, $0x1;
	s10 =	sld [smem:$0x3FB7]  }
0x3d: {  	_ =	shalt  }
0x3e: {  	_ =	shalt  }
0x3f: {  	_ =	shalt  }
0x40: {  	_ =	shalt  }
0x41: {  	_ =	shalt  }
0x42: {  	_ =	shalt  }
0x43: {  	_ =	shalt  }
0x44: {  	_ =	shalt  }
0x45: {  	_ =	shalt  }
0x46: {  	_ =	shalt  }
0x47: {  	_ =	shalt  }
0x48: {  	_ =	shalt  }
0x49: {  	_ =	shalt  }
0x4a: {  	_ =	shalt  }
0x4b: {  	_ =	shalt  }
0x4c: {  	_ =	shalt  }
0x4d: {  	_ =	shalt  }
0x4e: {  	_ =	shalt  }
0x4f: {  	_ =	shalt  }
0x50: {  	_ =	shalt  }
0x51: {  	_ =	shalt  }
0x52: {  	_ =	shalt  }
0x53: {  	_ =	shalt  }
0x54: {  	_ =	shalt  }
0x55: {  	_ =	shalt  }
0x56: {  	_ =	shalt  }
0x57: {  	_ =	shalt  }
0x58: {  	_ =	shalt  }
0x59: {  	_ =	shalt  }
0x5a: {  	_ =	shalt  }
0x5b: {  	_ =	shalt  }
0x5c: {  	_ =	shalt  }
0x5d: {  	_ =	shalt  }
0x5e: {  	_ =	shalt  }
0x5f: {  	_ =	shalt  }
0x60: {  	_ =	shalt  }
0x61: {  	_ =	shalt  }
0x62: {  	_ =	shalt  }
0x63: {  	_ =	shalt  }
0x64: {  	_ =	shalt  }
0x65: {  	_ =	shalt  }
0x66: {  	_ =	shalt  }
0x67: {  	_ =	shalt  }
0x68: {  	_ =	shalt  }
0x69: {  	_ =	shalt  }
0x6a: {  	_ =	shalt  }
0x6b: {  	_ =	shalt  }
0x6c: {  	_ =	shalt  }
0x6d: {  	_ =	shalt  }
0x6e: {  	_ =	shalt  }
0x6f: {  	_ =	shalt  }
0x70: {  	_ =	shalt  }
0x71: {  	_ =	shalt  }
0x72: {  	_ =	shalt  }
0x73: {  	_ =	shalt  }
0x74: {  	_ =	shalt  }
0x75: {  	_ =	shalt  }
0x76: {  	_ =	shalt  }
0x77: {  	_ =	shalt  }
0x78: {  	_ =	shalt  }
0x79: {  	_ =	shalt  }
0x7a: {  	_ =	shalt  }
0x7b: {  	_ =	shalt  }
0x7c: {  	_ =	shalt  }
0x7d: {  	_ =	shalt  }
0x7e: {  	_ =	shalt  }
0x7f: {  	_ =	shalt  }
0x80: {  	_ =	shalt  }
0x81: {  	_ =	shalt  }
0x82: {  	_ =	shalt  }
0x83: {  	_ =	shalt  }
0x84: {  	_ =	shalt  }
0x85: {  	_ =	shalt  }
0x86: {  	_ =	shalt  }
0x87: {  	_ =	shalt  }
.Lfunc_end0:
.L_simem_size_0:
called_computation_lowered:
.L_overlay_start_0:
0x88: {  	s2 =	sld [smem:$0x3FD9]  }
0x89: {  	s3 =	sld [smem:$0x3FFE];
	_ =	sdelay $0x1  }
0x8a: {  	s1 =	srdreg.scid  }
0x8b: {  	s0 =	sand.u32 $0x1, s1  }
0x8c: {  	s17 =	sshll.u32 s0, $0xA;
	s2 =	sadd.s32 s3, s2  }
0x8d: {  	s2 =	sadd.s32 s2, s17  }
0x8e: {  	[smem:$0x3FC3] =	sst s2  }
0x8f: {  	_ = 	snop  }
0x90: {  	s2 =	sld [smem:$0x3FC8]  }
0x91: {  	s18 =	sld [smem:$0x3FD0];
	(tm) =	ssettm $0x1  }
0x92: {  	s4 =	sld [smem:$0x3FFB];
	_ =	sdelay $0x3  }
0x93: {  	_ =	strace s4  }
0x94: {  	s4 =	sld [smem:$0x3FFC];
	_ =	sdelay $0x3  }
0x95: {  	_ =	strace s4  }
0x96: {  	s4 =	sld [smem:$0x3FFD];
	_ =	sdelay $0x3  }
0x97: {  	_ =	strace s4  }
0x98: {  	_ =	strace $0x8FFFFFFF  }
0x99: {  	s19 =	sld [smem:$0x3FDB];
	_ =	sdelay $0x1  }
0x9a: {  	s5 =	simm.s32 $_scs_section_size  }
0x9b: {  	s6 =	simm.s32 $_size__tile_overlayer_lowered;
	s7 =	simm.s32 $_tile_overlayer_lowered  }
0x9c: {  	s22 =	simm.s32 $0x1BFF;
	s21 =	sshll.u32 s7, $0x1;
	s4 =	sadd.s32 s5, s19  }
0x9d: {  	s8 =	simm.s32 $0x0;
	s20 =	sshll.u32 s6, $0x1;
	s6 =	sadd.s32 s21, s4  }
0x9e: {  	[timem:s8], [sflag:s22] =	dma.local [hbm:s6], s20  }
0x9f: {  	_ =	swait.ge [sflag:s22], s20  }
0xa0: {  	s5 =	ssub.s32 $0x0, s20;
	[sflag:s22] =	ssyncset.done $0x0  }
0xa1: {  	[sflag:s22] =	ssyncadd.s32 s5;
	_ =	sdelay $0x1  }
0xa2: {  	s23 =	simm.s32 $0x1B8B  }
0xa3: {  	_ =	swait.ge [sflag:s23], $0x1  }
0xa4: {  	[sflag:s23] =	ssyncset.done $0x0  }
0xa5: {  	s25 =	simm.s32 $0x1B8E;
	s24 =	sld [smem:$0x3FFE];
	[sflag:s23] =	ssyncadd.s32 $0xFFFFFFFF  }
0xa6: {  	s26 =	simm.s32 $execute0_lowered;
	[smem:$0x3FD2] =	sst s25  }
0xa7: {  	s6 =	sshll.u32 s26, $0x1;
	_ =	strace $0x80000046;
	[dreg:$0x1] =	wrdreg $0xFFFFFFFF  }
0xa8: {  	s28 =	simm.s32 $_size_execute0_lowered;
	s4 =	sadd.s32 s4, s6;
	[dreg:$0x0] =	wrdreg $0x0  }
0xa9: {  	s6 =	sshll.u32 s28, $0x1;
	[dreg:$0x2] =	wrdreg s4  }
0xaa: {  	[dreg:$0x3] =	wrdreg s6  }
0xab: {  	[dreg:$0x4] =	wrdreg $0xC0  }
0xac: {  	_ =	task [dreg:s8], $0x5FFFF  }
0xad: {  	[dreg:$0x1] =	wrdreg $0xFFFFFFFF  }
0xae: {  	[dreg:$0x0] =	wrdreg $0x60  }
0xaf: {  	[dreg:$0x2] =	wrdreg s2  }
0xb0: {  	[dreg:$0x3] =	wrdreg s24  }
0xb1: {  	[dreg:$0x4] =	wrdreg s18  }
0xb2: {  	[dreg:$0x5] =	wrdreg $0x9  }
0xb3: {  	_ =	task.clear_ibuf [dreg:s8], $0x6FFFF;
	_ =	strace $0x90000046  }
0xb4: {  	s29 =	simm.s32 $0x9;
	_ =	strace $0x80000048  }
0xb5: {  	_ =	swait.ge [sflag:s29], $0x1  }
0xb6: {  	[sflag:s29] =	ssyncadd.s32 $0xFFFFFFFF  }
0xb7: {  	_ =	strace $0x90000048  }
0xb8: {  	_ =	sfence  }
0xb9: {  	s30 =	sld [smem:$0x0];
	_ =	sdelay $0x2  }
0xba: {  	s31 =	sshll.u32 s1, $0xD;
	s1 =	sshrl.u32 s1, $0x2  }
0xbb: {  	s3 =	sand.u32 $0x4000, s31;
	s1 =	sadd.s32 s1, s30  }
0xbc: {  	s0 =	sor.u32 s3, s0;
	s1 =	sshll.u32 s1, $0x11  }
0xbd: {  	s0 =	sor.u32 s1, s0  }
0xbe: {  	s0 =	sadd.s32 $0x8F2B, s0  }
0xbf: {  	[sflag:s0] =	ssyncadd.remote.s32 $0x1  }
0xc0: {  	_ =	sfence.sel $0xFFFF  }
0xc1: {  	[dreg:$0x0] =	wrdreg $0xFFFFFFFF;
	(pc) =	sbr.abs _section_cstart, $3  }
0xc2: {  	[dreg:$0x1] =	wrdreg $0xFFFFFFFF  }
0xc3: {  	_ =	task.clear_ibuf [dreg:s8], $0x2FFFF;
	_ =	strace $0x9FFFFFFF  }
0xc4: {  	(tm) =	ssettm $0x7FFFFFFF  }
0xc5: {  	_ =	shalt  }
tec
execute0_lowered:
.L_overlay_start_1:
0x0: {  	(tag) =	ssettag $0x1  }
0x1: {  	s1 =	rddreg [dreg:$0x0]  }
0x2: {  	s4 =	rddreg [dreg:$0x1];
	s0 =	srdreg.scid  }
0x3: {  	s14 =	rddreg [dreg:$0x2];
	s23 =	sand.u32 $0x1, s0  }
0x4: {  	s2 =	stileid.u32;
	s3 =	simm.s32 $0x0;
	s5 =	sshll.u32 s23, $0x6  }
0x5: {  	s0 =	rddreg [dreg:$0x3];
	s31 =	sshll.u32 s2, $0x7;
	s4 =	sadd.s32 s5, s4  }
0x6: {  	[smem:$0x7FF] =	sst s3;
	s4 =	sadd.s32 s31, s4  }
0x7: {  	_ =	strace $0x80000047;
	s5 =	simm.s32 $0x9;
	s4 =	sadd.s32 $0x1E00, s4  }
0x8: {  	[tilespmem:s3], [sflag:$0x9] =	stream.linear.gather [hbm4b:s4+s3], $0x200, $0x38;
	[tilespmem:$0x10200] =	vst v63  }
0x9: {  	_ =	swait.ge [sflag:s5], $0x200  }
0xa: {  	[sflag:s5] =	ssyncset.done $0x0  }
0xb: {  	s6 =	simm.s32 $0x80;
	s7 =	simm.s32 $0x200;
	[sflag:s5] =	ssyncadd.s32 $0xFFFFFE00  }
0xc: {  	[tilespmem:s7], [sflag:$0x1] =	stream.indirect.gather [hbm4b:s1+s6], $0x80, s3, s6, $0xb8;
	[tilespmem:$0x10200] =	vst v63  }
0xd: {  	s8 =	simm.s32 $0x4200  }
0xe: {  	[tilespmem:s8], [sflag:$0x2] =	stream.indirect.gather [hbm4b:s1+s6], $0x80, s6, s6, $0xb8;
	[tilespmem:$0x10200] =	vst v63  }
0xf: {  	s9 =	simm.s32 $0x100;
	s10 =	simm.s32 $0x8200  }
0x10: {  	[tilespmem:s10], [sflag:$0x3] =	stream.indirect.gather [hbm4b:s1+s6], $0x80, s9, s6, $0xb8;
	[tilespmem:$0x10200] =	vst v63  }
0x11: {  	s11 =	simm.s32 $0x180;
	s12 =	simm.s32 $0xC200;
	s13 =	simm.s32 $0x1  }
0x12: {  	[tilespmem:s12], [sflag:$0x4] =	stream.indirect.gather [hbm4b:s1+s6], $0x80, s11, s6, $0xb8;
	[tilespmem:$0x10200] =	vst v63  }
0x13: {  	s15 =	sshll.u32 s2, $0xE;
	s16 =	sshll.u32 s23, $0xD;
	_ =	swait.ge [sflag:s13], $0x4000  }
0x14: {  	s15 =	sor.u32 s16, s15;
	[sflag:s13] =	ssyncset.done $0x0  }
0x15: {  	s14 =	sadd.s32 s14, s15;
	s15 =	simm.s32 $0x2;
	[sflag:s13] =	ssyncadd.s32 $0xFFFFC000  }
0x16: {  	[hbm4b:s14+s3] =	stream.linear.scatter [tilespmem:s7], [sflag:$0x5], $0x4000, $0x38;
	[tilespmem:$0x10200] =	vst v63  }
0x17: {  	_ =	swait.ge [sflag:s15], $0x4000  }
0x18: {  	[sflag:s15] =	ssyncset.done $0x0  }
0x19: {  	s17 =	simm.s32 $0x3;
	s16 =	sadd.s32 $0x800, s14;
	[sflag:s15] =	ssyncadd.s32 $0xFFFFC000  }
0x1a: {  	[hbm4b:s16+s3] =	stream.linear.scatter [tilespmem:s8], [sflag:$0x6], $0x4000, $0x38;
	[tilespmem:$0x10200] =	vst v63  }
0x1b: {  	_ =	swait.ge [sflag:s17], $0x4000  }
0x1c: {  	[sflag:s17] =	ssyncset.done $0x0  }
0x1d: {  	s19 =	simm.s32 $0x4;
	s18 =	sadd.s32 $0x1000, s14;
	[sflag:s17] =	ssyncadd.s32 $0xFFFFC000  }
0x1e: {  	[hbm4b:s18+s3] =	stream.linear.scatter [tilespmem:s10], [sflag:$0x7], $0x4000, $0x38;
	[tilespmem:$0x10200] =	vst v63  }
0x1f: {  	_ =	swait.ge [sflag:s19], $0x4000  }
0x20: {  	[sflag:s19] =	ssyncset.done $0x0  }
0x21: {  	s21 =	simm.s32 $0x5;
	s20 =	sadd.s32 $0x1800, s14;
	[sflag:s19] =	ssyncadd.s32 $0xFFFFC000  }
0x22: {  	[hbm4b:s20+s3] =	stream.linear.scatter [tilespmem:s12], [sflag:$0x8], $0x4000, $0x38;
	[tilespmem:$0x10200] =	vst v63  }
0x23: {  	_ =	swait.ge [sflag:s21], $0x4000  }
0x24: {  	s24 =	ssub.s32 $0x2, s23;
	[sflag:s21] =	ssyncset.done $0x0  }
0x25: {  	s22 =	simm.s32 $0x6;
	s25 =	sshrl.u32 s24, $0x1;
	[sflag:s21] =	ssyncadd.s32 $0xFFFFC000  }
0x26: {  	s24 =	ssub.s32 s24, s25;
	_ =	swait.ge [sflag:s22], $0x4000  }
0x27: {  	s25 =	smax.u32 s24, $0x1;
	[sflag:s22] =	ssyncset.done $0x0  }
0x28: {  	s23 =	simm.s32 $0x7;
	p0 =	sne.s32 s25, $0x1;
	[sflag:s22] =	ssyncadd.s32 $0xFFFFC000  }
.Ltmp0:
0x29: {  	_ =	swait.ge [sflag:s23], $0x4000;
	(pc) =	sbr.rel @!p0 .LBB2_2-.Ltmp0, $4  }
0x2a: {  	[sflag:s23] =	ssyncset.done $0x0  }
0x2b: {  	s24 =	simm.s32 $0x8;
	[sflag:s23] =	ssyncadd.s32 $0xFFFFC000  }
0x2c: {  	_ =	swait.ge [sflag:s24], $0x4000  }
0x2d: {  	s25 =	sadd.s32 $0xFFFFFFFF, s25;
	[sflag:s24] =	ssyncset.done $0x0  }
.LBB2_1:
0x2e: {  	p0 =	sne.s32 s25, $0x1;
	s25 =	sadd.s32 $0xFFFFFFFF, s25;
	[sflag:s24] =	ssyncadd.s32 $0xFFFFC000  }
0x2f: {  	[tilespmem:s3], [sflag:$0x9] =	stream.linear.gather [hbm4b:s4+s3], $0x200, $0x38;
	[tilespmem:$0x10200] =	vst v63  }
0x30: {  	_ =	swait.ge [sflag:s5], $0x200  }
0x31: {  	[sflag:s5] =	ssyncset.done $0x0  }
0x32: {  	[sflag:s5] =	ssyncadd.s32 $0xFFFFFE00  }
0x33: {  	[tilespmem:s7], [sflag:$0x1] =	stream.indirect.gather [hbm4b:s1+s6], $0x80, s3, s6, $0xb8;
	[tilespmem:$0x10200] =	vst v63  }
0x34: {  	_ = 	snop  }
0x35: {  	[tilespmem:s8], [sflag:$0x2] =	stream.indirect.gather [hbm4b:s1+s6], $0x80, s6, s6, $0xb8;
	[tilespmem:$0x10200] =	vst v63  }
0x36: {  	_ = 	snop  }
0x37: {  	[tilespmem:s10], [sflag:$0x3] =	stream.indirect.gather [hbm4b:s1+s6], $0x80, s9, s6, $0xb8;
	[tilespmem:$0x10200] =	vst v63  }
0x38: {  	_ = 	snop  }
0x39: {  	[tilespmem:s12], [sflag:$0x4] =	stream.indirect.gather [hbm4b:s1+s6], $0x80, s11, s6, $0xb8;
	[tilespmem:$0x10200] =	vst v63  }
0x3a: {  	_ =	swait.ge [sflag:s13], $0x4000  }
0x3b: {  	[sflag:s13] =	ssyncset.done $0x0  }
0x3c: {  	[sflag:s13] =	ssyncadd.s32 $0xFFFFC000  }
0x3d: {  	[hbm4b:s14+s3] =	stream.linear.scatter [tilespmem:s7], [sflag:$0x5], $0x4000, $0x38;
	[tilespmem:$0x10200] =	vst v63  }
0x3e: {  	_ =	swait.ge [sflag:s15], $0x4000  }
0x3f: {  	[sflag:s15] =	ssyncset.done $0x0  }
0x40: {  	[sflag:s15] =	ssyncadd.s32 $0xFFFFC000  }
0x41: {  	[hbm4b:s16+s3] =	stream.linear.scatter [tilespmem:s8], [sflag:$0x6], $0x4000, $0x38;
	[tilespmem:$0x10200] =	vst v63  }
0x42: {  	_ =	swait.ge [sflag:s17], $0x4000  }
0x43: {  	[sflag:s17] =	ssyncset.done $0x0  }
0x44: {  	[sflag:s17] =	ssyncadd.s32 $0xFFFFC000  }
0x45: {  	[hbm4b:s18+s3] =	stream.linear.scatter [tilespmem:s10], [sflag:$0x7], $0x4000, $0x38;
	[tilespmem:$0x10200] =	vst v63  }
0x46: {  	_ =	swait.ge [sflag:s19], $0x4000  }
0x47: {  	[sflag:s19] =	ssyncset.done $0x0  }
0x48: {  	[sflag:s19] =	ssyncadd.s32 $0xFFFFC000  }
0x49: {  	[hbm4b:s20+s3] =	stream.linear.scatter [tilespmem:s12], [sflag:$0x8], $0x4000, $0x38;
	[tilespmem:$0x10200] =	vst v63  }
0x4a: {  	_ =	swait.ge [sflag:s21], $0x4000  }
0x4b: {  	[sflag:s21] =	ssyncset.done $0x0  }
0x4c: {  	[sflag:s21] =	ssyncadd.s32 $0xFFFFC000  }
0x4d: {  	_ =	swait.ge [sflag:s22], $0x4000  }
0x4e: {  	[sflag:s22] =	ssyncset.done $0x0  }
0x4f: {  	[sflag:s22] =	ssyncadd.s32 $0xFFFFC000  }
.Ltmp1:
0x50: {  	_ =	swait.ge [sflag:s23], $0x4000;
	(pc) =	sbr.rel @p0 .LBB2_1-.Ltmp1, $4  }
0x51: {  	[sflag:s23] =	ssyncset.done $0x0  }
0x52: {  	[sflag:s23] =	ssyncadd.s32 $0xFFFFC000  }
0x53: {  	_ =	swait.ge [sflag:s24], $0x4000  }
0x54: {  	[sflag:s24] =	ssyncset.done $0x0  }
.LBB2_2:
0x55: {  	[sflag:s24] =	ssyncadd.s32 $0xFFFFC000  }
0x56: {  	_ =	sfence.sel $0x180000  }
0x57: {  	[bflag:$0x0] =	sbarrier.arrive $0xFFFF  }
0x58: {  	p0 =	sne.s32 s2, $0x0;
	_ =	strace $0x90000047  }
0x59: {  	s0 =	sadd.s32 @!p0 $0x100000, s0;
	[bflag:$0x2] =	sbarrier.arrive $0xFFFF  }
0x5a: {  	[sflag:s0] =	ssyncadd.tile.s32 @!p0 $0x1;
	_ =	shalt  }
.Lfunc_end2:
_tile_overlayer_lowered:
.L_overlay_start_2:
0x5b: {  	(tag) =	ssettag $0x2  }
0x5c: {  	s0 =	rddreg [dreg:$0x0];
	s2 =	stileid.u32  }
0x5d: {  	s1 =	rddreg [dreg:$0x1];
	p0 =	sne.s32 s2, $0x0  }
0x5e: {  	s3 =	rddreg [dreg:$0x2];
	[bflag:$0x3] =	sbarrier.arrive $0xFFFF;
	s2 =	simm.s32 @!p0 $0x1C09  }
0x5f: {  	[timem:s3], [sflag:s2] =	dma.local @!p0 [hbm:s0], s1  }
0x60: {  	s0 =	simm.s32 @!p0 $0x9  }
0x61: {  	_ =	swait.ge @!p0 [sflag:s0], s1  }
0x62: {  	s1 =	ssub.s32 @!p0 $0x0, s1;
	[sflag:s0] =	ssyncset.done @!p0 $0x0  }
0x63: {  	[sflag:s0] =	ssyncadd.s32 @!p0 s1  }
0x64: {  	[bflag:$0x3] =	sbarrier.arrive $0xFFFF  }
0x65: {  	_ =	shalt  }

// kernel: kernel.13.cloned.1.call-start
scs
__scs_entry_jumppad:
0x0: {  	(pc) =	sbr.rel $0x88, $3  }
0x1: {  	(tag) =	ssettag $0x0;
	lr =	simm.s32 $0x1  }
0x2: {  	[smem:$0x3F9C] =	sst lr;
	_ =	strace $0xD0000000  }
0x3: {  	_ = 	snop  }
0x4: {  	_ = 	snop  }
0x5: {  	_ = 	snop  }
0x6: {  	_ = 	snop  }
0x7: {  	_ = 	snop  }
__scs_overlays_trampoline_lowered:
0x8: {  	[smem:$0x3FAB] =	sst s0  }
0x9: {  	[smem:$0x3FAC] =	sst s1  }
0xa: {  	[smem:$0x3FAD] =	sst s2  }
0xb: {  	[smem:$0x3FAE] =	sst s3  }
0xc: {  	[smem:$0x3FAF] =	sst s4  }
0xd: {  	[smem:$0x3FB0] =	sst s5  }
0xe: {  	[smem:$0x3FB1] =	sst s6  }
0xf: {  	[smem:$0x3FB2] =	sst s7  }
0x10: {  	[smem:$0x3FB3] =	sst s8  }
0x11: {  	[smem:$0x3FB4] =	sst s9;
	s0 =	simm.s32 @!p0 $0x0  }
0x12: {  	s1 =	sld [smem:$0x3F9A];
	s0 =	simm.s32 @p0 $0x1  }
0x13: {  	[smem:$0x3FB5] =	sst s0;
	s0 =	simm.s32 @!p1 $0x0  }
0x14: {  	s2 =	sld [smem:$0x3F99];
	s0 =	simm.s32 @p1 $0x1  }
0x15: {  	[smem:$0x3FB6] =	sst s0;
	s0 =	simm.s32 @!p2 $0x0  }
0x16: {  	s3 =	sld [smem:$0x3FDB];
	s0 =	simm.s32 @p2 $0x1  }
0x17: {  	s4 =	simm.s32 $0x1BF5;
	[smem:$0x3FB8] =	sst s0  }
0x18: {  	s0 =	sld [smem:$0x3F9B];
	_ =	swait.ge [sflag:s4], $0x0  }
0x19: {  	s7 =	sld [smem:$0x3F9C]  }
0x1a: {  	s8 =	sadd.s32 $0xFFFFE003, lr  }
0x1b: {  	s9 =	sadd.s32 $0xFFFFFEF7, lr;
	s5 =	simm.s32 $0xFFFFFFFF;
	p2 =	slt.u32 s8, $0xFFFFF086  }
0x1c: {  	p1 =	slt.u32 s9, $0xF7A;
	s5 =	simm.s32 @!p2 $0x0  }
0x1d: {  	s5 =	simm.s32 @p1 $0x1;
	p0 =	seq.s32 s7, s2  }
0x1e: {  	s7 =	smul.u32 @!p0 $0xF7A, s2;
	p2 =	seq.s32 @!p0 s5, $0x0  }
0x1f: {  	s9 =	smul.u32 $0xF7A, s1;
	s8 =	simm.s32 @!p0 $0x1BF5;
	p2 =	por !p2, p0  }
0x20: {  	[sflag:s8] =	ssyncset.s32 @!p0 $0xFFFFF086;
	s6 =	sadd.s32 @!p0 s3, s7;
	s7 =	simm.s32 @!p0 $0x108  }
0x21: {  	s3 =	sadd.s32 s3, s9;
	s6 =	sadd.s32 @!p0 $0x88, s6;
	s7 =	simm.s32 @p2 $0x1082  }
0x22: {  	[simem:s7], [sflag:s8] =	dma.local @!p0 [hbm:s6], $0xF7A  }
0x23: {  	s9 =	sor.u32 $0xD0000000, s2;
	s6 =	simm.s32 $0x108;
	_ =	swait.ge @!p0 [sflag:s8], $0x0  }
0x24: {  	s3 =	sadd.s32 $0x88, s3;
	s6 =	simm.s32 @!p1 $0x1082;
	[sflag:s4] =	ssyncset.s32 $0xFFFFF086  }
0x25: {  	[simem:s6], [sflag:s4] =	dma.local [hbm:s3], $0xF7A  }
0x26: {  	[smem:$0x3F9C] =	sst s1;
	(tag) =	ssettag s2;
	_ =	strace s9  }
0x27: {  	s1 =	sld [smem:$0x3FAC]  }
0x28: {  	s2 =	sld [smem:$0x3FAD]  }
0x29: {  	s4 =	sld [smem:$0x3FAF]  }
0x2a: {  	p0 =	seq.s32 s5, $0x0;
	s5 =	sld [smem:$0x3FB0]  }
0x2b: {  	s6 =	sld [smem:$0x3FB1]  }
0x2c: {  	s7 =	sld [smem:$0x3FB2]  }
0x2d: {  	s3 =	simm.s32 $0x108;
	s8 =	sld [smem:$0x3FB3]  }
0x2e: {  	s3 =	simm.s32 @!p0 $0x1082;
	s9 =	sld [smem:$0x3FB4]  }
0x2f: {  	lr =	sadd.s32 s0, s3;
	s0 =	sld [smem:$0x3FAB]  }
0x30: {  	s3 =	sld [smem:$0x3FAE]  }
0x31: {  	[smem:$0x3FB7] =	sst s10  }
0x32: {  	s10 =	sld [smem:$0x3FB5];
	_ =	sdelay $0x3  }
0x33: {  	p0 =	seq.s32 s10, $0x1;
	s10 =	sld [smem:$0x3FB7];
	_ =	sdelay $0x3  }
0x34: {  	[smem:$0x3FB7] =	sst s10  }
0x35: {  	s10 =	sld [smem:$0x3FB6];
	_ =	sdelay $0x3  }
0x36: {  	p1 =	seq.s32 s10, $0x1;
	s10 =	sld [smem:$0x3FB7];
	_ =	sdelay $0x3  }
0x37: {  	[smem:$0x3FB7] =	sst s10  }
0x38: {  	s10 =	sld [smem:$0x3FB8]  }
0x39: {  	_ = 	snop;
	(pc) =	sbr.ind lr, $3  }
0x3a: {  	_ = 	snop  }
0x3b: {  	_ = 	snop  }
0x3c: {  	p2 =	seq.s32 s10, $0x1;
	s10 =	sld [smem:$0x3FB7]  }
0x3d: {  	_ =	shalt  }
0x3e: {  	_ =	shalt  }
0x3f: {  	_ =	shalt  }
0x40: {  	_ =	shalt  }
0x41: {  	_ =	shalt  }
0x42: {  	_ =	shalt  }
0x43: {  	_ =	shalt  }
0x44: {  	_ =	shalt  }
0x45: {  	_ =	shalt  }
0x46: {  	_ =	shalt  }
0x47: {  	_ =	shalt  }
0x48: {  	_ =	shalt  }
0x49: {  	_ =	shalt  }
0x4a: {  	_ =	shalt  }
0x4b: {  	_ =	shalt  }
0x4c: {  	_ =	shalt  }
0x4d: {  	_ =	shalt  }
0x4e: {  	_ =	shalt  }
0x4f: {  	_ =	shalt  }
0x50: {  	_ =	shalt  }
0x51: {  	_ =	shalt  }
0x52: {  	_ =	shalt  }
0x53: {  	_ =	shalt  }
0x54: {  	_ =	shalt  }
0x55: {  	_ =	shalt  }
0x56: {  	_ =	shalt  }
0x57: {  	_ =	shalt  }
0x58: {  	_ =	shalt  }
0x59: {  	_ =	shalt  }
0x5a: {  	_ =	shalt  }
0x5b: {  	_ =	shalt  }
0x5c: {  	_ =	shalt  }
0x5d: {  	_ =	shalt  }
0x5e: {  	_ =	shalt  }
0x5f: {  	_ =	shalt  }
0x60: {  	_ =	shalt  }
0x61: {  	_ =	shalt  }
0x62: {  	_ =	shalt  }
0x63: {  	_ =	shalt  }
0x64: {  	_ =	shalt  }
0x65: {  	_ =	shalt  }
0x66: {  	_ =	shalt  }
0x67: {  	_ =	shalt  }
0x68: {  	_ =	shalt  }
0x69: {  	_ =	shalt  }
0x6a: {  	_ =	shalt  }
0x6b: {  	_ =	shalt  }
0x6c: {  	_ =	shalt  }
0x6d: {  	_ =	shalt  }
0x6e: {  	_ =	shalt  }
0x6f: {  	_ =	shalt  }
0x70: {  	_ =	shalt  }
0x71: {  	_ =	shalt  }
0x72: {  	_ =	shalt  }
0x73: {  	_ =	shalt  }
0x74: {  	_ =	shalt  }
0x75: {  	_ =	shalt  }
0x76: {  	_ =	shalt  }
0x77: {  	_ =	shalt  }
0x78: {  	_ =	shalt  }
0x79: {  	_ =	shalt  }
0x7a: {  	_ =	shalt  }
0x7b: {  	_ =	shalt  }
0x7c: {  	_ =	shalt  }
0x7d: {  	_ =	shalt  }
0x7e: {  	_ =	shalt  }
0x7f: {  	_ =	shalt  }
0x80: {  	_ =	shalt  }
0x81: {  	_ =	shalt  }
0x82: {  	_ =	shalt  }
0x83: {  	_ =	shalt  }
0x84: {  	_ =	shalt  }
0x85: {  	_ =	shalt  }
0x86: {  	_ =	shalt  }
0x87: {  	_ =	shalt  }
.Lfunc_end0:
.L_simem_size_0:
called_computation.1_lowered:
.L_overlay_start_0:
0x88: {  	s2 =	sld [smem:$0x3FD9]  }
0x89: {  	s3 =	sld [smem:$0x3FFE];
	_ =	sdelay $0x1  }
0x8a: {  	s1 =	srdreg.scid  }
0x8b: {  	s0 =	sand.u32 $0x1, s1  }
0x8c: {  	s17 =	sshll.u32 s0, $0xA;
	s2 =	sadd.s32 s3, s2  }
0x8d: {  	s2 =	sadd.s32 s2, s17  }
0x8e: {  	[smem:$0x3FC3] =	sst s2  }
0x8f: {  	_ = 	snop  }
0x90: {  	s18 =	sld [smem:$0x3FC8];
	(tm) =	ssettm $0x1  }
0x91: {  	s19 =	sld [smem:$0x3FFB];
	_ =	sdelay $0x3  }
0x92: {  	_ =	strace s19  }
0x93: {  	s2 =	sld [smem:$0x3FFC];
	_ =	sdelay $0x3  }
0x94: {  	_ =	strace s2  }
0x95: {  	s2 =	sld [smem:$0x3FFD];
	_ =	sdelay $0x3  }
0x96: {  	_ =	strace s2  }
0x97: {  	_ =	strace $0x8FFFFFFF  }
0x98: {  	s20 =	sld [smem:$0x3FDB];
	_ =	sdelay $0x1  }
0x99: {  	s4 =	simm.s32 $_scs_section_size  }
0x9a: {  	s5 =	simm.s32 $_size__tile_overlayer_lowered;
	s6 =	simm.s32 $_tile_overlayer_lowered  }
0x9b: {  	s7 =	simm.s32 $0x1BFF;
	s21 =	sshll.u32 s6, $0x1;
	s4 =	sadd.s32 s4, s20  }
0x9c: {  	s22 =	simm.s32 $0x0;
	s5 =	sshll.u32 s5, $0x1;
	s6 =	sadd.s32 s21, s4  }
0x9d: {  	[timem:s22], [sflag:s7] =	dma.local [hbm:s6], s5  }
0x9e: {  	_ =	swait.ge [sflag:s7], s5  }
0x9f: {  	s5 =	ssub.s32 $0x0, s5;
	[sflag:s7] =	ssyncset.done $0x0  }
0xa0: {  	[sflag:s7] =	ssyncadd.s32 s5;
	_ =	sdelay $0x1  }
0xa1: {  	s23 =	simm.s32 $0x1B8B  }
0xa2: {  	_ =	swait.ge [sflag:s23], $0x1  }
0xa3: {  	[sflag:s23] =	ssyncset.done $0x0  }
0xa4: {  	[sflag:s23] =	ssyncadd.s32 $0xFFFFFFFF  }
0xa5: {  	s5 =	sld [smem:$0x0]  }
0xa6: {  	s6 =	sand.u32 $0xFFFFFFFE, s1  }
0xa7: {  	p0 =	sne.s32 s1, s6  }
0xa8: {  	s6 =	sshll.u32 @p0 s6, $0xE  }
0xa9: {  	s6 =	sadd.s32 @p0 $0x11B8D, s6;
	s7 =	sshll.u32 @p0 s5, $0x11  }
0xaa: {  	s6 =	sor.u32 @p0 s7, s6  }
0xab: {  	[sflag:s6] =	ssyncadd.remote.s32 @p0 $0x1;
	_ =	sdelay $0x1  }
0xac: {  	s6 =	simm.s32 @p0 $0x1B8D  }
0xad: {  	_ =	swait.eq @p0 [sflag:s6], $0x1  }
0xae: {  	[sflag:s6] =	ssyncadd.s32 @p0 $0xFFFFFFFF  }
0xaf: {  	s7 =	sshll.u32 @!p0 s1, $0xE  }
0xb0: {  	s7 =	sor.u32 @!p0 $0x4000, s7;
	s6 =	simm.s32 @!p0 $0x1B8D  }
0xb1: {  	s5 =	sshll.u32 @!p0 s5, $0x11;
	s7 =	sadd.s32 @!p0 $0x11B8D, s7;
	_ =	swait.eq @!p0 [sflag:s6], $0x1  }
0xb2: {  	s5 =	sor.u32 @!p0 s5, s7;
	[sflag:s6] =	ssyncadd.s32 @!p0 $0xFFFFFFFF  }
0xb3: {  	s25 =	simm.s32 $0x1B8E;
	s24 =	sld [smem:$0x3FFE];
	[sflag:s5] =	ssyncadd.remote.s32 @!p0 $0x1  }
0xb4: {  	s26 =	simm.s32 $execute0_lowered;
	[smem:$0x3FD2] =	sst s25  }
0xb5: {  	s6 =	sshll.u32 s26, $0x1;
	_ =	strace $0x80000049;
	[dreg:$0x1] =	wrdreg $0xFFFFFFFF  }
0xb6: {  	s28 =	simm.s32 $_size_execute0_lowered;
	s4 =	sadd.s32 s4, s6;
	[dreg:$0x0] =	wrdreg $0x0  }
0xb7: {  	s6 =	sshll.u32 s28, $0x1;
	[dreg:$0x2] =	wrdreg s4  }
0xb8: {  	[dreg:$0x3] =	wrdreg s6  }
0xb9: {  	[dreg:$0x4] =	wrdreg $0xC0  }
0xba: {  	_ =	task [dreg:s22], $0x5FFFF  }
0xbb: {  	[dreg:$0x1] =	wrdreg $0xFFFFFFFF  }
0xbc: {  	[dreg:$0x0] =	wrdreg $0x60  }
0xbd: {  	[dreg:$0x2] =	wrdreg s18  }
0xbe: {  	[dreg:$0x3] =	wrdreg s24  }
0xbf: {  	[dreg:$0x4] =	wrdreg $0xA  }
0xc0: {  	_ =	task.clear_ibuf [dreg:s22], $0x5FFFF;
	_ =	strace $0x90000049  }
0xc1: {  	s29 =	simm.s32 $0xA;
	_ =	strace $0x8000004B  }
0xc2: {  	_ =	swait.ge [sflag:s29], $0x1  }
0xc3: {  	[sflag:s29] =	ssyncadd.s32 $0xFFFFFFFF  }
0xc4: {  	_ =	strace $0x9000004B  }
0xc5: {  	_ =	sfence  }
0xc6: {  	s30 =	sld [smem:$0x0];
	_ =	sdelay $0x2  }
0xc7: {  	s31 =	sshll.u32 s1, $0xD;
	s1 =	sshrl.u32 s1, $0x2  }
0xc8: {  	s4 =	sand.u32 $0x4000, s31;
	s1 =	sadd.s32 s1, s30  }
0xc9: {  	s0 =	sor.u32 s4, s0;
	s1 =	sshll.u32 s1, $0x11  }
0xca: {  	s0 =	sor.u32 s1, s0  }
0xcb: {  	s0 =	sadd.s32 $0x8F2B, s0  }
0xcc: {  	[sflag:s0] =	ssyncadd.remote.s32 $0x1  }
0xcd: {  	_ =	sfence.sel $0xFFFF  }
0xce: {  	[dreg:$0x0] =	wrdreg $0xFFFFFFFF;
	(pc) =	sbr.abs _section_cstart, $3  }
0xcf: {  	[dreg:$0x1] =	wrdreg $0xFFFFFFFF  }
0xd0: {  	_ =	task.clear_ibuf [dreg:s22], $0x2FFFF;
	_ =	strace $0x9FFFFFFF  }
0xd1: {  	(tm) =	ssettm $0x7FFFFFFF  }
tec
execute0_lowered:
.L_overlay_start_1:
0x0: {  	(tag) =	ssettag $0x1  }
0x1: {  	s1 =	rddreg [dreg:$0x0];
	s0 =	srdreg.scid  }
0x2: {  	s14 =	rddreg [dreg:$0x1];
	s23 =	sand.u32 $0x1, s0  }
0x3: {  	s2 =	stileid.u32;
	s3 =	simm.s32 $0x0;
	s4 =	sshll.u32 s23, $0x6  }
0x4: {  	s0 =	rddreg [dreg:$0x2];
	s5 =	sshll.u32 s2, $0x7;
	s4 =	sadd.s32 s4, s14  }
0x5: {  	[smem:$0x7FF] =	sst s3;
	s4 =	sadd.s32 s5, s4  }
0x6: {  	_ =	strace $0x8000004A;
	s5 =	simm.s32 $0x9;
	s4 =	sadd.s32 $0x2600, s4  }
0x7: {  	[tilespmem:s3], [sflag:$0x9] =	stream.linear.gather [hbm4b:s4+s3], $0x200, $0x38;
	[tilespmem:$0x10200] =	vst v63  }
0x8: {  	_ =	swait.ge [sflag:s5], $0x200  }
0x9: {  	[sflag:s5] =	ssyncset.done $0x0  }
0xa: {  	s6 =	simm.s32 $0x80;
	s7 =	simm.s32 $0x200;
	[sflag:s5] =	ssyncadd.s32 $0xFFFFFE00  }
0xb: {  	[tilespmem:s7], [sflag:$0x1] =	stream.indirect.gather [hbm4b:s1+s6], $0x80, s3, s6, $0xb8;
	[tilespmem:$0x10200] =	vst v63  }
0xc: {  	s8 =	simm.s32 $0x4200;
	s9 =	simm.s32 $0x100  }
0xd: {  	[tilespmem:s8], [sflag:$0x2] =	stream.indirect.gather [hbm4b:s1+s6], $0x80, s6, s6, $0xb8;
	[tilespmem:$0x10200] =	vst v63  }
0xe: {  	s10 =	simm.s32 $0x8200;
	s11 =	simm.s32 $0x180;
	s12 =	simm.s32 $0xC200  }
0xf: {  	[tilespmem:s10], [sflag:$0x3] =	stream.indirect.gather [hbm4b:s1+s6], $0x80, s9, s6, $0xb8;
	[tilespmem:$0x10200] =	vst v63  }
0x10: {  	s13 =	simm.s32 $0x1;
	s15 =	sshll.u32 s2, $0xE;
	s16 =	sshll.u32 s23, $0xD  }
0x11: {  	[tilespmem:s12], [sflag:$0x4] =	stream.indirect.gather [hbm4b:s1+s6], $0x80, s11, s6, $0xb8;
	[tilespmem:$0x10200] =	vst v63  }
0x12: {  	s15 =	sor.u32 s16, s15;
	_ =	swait.ge [sflag:s13], $0x4000  }
0x13: {  	s20 =	sadd.s32 s15, s14;
	[sflag:s13] =	ssyncset.done $0x0  }
0x14: {  	s15 =	simm.s32 $0x2;
	s14 =	sadd.s32 $0x3E00, s20;
	[sflag:s13] =	ssyncadd.s32 $0xFFFFC000  }
0x15: {  	[hbm4b:s14+s3] =	stream.linear.scatter [tilespmem:s7], [sflag:$0x5], $0x4000, $0x38;
	[tilespmem:$0x10200] =	vst v63  }
0x16: {  	_ =	swait.ge [sflag:s15], $0x4000  }
0x17: {  	[sflag:s15] =	ssyncset.done $0x0  }
0x18: {  	s17 =	simm.s32 $0x3;
	s16 =	sadd.s32 $0x4600, s20;
	[sflag:s15] =	ssyncadd.s32 $0xFFFFC000  }
0x19: {  	[hbm4b:s16+s3] =	stream.linear.scatter [tilespmem:s8], [sflag:$0x6], $0x4000, $0x38;
	[tilespmem:$0x10200] =	vst v63  }
0x1a: {  	_ =	swait.ge [sflag:s17], $0x4000  }
0x1b: {  	[sflag:s17] =	ssyncset.done $0x0  }
0x1c: {  	s19 =	simm.s32 $0x4;
	s18 =	sadd.s32 $0x4E00, s20;
	[sflag:s17] =	ssyncadd.s32 $0xFFFFC000  }
0x1d: {  	[hbm4b:s18+s3] =	stream.linear.scatter [tilespmem:s10], [sflag:$0x7], $0x4000, $0x38;
	[tilespmem:$0x10200] =	vst v63  }
0x1e: {  	_ =	swait.ge [sflag:s19], $0x4000  }
0x1f: {  	[sflag:s19] =	ssyncset.done $0x0  }
0x20: {  	s21 =	simm.s32 $0x5;
	s20 =	sadd.s32 $0x5600, s20;
	[sflag:s19] =	ssyncadd.s32 $0xFFFFC000  }
0x21: {  	[hbm4b:s20+s3] =	stream.linear.scatter [tilespmem:s12], [sflag:$0x8], $0x4000, $0x38;
	[tilespmem:$0x10200] =	vst v63  }
0x22: {  	_ =	swait.ge [sflag:s21], $0x4000  }
0x23: {  	s24 =	ssub.s32 $0x2, s23;
	[sflag:s21] =	ssyncset.done $0x0  }
0x24: {  	s22 =	simm.s32 $0x6;
	s25 =	sshrl.u32 s24, $0x1;
	[sflag:s21] =	ssyncadd.s32 $0xFFFFC000  }
0x25: {  	s24 =	ssub.s32 s24, s25;
	_ =	swait.ge [sflag:s22], $0x4000  }
0x26: {  	s25 =	smax.u32 s24, $0x1;
	[sflag:s22] =	ssyncset.done $0x0  }
0x27: {  	s23 =	simm.s32 $0x7;
	p0 =	sne.s32 s25, $0x1;
	[sflag:s22] =	ssyncadd.s32 $0xFFFFC000  }
.Ltmp0:
0x28: {  	_ =	swait.ge [sflag:s23], $0x4000;
	(pc) =	sbr.rel @!p0 .LBB2_2-.Ltmp0, $4  }
0x29: {  	[sflag:s23] =	ssyncset.done $0x0  }
0x2a: {  	s24 =	simm.s32 $0x8;
	[sflag:s23] =	ssyncadd.s32 $0xFFFFC000  }
0x2b: {  	_ =	swait.ge [sflag:s24], $0x4000  }
0x2c: {  	s25 =	sadd.s32 $0xFFFFFFFF, s25;
	[sflag:s24] =	ssyncset.done $0x0  }
.LBB2_1:
0x2d: {  	p0 =	sne.s32 s25, $0x1;
	s25 =	sadd.s32 $0xFFFFFFFF, s25;
	[sflag:s24] =	ssyncadd.s32 $0xFFFFC000  }
0x2e: {  	[tilespmem:s3], [sflag:$0x9] =	stream.linear.gather [hbm4b:s4+s3], $0x200, $0x38;
	[tilespmem:$0x10200] =	vst v63  }
0x2f: {  	_ =	swait.ge [sflag:s5], $0x200  }
0x30: {  	[sflag:s5] =	ssyncset.done $0x0  }
0x31: {  	[sflag:s5] =	ssyncadd.s32 $0xFFFFFE00  }
0x32: {  	[tilespmem:s7], [sflag:$0x1] =	stream.indirect.gather [hbm4b:s1+s6], $0x80, s3, s6, $0xb8;
	[tilespmem:$0x10200] =	vst v63  }
0x33: {  	_ = 	snop  }
0x34: {  	[tilespmem:s8], [sflag:$0x2] =	stream.indirect.gather [hbm4b:s1+s6], $0x80, s6, s6, $0xb8;
	[tilespmem:$0x10200] =	vst v63  }
0x35: {  	_ = 	snop  }
0x36: {  	[tilespmem:s10], [sflag:$0x3] =	stream.indirect.gather [hbm4b:s1+s6], $0x80, s9, s6, $0xb8;
	[tilespmem:$0x10200] =	vst v63  }
0x37: {  	_ = 	snop  }
0x38: {  	[tilespmem:s12], [sflag:$0x4] =	stream.indirect.gather [hbm4b:s1+s6], $0x80, s11, s6, $0xb8;
	[tilespmem:$0x10200] =	vst v63  }
0x39: {  	_ =	swait.ge [sflag:s13], $0x4000  }
0x3a: {  	[sflag:s13] =	ssyncset.done $0x0  }
0x3b: {  	[sflag:s13] =	ssyncadd.s32 $0xFFFFC000  }
0x3c: {  	[hbm4b:s14+s3] =	stream.linear.scatter [tilespmem:s7], [sflag:$0x5], $0x4000, $0x38;
	[tilespmem:$0x10200] =	vst v63  }
0x3d: {  	_ =	swait.ge [sflag:s15], $0x4000  }
0x3e: {  	[sflag:s15] =	ssyncset.done $0x0  }
0x3f: {  	[sflag:s15] =	ssyncadd.s32 $0xFFFFC000  }
0x40: {  	[hbm4b:s16+s3] =	stream.linear.scatter [tilespmem:s8], [sflag:$0x6], $0x4000, $0x38;
	[tilespmem:$0x10200] =	vst v63  }
0x41: {  	_ =	swait.ge [sflag:s17], $0x4000  }
0x42: {  	[sflag:s17] =	ssyncset.done $0x0  }
0x43: {  	[sflag:s17] =	ssyncadd.s32 $0xFFFFC000  }
0x44: {  	[hbm4b:s18+s3] =	stream.linear.scatter [tilespmem:s10], [sflag:$0x7], $0x4000, $0x38;
	[tilespmem:$0x10200] =	vst v63  }
0x45: {  	_ =	swait.ge [sflag:s19], $0x4000  }
0x46: {  	[sflag:s19] =	ssyncset.done $0x0  }
0x47: {  	[sflag:s19] =	ssyncadd.s32 $0xFFFFC000  }
0x48: {  	[hbm4b:s20+s3] =	stream.linear.scatter [tilespmem:s12], [sflag:$0x8], $0x4000, $0x38;
	[tilespmem:$0x10200] =	vst v63  }
0x49: {  	_ =	swait.ge [sflag:s21], $0x4000  }
0x4a: {  	[sflag:s21] =	ssyncset.done $0x0  }
0x4b: {  	[sflag:s21] =	ssyncadd.s32 $0xFFFFC000  }
0x4c: {  	_ =	swait.ge [sflag:s22], $0x4000  }
0x4d: {  	[sflag:s22] =	ssyncset.done $0x0  }
0x4e: {  	[sflag:s22] =	ssyncadd.s32 $0xFFFFC000  }
.Ltmp1:
0x4f: {  	_ =	swait.ge [sflag:s23], $0x4000;
	(pc) =	sbr.rel @p0 .LBB2_1-.Ltmp1, $4  }
0x50: {  	[sflag:s23] =	ssyncset.done $0x0  }
0x51: {  	[sflag:s23] =	ssyncadd.s32 $0xFFFFC000  }
0x52: {  	_ =	swait.ge [sflag:s24], $0x4000  }
0x53: {  	[sflag:s24] =	ssyncset.done $0x0  }
.LBB2_2:
0x54: {  	[sflag:s24] =	ssyncadd.s32 $0xFFFFC000  }
0x55: {  	_ =	sfence.sel $0x180000  }
0x56: {  	[bflag:$0x0] =	sbarrier.arrive $0xFFFF  }
0x57: {  	p0 =	sne.s32 s2, $0x0;
	_ =	strace $0x9000004A  }
0x58: {  	s0 =	sadd.s32 @!p0 $0x100000, s0;
	[bflag:$0x2] =	sbarrier.arrive $0xFFFF  }
0x59: {  	[sflag:s0] =	ssyncadd.tile.s32 @!p0 $0x1;
	_ =	shalt  }
.Lfunc_end2:
_tile_overlayer_lowered:
.L_overlay_start_2:
0x5a: {  	(tag) =	ssettag $0x2  }
0x5b: {  	s0 =	rddreg [dreg:$0x0];
	s2 =	stileid.u32  }
0x5c: {  	s1 =	rddreg [dreg:$0x1];
	p0 =	sne.s32 s2, $0x0  }
0x5d: {  	s3 =	rddreg [dreg:$0x2];
	[bflag:$0x3] =	sbarrier.arrive $0xFFFF;
	s2 =	simm.s32 @!p0 $0x1C09  }
0x5e: {  	[timem:s3], [sflag:s2] =	dma.local @!p0 [hbm:s0], s1  }
0x5f: {  	s0 =	simm.s32 @!p0 $0x9  }
0x60: {  	_ =	swait.ge @!p0 [sflag:s0], s1  }
0x61: {  	s1 =	ssub.s32 @!p0 $0x0, s1;
	[sflag:s0] =	ssyncset.done @!p0 $0x0  }
0x62: {  	[sflag:s0] =	ssyncadd.s32 @!p0 s1  }
0x63: {  	[bflag:$0x3] =	sbarrier.arrive $0xFFFF  }
0x64: {  	_ =	shalt  }

// kernel: kernel.16.cloned.1.call-start
scs
__scs_entry_jumppad:
0x0: {  	(pc) =	sbr.rel $0x88, $3  }
0x1: {  	(tag) =	ssettag $0x0;
	lr =	simm.s32 $0x1  }
0x2: {  	[smem:$0x3F9C] =	sst lr;
	_ =	strace $0xD0000000  }
0x3: {  	_ = 	snop  }
0x4: {  	_ = 	snop  }
0x5: {  	_ = 	snop  }
0x6: {  	_ = 	snop  }
0x7: {  	_ = 	snop  }
__scs_overlays_trampoline_lowered:
0x8: {  	[smem:$0x3FAB] =	sst s0  }
0x9: {  	[smem:$0x3FAC] =	sst s1  }
0xa: {  	[smem:$0x3FAD] =	sst s2  }
0xb: {  	[smem:$0x3FAE] =	sst s3  }
0xc: {  	[smem:$0x3FAF] =	sst s4  }
0xd: {  	[smem:$0x3FB0] =	sst s5  }
0xe: {  	[smem:$0x3FB1] =	sst s6  }
0xf: {  	[smem:$0x3FB2] =	sst s7  }
0x10: {  	[smem:$0x3FB3] =	sst s8  }
0x11: {  	[smem:$0x3FB4] =	sst s9;
	s0 =	simm.s32 @!p0 $0x0  }
0x12: {  	s1 =	sld [smem:$0x3F9A];
	s0 =	simm.s32 @p0 $0x1  }
0x13: {  	[smem:$0x3FB5] =	sst s0;
	s0 =	simm.s32 @!p1 $0x0  }
0x14: {  	s2 =	sld [smem:$0x3F99];
	s0 =	simm.s32 @p1 $0x1  }
0x15: {  	[smem:$0x3FB6] =	sst s0;
	s0 =	simm.s32 @!p2 $0x0  }
0x16: {  	s3 =	sld [smem:$0x3FDB];
	s0 =	simm.s32 @p2 $0x1  }
0x17: {  	s4 =	simm.s32 $0x1BF5;
	[smem:$0x3FB8] =	sst s0  }
0x18: {  	s0 =	sld [smem:$0x3F9B];
	_ =	swait.ge [sflag:s4], $0x0  }
0x19: {  	s7 =	sld [smem:$0x3F9C]  }
0x1a: {  	s8 =	sadd.s32 $0xFFFFE003, lr  }
0x1b: {  	s9 =	sadd.s32 $0xFFFFFEF7, lr;
	s5 =	simm.s32 $0xFFFFFFFF;
	p2 =	slt.u32 s8, $0xFFFFF086  }
0x1c: {  	p1 =	slt.u32 s9, $0xF7A;
	s5 =	simm.s32 @!p2 $0x0  }
0x1d: {  	s5 =	simm.s32 @p1 $0x1;
	p0 =	seq.s32 s7, s2  }
0x1e: {  	s7 =	smul.u32 @!p0 $0xF7A, s2;
	p2 =	seq.s32 @!p0 s5, $0x0  }
0x1f: {  	s9 =	smul.u32 $0xF7A, s1;
	s8 =	simm.s32 @!p0 $0x1BF5;
	p2 =	por !p2, p0  }
0x20: {  	[sflag:s8] =	ssyncset.s32 @!p0 $0xFFFFF086;
	s6 =	sadd.s32 @!p0 s3, s7;
	s7 =	simm.s32 @!p0 $0x108  }
0x21: {  	s3 =	sadd.s32 s3, s9;
	s6 =	sadd.s32 @!p0 $0x88, s6;
	s7 =	simm.s32 @p2 $0x1082  }
0x22: {  	[simem:s7], [sflag:s8] =	dma.local @!p0 [hbm:s6], $0xF7A  }
0x23: {  	s9 =	sor.u32 $0xD0000000, s2;
	s6 =	simm.s32 $0x108;
	_ =	swait.ge @!p0 [sflag:s8], $0x0  }
0x24: {  	s3 =	sadd.s32 $0x88, s3;
	s6 =	simm.s32 @!p1 $0x1082;
	[sflag:s4] =	ssyncset.s32 $0xFFFFF086  }
0x25: {  	[simem:s6], [sflag:s4] =	dma.local [hbm:s3], $0xF7A  }
0x26: {  	[smem:$0x3F9C] =	sst s1;
	(tag) =	ssettag s2;
	_ =	strace s9  }
0x27: {  	s1 =	sld [smem:$0x3FAC]  }
0x28: {  	s2 =	sld [smem:$0x3FAD]  }
0x29: {  	s4 =	sld [smem:$0x3FAF]  }
0x2a: {  	p0 =	seq.s32 s5, $0x0;
	s5 =	sld [smem:$0x3FB0]  }
0x2b: {  	s6 =	sld [smem:$0x3FB1]  }
0x2c: {  	s7 =	sld [smem:$0x3FB2]  }
0x2d: {  	s3 =	simm.s32 $0x108;
	s8 =	sld [smem:$0x3FB3]  }
0x2e: {  	s3 =	simm.s32 @!p0 $0x1082;
	s9 =	sld [smem:$0x3FB4]  }
0x2f: {  	lr =	sadd.s32 s0, s3;
	s0 =	sld [smem:$0x3FAB]  }
0x30: {  	s3 =	sld [smem:$0x3FAE]  }
0x31: {  	[smem:$0x3FB7] =	sst s10  }
0x32: {  	s10 =	sld [smem:$0x3FB5];
	_ =	sdelay $0x3  }
0x33: {  	p0 =	seq.s32 s10, $0x1;
	s10 =	sld [smem:$0x3FB7];
	_ =	sdelay $0x3  }
0x34: {  	[smem:$0x3FB7] =	sst s10  }
0x35: {  	s10 =	sld [smem:$0x3FB6];
	_ =	sdelay $0x3  }
0x36: {  	p1 =	seq.s32 s10, $0x1;
	s10 =	sld [smem:$0x3FB7];
	_ =	sdelay $0x3  }
0x37: {  	[smem:$0x3FB7] =	sst s10  }
0x38: {  	s10 =	sld [smem:$0x3FB8]  }
0x39: {  	_ = 	snop;
	(pc) =	sbr.ind lr, $3  }
0x3a: {  	_ = 	snop  }
0x3b: {  	_ = 	snop  }
0x3c: {  	p2 =	seq.s32 s10, $0x1;
	s10 =	sld [smem:$0x3FB7]  }
0x3d: {  	_ =	shalt  }
0x3e: {  	_ =	shalt  }
0x3f: {  	_ =	shalt  }
0x40: {  	_ =	shalt  }
0x41: {  	_ =	shalt  }
0x42: {  	_ =	shalt  }
0x43: {  	_ =	shalt  }
0x44: {  	_ =	shalt  }
0x45: {  	_ =	shalt  }
0x46: {  	_ =	shalt  }
0x47: {  	_ =	shalt  }
0x48: {  	_ =	shalt  }
0x49: {  	_ =	shalt  }
0x4a: {  	_ =	shalt  }
0x4b: {  	_ =	shalt  }
0x4c: {  	_ =	shalt  }
0x4d: {  	_ =	shalt  }
0x4e: {  	_ =	shalt  }
0x4f: {  	_ =	shalt  }
0x50: {  	_ =	shalt  }
0x51: {  	_ =	shalt  }
0x52: {  	_ =	shalt  }
0x53: {  	_ =	shalt  }
0x54: {  	_ =	shalt  }
0x55: {  	_ =	shalt  }
0x56: {  	_ =	shalt  }
0x57: {  	_ =	shalt  }
0x58: {  	_ =	shalt  }
0x59: {  	_ =	shalt  }
0x5a: {  	_ =	shalt  }
0x5b: {  	_ =	shalt  }
0x5c: {  	_ =	shalt  }
0x5d: {  	_ =	shalt  }
0x5e: {  	_ =	shalt  }
0x5f: {  	_ =	shalt  }
0x60: {  	_ =	shalt  }
0x61: {  	_ =	shalt  }
0x62: {  	_ =	shalt  }
0x63: {  	_ =	shalt  }
0x64: {  	_ =	shalt  }
0x65: {  	_ =	shalt  }
0x66: {  	_ =	shalt  }
0x67: {  	_ =	shalt  }
0x68: {  	_ =	shalt  }
0x69: {  	_ =	shalt  }
0x6a: {  	_ =	shalt  }
0x6b: {  	_ =	shalt  }
0x6c: {  	_ =	shalt  }
0x6d: {  	_ =	shalt  }
0x6e: {  	_ =	shalt  }
0x6f: {  	_ =	shalt  }
0x70: {  	_ =	shalt  }
0x71: {  	_ =	shalt  }
0x72: {  	_ =	shalt  }
0x73: {  	_ =	shalt  }
0x74: {  	_ =	shalt  }
0x75: {  	_ =	shalt  }
0x76: {  	_ =	shalt  }
0x77: {  	_ =	shalt  }
0x78: {  	_ =	shalt  }
0x79: {  	_ =	shalt  }
0x7a: {  	_ =	shalt  }
0x7b: {  	_ =	shalt  }
0x7c: {  	_ =	shalt  }
0x7d: {  	_ =	shalt  }
0x7e: {  	_ =	shalt  }
0x7f: {  	_ =	shalt  }
0x80: {  	_ =	shalt  }
0x81: {  	_ =	shalt  }
0x82: {  	_ =	shalt  }
0x83: {  	_ =	shalt  }
0x84: {  	_ =	shalt  }
0x85: {  	_ =	shalt  }
0x86: {  	_ =	shalt  }
0x87: {  	_ =	shalt  }
.Lfunc_end0:
.L_simem_size_0:
called_computation.2_lowered:
.L_overlay_start_0:
0x88: {  	s2 =	sld [smem:$0x3FD9]  }
0x89: {  	s3 =	sld [smem:$0x3FFE];
	_ =	sdelay $0x1  }
0x8a: {  	s1 =	srdreg.scid  }
0x8b: {  	s0 =	sand.u32 $0x1, s1  }
0x8c: {  	s17 =	sshll.u32 s0, $0xA;
	s2 =	sadd.s32 s3, s2  }
0x8d: {  	s2 =	sadd.s32 s2, s17  }
0x8e: {  	[smem:$0x3FC3] =	sst s2  }
0x8f: {  	_ = 	snop  }
0x90: {  	s18 =	sld [smem:$0x3FC8];
	(tm) =	ssettm $0x1  }
0x91: {  	s19 =	sld [smem:$0x3FFB];
	_ =	sdelay $0x3  }
0x92: {  	_ =	strace s19  }
0x93: {  	s2 =	sld [smem:$0x3FFC];
	_ =	sdelay $0x3  }
0x94: {  	_ =	strace s2  }
0x95: {  	s2 =	sld [smem:$0x3FFD];
	_ =	sdelay $0x3  }
0x96: {  	_ =	strace s2  }
0x97: {  	_ =	strace $0x8FFFFFFF  }
0x98: {  	s20 =	sld [smem:$0x3FDB];
	_ =	sdelay $0x1  }
0x99: {  	s4 =	simm.s32 $_scs_section_size  }
0x9a: {  	s5 =	simm.s32 $_size__tile_overlayer_lowered;
	s6 =	simm.s32 $_tile_overlayer_lowered  }
0x9b: {  	s7 =	simm.s32 $0x1BFF;
	s21 =	sshll.u32 s6, $0x1;
	s4 =	sadd.s32 s4, s20  }
0x9c: {  	s22 =	simm.s32 $0x0;
	s5 =	sshll.u32 s5, $0x1;
	s6 =	sadd.s32 s21, s4  }
0x9d: {  	[timem:s22], [sflag:s7] =	dma.local [hbm:s6], s5  }
0x9e: {  	_ =	swait.ge [sflag:s7], s5  }
0x9f: {  	s5 =	ssub.s32 $0x0, s5;
	[sflag:s7] =	ssyncset.done $0x0  }
0xa0: {  	[sflag:s7] =	ssyncadd.s32 s5;
	_ =	sdelay $0x1  }
0xa1: {  	s23 =	simm.s32 $0x1B8B  }
0xa2: {  	_ =	swait.ge [sflag:s23], $0x1  }
0xa3: {  	[sflag:s23] =	ssyncset.done $0x0  }
0xa4: {  	[sflag:s23] =	ssyncadd.s32 $0xFFFFFFFF  }
0xa5: {  	s5 =	sld [smem:$0x0]  }
0xa6: {  	s6 =	sand.u32 $0xFFFFFFFE, s1  }
0xa7: {  	p0 =	sne.s32 s1, s6  }
0xa8: {  	s6 =	sshll.u32 @p0 s6, $0xE  }
0xa9: {  	s6 =	sadd.s32 @p0 $0x11B8D, s6;
	s7 =	sshll.u32 @p0 s5, $0x11  }
0xaa: {  	s6 =	sor.u32 @p0 s7, s6  }
0xab: {  	[sflag:s6] =	ssyncadd.remote.s32 @p0 $0x1;
	_ =	sdelay $0x1  }
0xac: {  	s6 =	simm.s32 @p0 $0x1B8D  }
0xad: {  	_ =	swait.eq @p0 [sflag:s6], $0x1  }
0xae: {  	[sflag:s6] =	ssyncadd.s32 @p0 $0xFFFFFFFF  }
0xaf: {  	s7 =	sshll.u32 @!p0 s1, $0xE  }
0xb0: {  	s7 =	sor.u32 @!p0 $0x4000, s7;
	s6 =	simm.s32 @!p0 $0x1B8D  }
0xb1: {  	s5 =	sshll.u32 @!p0 s5, $0x11;
	s7 =	sadd.s32 @!p0 $0x11B8D, s7;
	_ =	swait.eq @!p0 [sflag:s6], $0x1  }
0xb2: {  	s5 =	sor.u32 @!p0 s5, s7;
	[sflag:s6] =	ssyncadd.s32 @!p0 $0xFFFFFFFF  }
0xb3: {  	s25 =	simm.s32 $0x1B8E;
	s24 =	sld [smem:$0x3FFE];
	[sflag:s5] =	ssyncadd.remote.s32 @!p0 $0x1  }
0xb4: {  	s26 =	simm.s32 $execute0_lowered;
	[smem:$0x3FD2] =	sst s25  }
0xb5: {  	s6 =	sshll.u32 s26, $0x1;
	_ =	strace $0x8000004C;
	[dreg:$0x1] =	wrdreg $0xFFFFFFFF  }
0xb6: {  	s28 =	simm.s32 $_size_execute0_lowered;
	s4 =	sadd.s32 s4, s6;
	[dreg:$0x0] =	wrdreg $0x0  }
0xb7: {  	s6 =	sshll.u32 s28, $0x1;
	[dreg:$0x2] =	wrdreg s4  }
0xb8: {  	[dreg:$0x3] =	wrdreg s6  }
0xb9: {  	[dreg:$0x4] =	wrdreg $0xC0  }
0xba: {  	_ =	task [dreg:s22], $0x5FFFF  }
0xbb: {  	[dreg:$0x1] =	wrdreg $0xFFFFFFFF  }
0xbc: {  	[dreg:$0x0] =	wrdreg $0x60  }
0xbd: {  	[dreg:$0x2] =	wrdreg s18  }
0xbe: {  	[dreg:$0x3] =	wrdreg s24  }
0xbf: {  	[dreg:$0x4] =	wrdreg $0xB  }
0xc0: {  	_ =	task.clear_ibuf [dreg:s22], $0x5FFFF;
	_ =	strace $0x9000004C  }
0xc1: {  	s29 =	simm.s32 $0xB;
	_ =	strace $0x8000004E  }
0xc2: {  	_ =	swait.ge [sflag:s29], $0x1  }
0xc3: {  	[sflag:s29] =	ssyncadd.s32 $0xFFFFFFFF  }
0xc4: {  	_ =	strace $0x9000004E  }
0xc5: {  	_ =	sfence  }
0xc6: {  	s30 =	sld [smem:$0x0];
	_ =	sdelay $0x2  }
0xc7: {  	s31 =	sshll.u32 s1, $0xD;
	s1 =	sshrl.u32 s1, $0x2  }
0xc8: {  	s4 =	sand.u32 $0x4000, s31;
	s1 =	sadd.s32 s1, s30  }
0xc9: {  	s0 =	sor.u32 s4, s0;
	s1 =	sshll.u32 s1, $0x11  }
0xca: {  	s0 =	sor.u32 s1, s0  }
0xcb: {  	s0 =	sadd.s32 $0x8F2B, s0  }
0xcc: {  	[sflag:s0] =	ssyncadd.remote.s32 $0x1  }
0xcd: {  	_ =	sfence.sel $0xFFFF  }
0xce: {  	[dreg:$0x0] =	wrdreg $0xFFFFFFFF;
	(pc) =	sbr.abs _section_cstart, $3  }
0xcf: {  	[dreg:$0x1] =	wrdreg $0xFFFFFFFF  }
0xd0: {  	_ =	task.clear_ibuf [dreg:s22], $0x2FFFF;
	_ =	strace $0x9FFFFFFF  }
0xd1: {  	(tm) =	ssettm $0x7FFFFFFF  }
tec
execute0_lowered:
.L_overlay_start_1:
0x0: {  	(tag) =	ssettag $0x1  }
0x1: {  	s1 =	rddreg [dreg:$0x0];
	s0 =	srdreg.scid  }
0x2: {  	s14 =	rddreg [dreg:$0x1];
	s23 =	sand.u32 $0x1, s0  }
0x3: {  	s2 =	stileid.u32;
	s3 =	simm.s32 $0x0;
	s4 =	sshll.u32 s23, $0x6  }
0x4: {  	s0 =	rddreg [dreg:$0x2];
	s5 =	sshll.u32 s2, $0x7;
	s4 =	sadd.s32 s4, s14  }
0x5: {  	[smem:$0x7FF] =	sst s3;
	s4 =	sadd.s32 s5, s4  }
0x6: {  	_ =	strace $0x8000004D;
	s5 =	simm.s32 $0x9;
	s4 =	sadd.s32 $0x2E00, s4  }
0x7: {  	[tilespmem:s3], [sflag:$0x9] =	stream.linear.gather [hbm4b:s4+s3], $0x200, $0x38;
	[tilespmem:$0x10200] =	vst v63  }
0x8: {  	_ =	swait.ge [sflag:s5], $0x200  }
0x9: {  	[sflag:s5] =	ssyncset.done $0x0  }
0xa: {  	s6 =	simm.s32 $0x80;
	s7 =	simm.s32 $0x200;
	[sflag:s5] =	ssyncadd.s32 $0xFFFFFE00  }
0xb: {  	[tilespmem:s7], [sflag:$0x1] =	stream.indirect.gather [hbm4b:s1+s6], $0x80, s3, s6, $0xb8;
	[tilespmem:$0x10200] =	vst v63  }
0xc: {  	s8 =	simm.s32 $0x4200;
	s9 =	simm.s32 $0x100  }
0xd: {  	[tilespmem:s8], [sflag:$0x2] =	stream.indirect.gather [hbm4b:s1+s6], $0x80, s6, s6, $0xb8;
	[tilespmem:$0x10200] =	vst v63  }
0xe: {  	s10 =	simm.s32 $0x8200;
	s11 =	simm.s32 $0x180;
	s12 =	simm.s32 $0xC200  }
0xf: {  	[tilespmem:s10], [sflag:$0x3] =	stream.indirect.gather [hbm4b:s1+s6], $0x80, s9, s6, $0xb8;
	[tilespmem:$0x10200] =	vst v63  }
0x10: {  	s13 =	simm.s32 $0x1;
	s15 =	sshll.u32 s2, $0xE;
	s16 =	sshll.u32 s23, $0xD  }
0x11: {  	[tilespmem:s12], [sflag:$0x4] =	stream.indirect.gather [hbm4b:s1+s6], $0x80, s11, s6, $0xb8;
	[tilespmem:$0x10200] =	vst v63  }
0x12: {  	s15 =	sor.u32 s16, s15;
	_ =	swait.ge [sflag:s13], $0x4000  }
0x13: {  	s20 =	sadd.s32 s15, s14;
	[sflag:s13] =	ssyncset.done $0x0  }
0x14: {  	s15 =	simm.s32 $0x2;
	s14 =	sadd.s32 $0x43E00, s20;
	[sflag:s13] =	ssyncadd.s32 $0xFFFFC000  }
0x15: {  	[hbm4b:s14+s3] =	stream.linear.scatter [tilespmem:s7], [sflag:$0x5], $0x4000, $0x38;
	[tilespmem:$0x10200] =	vst v63  }
0x16: {  	_ =	swait.ge [sflag:s15], $0x4000  }
0x17: {  	[sflag:s15] =	ssyncset.done $0x0  }
0x18: {  	s17 =	simm.s32 $0x3;
	s16 =	sadd.s32 $0x44600, s20;
	[sflag:s15] =	ssyncadd.s32 $0xFFFFC000  }
0x19: {  	[hbm4b:s16+s3] =	stream.linear.scatter [tilespmem:s8], [sflag:$0x6], $0x4000, $0x38;
	[tilespmem:$0x10200] =	vst v63  }
0x1a: {  	_ =	swait.ge [sflag:s17], $0x4000  }
0x1b: {  	[sflag:s17] =	ssyncset.done $0x0  }
0x1c: {  	s19 =	simm.s32 $0x4;
	s18 =	sadd.s32 $0x44E00, s20;
	[sflag:s17] =	ssyncadd.s32 $0xFFFFC000  }
0x1d: {  	[hbm4b:s18+s3] =	stream.linear.scatter [tilespmem:s10], [sflag:$0x7], $0x4000, $0x38;
	[tilespmem:$0x10200] =	vst v63  }
0x1e: {  	_ =	swait.ge [sflag:s19], $0x4000  }
0x1f: {  	[sflag:s19] =	ssyncset.done $0x0  }
0x20: {  	s21 =	simm.s32 $0x5;
	s20 =	sadd.s32 $0x45600, s20;
	[sflag:s19] =	ssyncadd.s32 $0xFFFFC000  }
0x21: {  	[hbm4b:s20+s3] =	stream.linear.scatter [tilespmem:s12], [sflag:$0x8], $0x4000, $0x38;
	[tilespmem:$0x10200] =	vst v63  }
0x22: {  	_ =	swait.ge [sflag:s21], $0x4000  }
0x23: {  	s24 =	ssub.s32 $0x2, s23;
	[sflag:s21] =	ssyncset.done $0x0  }
0x24: {  	s22 =	simm.s32 $0x6;
	s25 =	sshrl.u32 s24, $0x1;
	[sflag:s21] =	ssyncadd.s32 $0xFFFFC000  }
0x25: {  	s24 =	ssub.s32 s24, s25;
	_ =	swait.ge [sflag:s22], $0x4000  }
0x26: {  	s25 =	smax.u32 s24, $0x1;
	[sflag:s22] =	ssyncset.done $0x0  }
0x27: {  	s23 =	simm.s32 $0x7;
	p0 =	sne.s32 s25, $0x1;
	[sflag:s22] =	ssyncadd.s32 $0xFFFFC000  }
.Ltmp0:
0x28: {  	_ =	swait.ge [sflag:s23], $0x4000;
	(pc) =	sbr.rel @!p0 .LBB2_2-.Ltmp0, $4  }
0x29: {  	[sflag:s23] =	ssyncset.done $0x0  }
0x2a: {  	s24 =	simm.s32 $0x8;
	[sflag:s23] =	ssyncadd.s32 $0xFFFFC000  }
0x2b: {  	_ =	swait.ge [sflag:s24], $0x4000  }
0x2c: {  	s25 =	sadd.s32 $0xFFFFFFFF, s25;
	[sflag:s24] =	ssyncset.done $0x0  }
.LBB2_1:
0x2d: {  	p0 =	sne.s32 s25, $0x1;
	s25 =	sadd.s32 $0xFFFFFFFF, s25;
	[sflag:s24] =	ssyncadd.s32 $0xFFFFC000  }
0x2e: {  	[tilespmem:s3], [sflag:$0x9] =	stream.linear.gather [hbm4b:s4+s3], $0x200, $0x38;
	[tilespmem:$0x10200] =	vst v63  }
0x2f: {  	_ =	swait.ge [sflag:s5], $0x200  }
0x30: {  	[sflag:s5] =	ssyncset.done $0x0  }
0x31: {  	[sflag:s5] =	ssyncadd.s32 $0xFFFFFE00  }
0x32: {  	[tilespmem:s7], [sflag:$0x1] =	stream.indirect.gather [hbm4b:s1+s6], $0x80, s3, s6, $0xb8;
	[tilespmem:$0x10200] =	vst v63  }
0x33: {  	_ = 	snop  }
0x34: {  	[tilespmem:s8], [sflag:$0x2] =	stream.indirect.gather [hbm4b:s1+s6], $0x80, s6, s6, $0xb8;
	[tilespmem:$0x10200] =	vst v63  }
0x35: {  	_ = 	snop  }
0x36: {  	[tilespmem:s10], [sflag:$0x3] =	stream.indirect.gather [hbm4b:s1+s6], $0x80, s9, s6, $0xb8;
	[tilespmem:$0x10200] =	vst v63  }
0x37: {  	_ = 	snop  }
0x38: {  	[tilespmem:s12], [sflag:$0x4] =	stream.indirect.gather [hbm4b:s1+s6], $0x80, s11, s6, $0xb8;
	[tilespmem:$0x10200] =	vst v63  }
0x39: {  	_ =	swait.ge [sflag:s13], $0x4000  }
0x3a: {  	[sflag:s13] =	ssyncset.done $0x0  }
0x3b: {  	[sflag:s13] =	ssyncadd.s32 $0xFFFFC000  }
0x3c: {  	[hbm4b:s14+s3] =	stream.linear.scatter [tilespmem:s7], [sflag:$0x5], $0x4000, $0x38;
	[tilespmem:$0x10200] =	vst v63  }
0x3d: {  	_ =	swait.ge [sflag:s15], $0x4000  }
0x3e: {  	[sflag:s15] =	ssyncset.done $0x0  }
0x3f: {  	[sflag:s15] =	ssyncadd.s32 $0xFFFFC000  }
0x40: {  	[hbm4b:s16+s3] =	stream.linear.scatter [tilespmem:s8], [sflag:$0x6], $0x4000, $0x38;
	[tilespmem:$0x10200] =	vst v63  }
0x41: {  	_ =	swait.ge [sflag:s17], $0x4000  }
0x42: {  	[sflag:s17] =	ssyncset.done $0x0  }
0x43: {  	[sflag:s17] =	ssyncadd.s32 $0xFFFFC000  }
0x44: {  	[hbm4b:s18+s3] =	stream.linear.scatter [tilespmem:s10], [sflag:$0x7], $0x4000, $0x38;
	[tilespmem:$0x10200] =	vst v63  }
0x45: {  	_ =	swait.ge [sflag:s19], $0x4000  }
0x46: {  	[sflag:s19] =	ssyncset.done $0x0  }
0x47: {  	[sflag:s19] =	ssyncadd.s32 $0xFFFFC000  }
0x48: {  	[hbm4b:s20+s3] =	stream.linear.scatter [tilespmem:s12], [sflag:$0x8], $0x4000, $0x38;
	[tilespmem:$0x10200] =	vst v63  }
0x49: {  	_ =	swait.ge [sflag:s21], $0x4000  }
0x4a: {  	[sflag:s21] =	ssyncset.done $0x0  }
0x4b: {  	[sflag:s21] =	ssyncadd.s32 $0xFFFFC000  }
0x4c: {  	_ =	swait.ge [sflag:s22], $0x4000  }
0x4d: {  	[sflag:s22] =	ssyncset.done $0x0  }
0x4e: {  	[sflag:s22] =	ssyncadd.s32 $0xFFFFC000  }
.Ltmp1:
0x4f: {  	_ =	swait.ge [sflag:s23], $0x4000;
	(pc) =	sbr.rel @p0 .LBB2_1-.Ltmp1, $4  }
0x50: {  	[sflag:s23] =	ssyncset.done $0x0  }
0x51: {  	[sflag:s23] =	ssyncadd.s32 $0xFFFFC000  }
0x52: {  	_ =	swait.ge [sflag:s24], $0x4000  }
0x53: {  	[sflag:s24] =	ssyncset.done $0x0  }
.LBB2_2:
0x54: {  	[sflag:s24] =	ssyncadd.s32 $0xFFFFC000  }
0x55: {  	_ =	sfence.sel $0x180000  }
0x56: {  	[bflag:$0x0] =	sbarrier.arrive $0xFFFF  }
0x57: {  	p0 =	sne.s32 s2, $0x0;
	_ =	strace $0x9000004D  }
0x58: {  	s0 =	sadd.s32 @!p0 $0x100000, s0;
	[bflag:$0x2] =	sbarrier.arrive $0xFFFF  }
0x59: {  	[sflag:s0] =	ssyncadd.tile.s32 @!p0 $0x1;
	_ =	shalt  }
.Lfunc_end2:
_tile_overlayer_lowered:
.L_overlay_start_2:
0x5a: {  	(tag) =	ssettag $0x2  }
0x5b: {  	s0 =	rddreg [dreg:$0x0];
	s2 =	stileid.u32  }
0x5c: {  	s1 =	rddreg [dreg:$0x1];
	p0 =	sne.s32 s2, $0x0  }
0x5d: {  	s3 =	rddreg [dreg:$0x2];
	[bflag:$0x3] =	sbarrier.arrive $0xFFFF;
	s2 =	simm.s32 @!p0 $0x1C09  }
0x5e: {  	[timem:s3], [sflag:s2] =	dma.local @!p0 [hbm:s0], s1  }
0x5f: {  	s0 =	simm.s32 @!p0 $0x9  }
0x60: {  	_ =	swait.ge @!p0 [sflag:s0], s1  }
0x61: {  	s1 =	ssub.s32 @!p0 $0x0, s1;
	[sflag:s0] =	ssyncset.done @!p0 $0x0  }
0x62: {  	[sflag:s0] =	ssyncadd.s32 @!p0 s1  }
0x63: {  	[bflag:$0x3] =	sbarrier.arrive $0xFFFF  }
0x64: {  	_ =	shalt  }

// kernel: kernel.19.cloned.1.call-start
scs
__scs_entry_jumppad:
0x0: {  	(pc) =	sbr.rel $0x88, $3  }
0x1: {  	(tag) =	ssettag $0x0;
	lr =	simm.s32 $0x1  }
0x2: {  	[smem:$0x3F9C] =	sst lr;
	_ =	strace $0xD0000000  }
0x3: {  	_ = 	snop  }
0x4: {  	_ = 	snop  }
0x5: {  	_ = 	snop  }
0x6: {  	_ = 	snop  }
0x7: {  	_ = 	snop  }
__scs_overlays_trampoline_lowered:
0x8: {  	[smem:$0x3FAB] =	sst s0  }
0x9: {  	[smem:$0x3FAC] =	sst s1  }
0xa: {  	[smem:$0x3FAD] =	sst s2  }
0xb: {  	[smem:$0x3FAE] =	sst s3  }
0xc: {  	[smem:$0x3FAF] =	sst s4  }
0xd: {  	[smem:$0x3FB0] =	sst s5  }
0xe: {  	[smem:$0x3FB1] =	sst s6  }
0xf: {  	[smem:$0x3FB2] =	sst s7  }
0x10: {  	[smem:$0x3FB3] =	sst s8  }
0x11: {  	[smem:$0x3FB4] =	sst s9;
	s0 =	simm.s32 @!p0 $0x0  }
0x12: {  	s1 =	sld [smem:$0x3F9A];
	s0 =	simm.s32 @p0 $0x1  }
0x13: {  	[smem:$0x3FB5] =	sst s0;
	s0 =	simm.s32 @!p1 $0x0  }
0x14: {  	s2 =	sld [smem:$0x3F99];
	s0 =	simm.s32 @p1 $0x1  }
0x15: {  	[smem:$0x3FB6] =	sst s0;
	s0 =	simm.s32 @!p2 $0x0  }
0x16: {  	s3 =	sld [smem:$0x3FDB];
	s0 =	simm.s32 @p2 $0x1  }
0x17: {  	s4 =	simm.s32 $0x1BF5;
	[smem:$0x3FB8] =	sst s0  }
0x18: {  	s0 =	sld [smem:$0x3F9B];
	_ =	swait.ge [sflag:s4], $0x0  }
0x19: {  	s7 =	sld [smem:$0x3F9C]  }
0x1a: {  	s8 =	sadd.s32 $0xFFFFE003, lr  }
0x1b: {  	s9 =	sadd.s32 $0xFFFFFEF7, lr;
	s5 =	simm.s32 $0xFFFFFFFF;
	p2 =	slt.u32 s8, $0xFFFFF086  }
0x1c: {  	p1 =	slt.u32 s9, $0xF7A;
	s5 =	simm.s32 @!p2 $0x0  }
0x1d: {  	s5 =	simm.s32 @p1 $0x1;
	p0 =	seq.s32 s7, s2  }
0x1e: {  	s7 =	smul.u32 @!p0 $0xF7A, s2;
	p2 =	seq.s32 @!p0 s5, $0x0  }
0x1f: {  	s9 =	smul.u32 $0xF7A, s1;
	s8 =	simm.s32 @!p0 $0x1BF5;
	p2 =	por !p2, p0  }
0x20: {  	[sflag:s8] =	ssyncset.s32 @!p0 $0xFFFFF086;
	s6 =	sadd.s32 @!p0 s3, s7;
	s7 =	simm.s32 @!p0 $0x108  }
0x21: {  	s3 =	sadd.s32 s3, s9;
	s6 =	sadd.s32 @!p0 $0x88, s6;
	s7 =	simm.s32 @p2 $0x1082  }
0x22: {  	[simem:s7], [sflag:s8] =	dma.local @!p0 [hbm:s6], $0xF7A  }
0x23: {  	s9 =	sor.u32 $0xD0000000, s2;
	s6 =	simm.s32 $0x108;
	_ =	swait.ge @!p0 [sflag:s8], $0x0  }
0x24: {  	s3 =	sadd.s32 $0x88, s3;
	s6 =	simm.s32 @!p1 $0x1082;
	[sflag:s4] =	ssyncset.s32 $0xFFFFF086  }
0x25: {  	[simem:s6], [sflag:s4] =	dma.local [hbm:s3], $0xF7A  }
0x26: {  	[smem:$0x3F9C] =	sst s1;
	(tag) =	ssettag s2;
	_ =	strace s9  }
0x27: {  	s1 =	sld [smem:$0x3FAC]  }
0x28: {  	s2 =	sld [smem:$0x3FAD]  }
0x29: {  	s4 =	sld [smem:$0x3FAF]  }
0x2a: {  	p0 =	seq.s32 s5, $0x0;
	s5 =	sld [smem:$0x3FB0]  }
0x2b: {  	s6 =	sld [smem:$0x3FB1]  }
0x2c: {  	s7 =	sld [smem:$0x3FB2]  }
0x2d: {  	s3 =	simm.s32 $0x108;
	s8 =	sld [smem:$0x3FB3]  }
0x2e: {  	s3 =	simm.s32 @!p0 $0x1082;
	s9 =	sld [smem:$0x3FB4]  }
0x2f: {  	lr =	sadd.s32 s0, s3;
	s0 =	sld [smem:$0x3FAB]  }
0x30: {  	s3 =	sld [smem:$0x3FAE]  }
0x31: {  	[smem:$0x3FB7] =	sst s10  }
0x32: {  	s10 =	sld [smem:$0x3FB5];
	_ =	sdelay $0x3  }
0x33: {  	p0 =	seq.s32 s10, $0x1;
	s10 =	sld [smem:$0x3FB7];
	_ =	sdelay $0x3  }
0x34: {  	[smem:$0x3FB7] =	sst s10  }
0x35: {  	s10 =	sld [smem:$0x3FB6];
	_ =	sdelay $0x3  }
0x36: {  	p1 =	seq.s32 s10, $0x1;
	s10 =	sld [smem:$0x3FB7];
	_ =	sdelay $0x3  }
0x37: {  	[smem:$0x3FB7] =	sst s10  }
0x38: {  	s10 =	sld [smem:$0x3FB8]  }
0x39: {  	_ = 	snop;
	(pc) =	sbr.ind lr, $3  }
0x3a: {  	_ = 	snop  }
0x3b: {  	_ = 	snop  }
0x3c: {  	p2 =	seq.s32 s10, $0x1;
	s10 =	sld [smem:$0x3FB7]  }
0x3d: {  	_ =	shalt  }
0x3e: {  	_ =	shalt  }
0x3f: {  	_ =	shalt  }
0x40: {  	_ =	shalt  }
0x41: {  	_ =	shalt  }
0x42: {  	_ =	shalt  }
0x43: {  	_ =	shalt  }
0x44: {  	_ =	shalt  }
0x45: {  	_ =	shalt  }
0x46: {  	_ =	shalt  }
0x47: {  	_ =	shalt  }
0x48: {  	_ =	shalt  }
0x49: {  	_ =	shalt  }
0x4a: {  	_ =	shalt  }
0x4b: {  	_ =	shalt  }
0x4c: {  	_ =	shalt  }
0x4d: {  	_ =	shalt  }
0x4e: {  	_ =	shalt  }
0x4f: {  	_ =	shalt  }
0x50: {  	_ =	shalt  }
0x51: {  	_ =	shalt  }
0x52: {  	_ =	shalt  }
0x53: {  	_ =	shalt  }
0x54: {  	_ =	shalt  }
0x55: {  	_ =	shalt  }
0x56: {  	_ =	shalt  }
0x57: {  	_ =	shalt  }
0x58: {  	_ =	shalt  }
0x59: {  	_ =	shalt  }
0x5a: {  	_ =	shalt  }
0x5b: {  	_ =	shalt  }
0x5c: {  	_ =	shalt  }
0x5d: {  	_ =	shalt  }
0x5e: {  	_ =	shalt  }
0x5f: {  	_ =	shalt  }
0x60: {  	_ =	shalt  }
0x61: {  	_ =	shalt  }
0x62: {  	_ =	shalt  }
0x63: {  	_ =	shalt  }
0x64: {  	_ =	shalt  }
0x65: {  	_ =	shalt  }
0x66: {  	_ =	shalt  }
0x67: {  	_ =	shalt  }
0x68: {  	_ =	shalt  }
0x69: {  	_ =	shalt  }
0x6a: {  	_ =	shalt  }
0x6b: {  	_ =	shalt  }
0x6c: {  	_ =	shalt  }
0x6d: {  	_ =	shalt  }
0x6e: {  	_ =	shalt  }
0x6f: {  	_ =	shalt  }
0x70: {  	_ =	shalt  }
0x71: {  	_ =	shalt  }
0x72: {  	_ =	shalt  }
0x73: {  	_ =	shalt  }
0x74: {  	_ =	shalt  }
0x75: {  	_ =	shalt  }
0x76: {  	_ =	shalt  }
0x77: {  	_ =	shalt  }
0x78: {  	_ =	shalt  }
0x79: {  	_ =	shalt  }
0x7a: {  	_ =	shalt  }
0x7b: {  	_ =	shalt  }
0x7c: {  	_ =	shalt  }
0x7d: {  	_ =	shalt  }
0x7e: {  	_ =	shalt  }
0x7f: {  	_ =	shalt  }
0x80: {  	_ =	shalt  }
0x81: {  	_ =	shalt  }
0x82: {  	_ =	shalt  }
0x83: {  	_ =	shalt  }
0x84: {  	_ =	shalt  }
0x85: {  	_ =	shalt  }
0x86: {  	_ =	shalt  }
0x87: {  	_ =	shalt  }
.Lfunc_end0:
.L_simem_size_0:
called_computation.3_lowered:
.L_overlay_start_0:
0x88: {  	s2 =	sld [smem:$0x3FD9]  }
0x89: {  	s3 =	sld [smem:$0x3FFE];
	_ =	sdelay $0x1  }
0x8a: {  	s1 =	srdreg.scid  }
0x8b: {  	s0 =	sand.u32 $0x1, s1  }
0x8c: {  	s17 =	sshll.u32 s0, $0xA;
	s2 =	sadd.s32 s3, s2  }
0x8d: {  	s2 =	sadd.s32 s2, s17  }
0x8e: {  	[smem:$0x3FC3] =	sst s2  }
0x8f: {  	_ = 	snop  }
0x90: {  	s18 =	sld [smem:$0x3FC8];
	(tm) =	ssettm $0x1  }
0x91: {  	s19 =	sld [smem:$0x3FFB];
	_ =	sdelay $0x3  }
0x92: {  	_ =	strace s19  }
0x93: {  	s2 =	sld [smem:$0x3FFC];
	_ =	sdelay $0x3  }
0x94: {  	_ =	strace s2  }
0x95: {  	s2 =	sld [smem:$0x3FFD];
	_ =	sdelay $0x3  }
0x96: {  	_ =	strace s2  }
0x97: {  	_ =	strace $0x8FFFFFFF  }
0x98: {  	s20 =	sld [smem:$0x3FDB];
	_ =	sdelay $0x1  }
0x99: {  	s4 =	simm.s32 $_scs_section_size  }
0x9a: {  	s5 =	simm.s32 $_size__tile_overlayer_lowered;
	s6 =	simm.s32 $_tile_overlayer_lowered  }
0x9b: {  	s7 =	simm.s32 $0x1BFF;
	s21 =	sshll.u32 s6, $0x1;
	s4 =	sadd.s32 s4, s20  }
0x9c: {  	s22 =	simm.s32 $0x0;
	s5 =	sshll.u32 s5, $0x1;
	s6 =	sadd.s32 s21, s4  }
0x9d: {  	[timem:s22], [sflag:s7] =	dma.local [hbm:s6], s5  }
0x9e: {  	_ =	swait.ge [sflag:s7], s5  }
0x9f: {  	s5 =	ssub.s32 $0x0, s5;
	[sflag:s7] =	ssyncset.done $0x0  }
0xa0: {  	[sflag:s7] =	ssyncadd.s32 s5;
	_ =	sdelay $0x1  }
0xa1: {  	s23 =	simm.s32 $0x1B8B  }
0xa2: {  	_ =	swait.ge [sflag:s23], $0x1  }
0xa3: {  	[sflag:s23] =	ssyncset.done $0x0  }
0xa4: {  	[sflag:s23] =	ssyncadd.s32 $0xFFFFFFFF  }
0xa5: {  	s5 =	sld [smem:$0x0]  }
0xa6: {  	s6 =	sand.u32 $0xFFFFFFFE, s1  }
0xa7: {  	p0 =	sne.s32 s1, s6  }
0xa8: {  	s6 =	sshll.u32 @p0 s6, $0xE  }
0xa9: {  	s6 =	sadd.s32 @p0 $0x11B8D, s6;
	s7 =	sshll.u32 @p0 s5, $0x11  }
0xaa: {  	s6 =	sor.u32 @p0 s7, s6  }
0xab: {  	[sflag:s6] =	ssyncadd.remote.s32 @p0 $0x1;
	_ =	sdelay $0x1  }
0xac: {  	s6 =	simm.s32 @p0 $0x1B8D  }
0xad: {  	_ =	swait.eq @p0 [sflag:s6], $0x1  }
0xae: {  	[sflag:s6] =	ssyncadd.s32 @p0 $0xFFFFFFFF  }
0xaf: {  	s7 =	sshll.u32 @!p0 s1, $0xE  }
0xb0: {  	s7 =	sor.u32 @!p0 $0x4000, s7;
	s6 =	simm.s32 @!p0 $0x1B8D  }
0xb1: {  	s5 =	sshll.u32 @!p0 s5, $0x11;
	s7 =	sadd.s32 @!p0 $0x11B8D, s7;
	_ =	swait.eq @!p0 [sflag:s6], $0x1  }
0xb2: {  	s5 =	sor.u32 @!p0 s5, s7;
	[sflag:s6] =	ssyncadd.s32 @!p0 $0xFFFFFFFF  }
0xb3: {  	s25 =	simm.s32 $0x1B8E;
	s24 =	sld [smem:$0x3FFE];
	[sflag:s5] =	ssyncadd.remote.s32 @!p0 $0x1  }
0xb4: {  	s26 =	simm.s32 $execute0_lowered;
	[smem:$0x3FD2] =	sst s25  }
0xb5: {  	s6 =	sshll.u32 s26, $0x1;
	_ =	strace $0x8000004F;
	[dreg:$0x1] =	wrdreg $0xFFFFFFFF  }
0xb6: {  	s28 =	simm.s32 $_size_execute0_lowered;
	s4 =	sadd.s32 s4, s6;
	[dreg:$0x0] =	wrdreg $0x0  }
0xb7: {  	s6 =	sshll.u32 s28, $0x1;
	[dreg:$0x2] =	wrdreg s4  }
0xb8: {  	[dreg:$0x3] =	wrdreg s6  }
0xb9: {  	[dreg:$0x4] =	wrdreg $0xC0  }
0xba: {  	_ =	task [dreg:s22], $0x5FFFF  }
0xbb: {  	[dreg:$0x1] =	wrdreg $0xFFFFFFFF  }
0xbc: {  	[dreg:$0x0] =	wrdreg $0x60  }
0xbd: {  	[dreg:$0x2] =	wrdreg s18  }
0xbe: {  	[dreg:$0x3] =	wrdreg s24  }
0xbf: {  	[dreg:$0x4] =	wrdreg $0xC  }
0xc0: {  	_ =	task.clear_ibuf [dreg:s22], $0x5FFFF;
	_ =	strace $0x9000004F  }
0xc1: {  	s29 =	simm.s32 $0xC;
	_ =	strace $0x80000051  }
0xc2: {  	_ =	swait.ge [sflag:s29], $0x1  }
0xc3: {  	[sflag:s29] =	ssyncadd.s32 $0xFFFFFFFF  }
0xc4: {  	_ =	strace $0x90000051  }
0xc5: {  	_ =	sfence  }
0xc6: {  	s30 =	sld [smem:$0x0];
	_ =	sdelay $0x2  }
0xc7: {  	s31 =	sshll.u32 s1, $0xD;
	s1 =	sshrl.u32 s1, $0x2  }
0xc8: {  	s4 =	sand.u32 $0x4000, s31;
	s1 =	sadd.s32 s1, s30  }
0xc9: {  	s0 =	sor.u32 s4, s0;
	s1 =	sshll.u32 s1, $0x11  }
0xca: {  	s0 =	sor.u32 s1, s0  }
0xcb: {  	s0 =	sadd.s32 $0x8F2B, s0  }
0xcc: {  	[sflag:s0] =	ssyncadd.remote.s32 $0x1  }
0xcd: {  	_ =	sfence.sel $0xFFFF  }
0xce: {  	[dreg:$0x0] =	wrdreg $0xFFFFFFFF;
	(pc) =	sbr.abs _section_cstart, $3  }
0xcf: {  	[dreg:$0x1] =	wrdreg $0xFFFFFFFF  }
0xd0: {  	_ =	task.clear_ibuf [dreg:s22], $0x2FFFF;
	_ =	strace $0x9FFFFFFF  }
0xd1: {  	(tm) =	ssettm $0x7FFFFFFF  }
tec
execute0_lowered:
.L_overlay_start_1:
0x0: {  	(tag) =	ssettag $0x1  }
0x1: {  	s1 =	rddreg [dreg:$0x0];
	s0 =	srdreg.scid  }
0x2: {  	s14 =	rddreg [dreg:$0x1];
	s23 =	sand.u32 $0x1, s0  }
0x3: {  	s2 =	stileid.u32;
	s3 =	simm.s32 $0x0;
	s4 =	sshll.u32 s23, $0x6  }
0x4: {  	s0 =	rddreg [dreg:$0x2];
	s5 =	sshll.u32 s2, $0x7;
	s4 =	sadd.s32 s4, s14  }
0x5: {  	[smem:$0x7FF] =	sst s3;
	s4 =	sadd.s32 s5, s4  }
0x6: {  	_ =	strace $0x80000050;
	s5 =	simm.s32 $0x9;
	s4 =	sadd.s32 $0x3600, s4  }
0x7: {  	[tilespmem:s3], [sflag:$0x9] =	stream.linear.gather [hbm4b:s4+s3], $0x200, $0x38;
	[tilespmem:$0x10200] =	vst v63  }
0x8: {  	_ =	swait.ge [sflag:s5], $0x200  }
0x9: {  	[sflag:s5] =	ssyncset.done $0x0  }
0xa: {  	s6 =	simm.s32 $0x80;
	s7 =	simm.s32 $0x200;
	[sflag:s5] =	ssyncadd.s32 $0xFFFFFE00  }
0xb: {  	[tilespmem:s7], [sflag:$0x1] =	stream.indirect.gather [hbm4b:s1+s6], $0x80, s3, s6, $0xb8;
	[tilespmem:$0x10200] =	vst v63  }
0xc: {  	s8 =	simm.s32 $0x4200;
	s9 =	simm.s32 $0x100  }
0xd: {  	[tilespmem:s8], [sflag:$0x2] =	stream.indirect.gather [hbm4b:s1+s6], $0x80, s6, s6, $0xb8;
	[tilespmem:$0x10200] =	vst v63  }
0xe: {  	s10 =	simm.s32 $0x8200;
	s11 =	simm.s32 $0x180;
	s12 =	simm.s32 $0xC200  }
0xf: {  	[tilespmem:s10], [sflag:$0x3] =	stream.indirect.gather [hbm4b:s1+s6], $0x80, s9, s6, $0xb8;
	[tilespmem:$0x10200] =	vst v63  }
0x10: {  	s13 =	simm.s32 $0x1;
	s15 =	sshll.u32 s2, $0xE;
	s16 =	sshll.u32 s23, $0xD  }
0x11: {  	[tilespmem:s12], [sflag:$0x4] =	stream.indirect.gather [hbm4b:s1+s6], $0x80, s11, s6, $0xb8;
	[tilespmem:$0x10200] =	vst v63  }
0x12: {  	s15 =	sor.u32 s16, s15;
	_ =	swait.ge [sflag:s13], $0x4000  }
0x13: {  	s20 =	sadd.s32 s15, s14;
	[sflag:s13] =	ssyncset.done $0x0  }
0x14: {  	s15 =	simm.s32 $0x2;
	s14 =	sadd.s32 $0x83E00, s20;
	[sflag:s13] =	ssyncadd.s32 $0xFFFFC000  }
0x15: {  	[hbm4b:s14+s3] =	stream.linear.scatter [tilespmem:s7], [sflag:$0x5], $0x4000, $0x38;
	[tilespmem:$0x10200] =	vst v63  }
0x16: {  	_ =	swait.ge [sflag:s15], $0x4000  }
0x17: {  	[sflag:s15] =	ssyncset.done $0x0  }
0x18: {  	s17 =	simm.s32 $0x3;
	s16 =	sadd.s32 $0x84600, s20;
	[sflag:s15] =	ssyncadd.s32 $0xFFFFC000  }
0x19: {  	[hbm4b:s16+s3] =	stream.linear.scatter [tilespmem:s8], [sflag:$0x6], $0x4000, $0x38;
	[tilespmem:$0x10200] =	vst v63  }
0x1a: {  	_ =	swait.ge [sflag:s17], $0x4000  }
0x1b: {  	[sflag:s17] =	ssyncset.done $0x0  }
0x1c: {  	s19 =	simm.s32 $0x4;
	s18 =	sadd.s32 $0x84E00, s20;
	[sflag:s17] =	ssyncadd.s32 $0xFFFFC000  }
0x1d: {  	[hbm4b:s18+s3] =	stream.linear.scatter [tilespmem:s10], [sflag:$0x7], $0x4000, $0x38;
	[tilespmem:$0x10200] =	vst v63  }
0x1e: {  	_ =	swait.ge [sflag:s19], $0x4000  }
0x1f: {  	[sflag:s19] =	ssyncset.done $0x0  }
0x20: {  	s21 =	simm.s32 $0x5;
	s20 =	sadd.s32 $0x85600, s20;
	[sflag:s19] =	ssyncadd.s32 $0xFFFFC000  }
0x21: {  	[hbm4b:s20+s3] =	stream.linear.scatter [tilespmem:s12], [sflag:$0x8], $0x4000, $0x38;
	[tilespmem:$0x10200] =	vst v63  }
0x22: {  	_ =	swait.ge [sflag:s21], $0x4000  }
0x23: {  	s24 =	ssub.s32 $0x2, s23;
	[sflag:s21] =	ssyncset.done $0x0  }
0x24: {  	s22 =	simm.s32 $0x6;
	s25 =	sshrl.u32 s24, $0x1;
	[sflag:s21] =	ssyncadd.s32 $0xFFFFC000  }
0x25: {  	s24 =	ssub.s32 s24, s25;
	_ =	swait.ge [sflag:s22], $0x4000  }
0x26: {  	s25 =	smax.u32 s24, $0x1;
	[sflag:s22] =	ssyncset.done $0x0  }
0x27: {  	s23 =	simm.s32 $0x7;
	p0 =	sne.s32 s25, $0x1;
	[sflag:s22] =	ssyncadd.s32 $0xFFFFC000  }
.Ltmp0:
0x28: {  	_ =	swait.ge [sflag:s23], $0x4000;
	(pc) =	sbr.rel @!p0 .LBB2_2-.Ltmp0, $4  }
0x29: {  	[sflag:s23] =	ssyncset.done $0x0  }
0x2a: {  	s24 =	simm.s32 $0x8;
	[sflag:s23] =	ssyncadd.s32 $0xFFFFC000  }
0x2b: {  	_ =	swait.ge [sflag:s24], $0x4000  }
0x2c: {  	s25 =	sadd.s32 $0xFFFFFFFF, s25;
	[sflag:s24] =	ssyncset.done $0x0  }
.LBB2_1:
0x2d: {  	p0 =	sne.s32 s25, $0x1;
	s25 =	sadd.s32 $0xFFFFFFFF, s25;
	[sflag:s24] =	ssyncadd.s32 $0xFFFFC000  }
0x2e: {  	[tilespmem:s3], [sflag:$0x9] =	stream.linear.gather [hbm4b:s4+s3], $0x200, $0x38;
	[tilespmem:$0x10200] =	vst v63  }
0x2f: {  	_ =	swait.ge [sflag:s5], $0x200  }
0x30: {  	[sflag:s5] =	ssyncset.done $0x0  }
0x31: {  	[sflag:s5] =	ssyncadd.s32 $0xFFFFFE00  }
0x32: {  	[tilespmem:s7], [sflag:$0x1] =	stream.indirect.gather [hbm4b:s1+s6], $0x80, s3, s6, $0xb8;
	[tilespmem:$0x10200] =	vst v63  }
0x33: {  	_ = 	snop  }
0x34: {  	[tilespmem:s8], [sflag:$0x2] =	stream.indirect.gather [hbm4b:s1+s6], $0x80, s6, s6, $0xb8;
	[tilespmem:$0x10200] =	vst v63  }
0x35: {  	_ = 	snop  }
0x36: {  	[tilespmem:s10], [sflag:$0x3] =	stream.indirect.gather [hbm4b:s1+s6], $0x80, s9, s6, $0xb8;
	[tilespmem:$0x10200] =	vst v63  }
0x37: {  	_ = 	snop  }
0x38: {  	[tilespmem:s12], [sflag:$0x4] =	stream.indirect.gather [hbm4b:s1+s6], $0x80, s11, s6, $0xb8;
	[tilespmem:$0x10200] =	vst v63  }
0x39: {  	_ =	swait.ge [sflag:s13], $0x4000  }
0x3a: {  	[sflag:s13] =	ssyncset.done $0x0  }
0x3b: {  	[sflag:s13] =	ssyncadd.s32 $0xFFFFC000  }
0x3c: {  	[hbm4b:s14+s3] =	stream.linear.scatter [tilespmem:s7], [sflag:$0x5], $0x4000, $0x38;
	[tilespmem:$0x10200] =	vst v63  }
0x3d: {  	_ =	swait.ge [sflag:s15], $0x4000  }
0x3e: {  	[sflag:s15] =	ssyncset.done $0x0  }
0x3f: {  	[sflag:s15] =	ssyncadd.s32 $0xFFFFC000  }
0x40: {  	[hbm4b:s16+s3] =	stream.linear.scatter [tilespmem:s8], [sflag:$0x6], $0x4000, $0x38;
	[tilespmem:$0x10200] =	vst v63  }
0x41: {  	_ =	swait.ge [sflag:s17], $0x4000  }
0x42: {  	[sflag:s17] =	ssyncset.done $0x0  }
0x43: {  	[sflag:s17] =	ssyncadd.s32 $0xFFFFC000  }
0x44: {  	[hbm4b:s18+s3] =	stream.linear.scatter [tilespmem:s10], [sflag:$0x7], $0x4000, $0x38;
	[tilespmem:$0x10200] =	vst v63  }
0x45: {  	_ =	swait.ge [sflag:s19], $0x4000  }
0x46: {  	[sflag:s19] =	ssyncset.done $0x0  }
0x47: {  	[sflag:s19] =	ssyncadd.s32 $0xFFFFC000  }
0x48: {  	[hbm4b:s20+s3] =	stream.linear.scatter [tilespmem:s12], [sflag:$0x8], $0x4000, $0x38;
	[tilespmem:$0x10200] =	vst v63  }
0x49: {  	_ =	swait.ge [sflag:s21], $0x4000  }
0x4a: {  	[sflag:s21] =	ssyncset.done $0x0  }
0x4b: {  	[sflag:s21] =	ssyncadd.s32 $0xFFFFC000  }
0x4c: {  	_ =	swait.ge [sflag:s22], $0x4000  }
0x4d: {  	[sflag:s22] =	ssyncset.done $0x0  }
0x4e: {  	[sflag:s22] =	ssyncadd.s32 $0xFFFFC000  }
.Ltmp1:
0x4f: {  	_ =	swait.ge [sflag:s23], $0x4000;
	(pc) =	sbr.rel @p0 .LBB2_1-.Ltmp1, $4  }
0x50: {  	[sflag:s23] =	ssyncset.done $0x0  }
0x51: {  	[sflag:s23] =	ssyncadd.s32 $0xFFFFC000  }
0x52: {  	_ =	swait.ge [sflag:s24], $0x4000  }
0x53: {  	[sflag:s24] =	ssyncset.done $0x0  }
.LBB2_2:
0x54: {  	[sflag:s24] =	ssyncadd.s32 $0xFFFFC000  }
0x55: {  	_ =	sfence.sel $0x180000  }
0x56: {  	[bflag:$0x0] =	sbarrier.arrive $0xFFFF  }
0x57: {  	p0 =	sne.s32 s2, $0x0;
	_ =	strace $0x90000050  }
0x58: {  	s0 =	sadd.s32 @!p0 $0x100000, s0;
	[bflag:$0x2] =	sbarrier.arrive $0xFFFF  }
0x59: {  	[sflag:s0] =	ssyncadd.tile.s32 @!p0 $0x1;
	_ =	shalt  }
.Lfunc_end2:
_tile_overlayer_lowered:
.L_overlay_start_2:
0x5a: {  	(tag) =	ssettag $0x2  }
0x5b: {  	s0 =	rddreg [dreg:$0x0];
	s2 =	stileid.u32  }
0x5c: {  	s1 =	rddreg [dreg:$0x1];
	p0 =	sne.s32 s2, $0x0  }
0x5d: {  	s3 =	rddreg [dreg:$0x2];
	[bflag:$0x3] =	sbarrier.arrive $0xFFFF;
	s2 =	simm.s32 @!p0 $0x1C09  }
0x5e: {  	[timem:s3], [sflag:s2] =	dma.local @!p0 [hbm:s0], s1  }
0x5f: {  	s0 =	simm.s32 @!p0 $0x9  }
0x60: {  	_ =	swait.ge @!p0 [sflag:s0], s1  }
0x61: {  	s1 =	ssub.s32 @!p0 $0x0, s1;
	[sflag:s0] =	ssyncset.done @!p0 $0x0  }
0x62: {  	[sflag:s0] =	ssyncadd.s32 @!p0 s1  }
0x63: {  	[bflag:$0x3] =	sbarrier.arrive $0xFFFF  }
0x64: {  	_ =	shalt  }

</sc_bundles>
